<compile_context>
chip_gen: v7x
topology: tpu7x:2x2x1
jax: 0.10.2.dev20260603
libtpu: 0.0.44.dev20260713+nightly
codegen_flags: <defaults>
</compile_context>

<pallas_src>
import functools

import jax
import jax.numpy as jnp
from jax import lax
from jax.experimental import pallas as pl
from jax.experimental.pallas import tpu as pltpu
from jax.experimental.pallas import tpu_sc as plsc

N = 10000
E = 320000
D = 128
H = 32

NC = 2
NS = 16
CH = 128
EPT = E // NS
DUMP = 2 * N
TBL_R = 20224
ZCH = TBL_R // NS
AR = 10112
AZ = AR // NS
CPS = 624
CPW = 640
DW = 8
VC = 160
NG = VC // 4

_f32 = jnp.float32

def _mesh():
    return plsc.VectorSubcoreMesh(
        core_axis_name="c", subcore_axis_name="s", num_cores=NC, num_subcores=NS)


@functools.lru_cache(maxsize=None)
def _build_sc_degrees():
  @functools.partial(
      pl.kernel,
      out_type=[jax.ShapeDtypeStruct((2 * N, DW), _f32),
                jax.ShapeDtypeStruct((2 * N, DW), _f32)],
      mesh=_mesh(),
      scratch_types=[
          pltpu.VMEM((VC, CH), jnp.int32),
          pltpu.VMEM((VC, CH), jnp.int32),
          pltpu.VMEM((CH, DW), _f32),
          pltpu.VMEM_SHARED((TBL_R, DW), _f32),
          pltpu.VMEM_SHARED((AR, DW), _f32),
      ] + [pltpu.SemaphoreType.DMA] * 2,
      compiler_params=pltpu.CompilerParams(use_tc_tiling_on_sc=False),
  )
  def deg(src_hbm, dst_hbm, ones_hbm, zeros_hbm, od_hbm, id_hbm,
          sidx, didx, ones_v, od_sh, id_sh, *sems):
    osem = sems
    c = lax.axis_index("c")
    s = lax.axis_index("s")
    w = c * NS + s
    pltpu.sync_copy(zeros_hbm.at[pl.ds(s * ZCH, ZCH)], od_sh.at[pl.ds(s * ZCH, ZCH)])
    pltpu.sync_copy(zeros_hbm.at[pl.ds(s * AZ, AZ)], id_sh.at[pl.ds(s * AZ, AZ)])
    pltpu.sync_copy(ones_hbm, ones_v)
    pltpu.sync_copy(src_hbm.at[w], sidx)
    pltpu.sync_copy(dst_hbm.at[w], didx)
    plsc.subcore_barrier()

    def body(q, carry):
      d1 = pltpu.async_copy(ones_v, od_sh.at[sidx.at[q]], osem[0], add=True)
      d2 = pltpu.async_copy(ones_v, id_sh.at[didx.at[q]], osem[1], add=True)
      d1.wait()
      d2.wait()
      return carry

    lax.fori_loop(0, VC, body, 0)
    plsc.subcore_barrier()
    base = c * N + s * CPS
    pltpu.sync_copy(od_sh.at[pl.ds(base, CPW)], od_hbm.at[pl.ds(base, CPW)])
    pltpu.sync_copy(id_sh.at[pl.ds(s * CPS, CPW)], id_hbm.at[pl.ds(base, CPW)])

  return deg


def _sc_degrees(*args):
    return _build_sc_degrees()(*args)


@functools.lru_cache(maxsize=None)
def _build_sc_edge_agg():
  @functools.partial(
      pl.kernel,
      out_type=jax.ShapeDtypeStruct((2 * N, H), _f32),
      mesh=_mesh(),
      scratch_types=[
          pltpu.VMEM((VC, CH), jnp.int32),
          pltpu.VMEM((VC, CH), jnp.int32),
          pltpu.VMEM((CH, H), _f32),
          pltpu.VMEM((CH, H), _f32),
          pltpu.VMEM((CH, H), _f32),
          pltpu.VMEM((CH, H), _f32),
          pltpu.VMEM_SHARED((AR, H), _f32),
      ] + [pltpu.SemaphoreType.DMA] * 4,
      compiler_params=pltpu.CompilerParams(use_tc_tiling_on_sc=False),
  )
  def agg(src_hbm, dst_hbm, table_hbm, zeros_hbm, agg_hbm,
          sidx, didx, r0, r1, r2, r3, agg_sh, *gsem):
    rows = (r0, r1, r2, r3)
    c = lax.axis_index("c")
    s = lax.axis_index("s")
    w = c * NS + s
    pltpu.sync_copy(src_hbm.at[w], sidx)
    pltpu.sync_copy(dst_hbm.at[w], didx)
    pltpu.sync_copy(zeros_hbm.at[pl.ds(s * AZ, AZ)], agg_sh.at[pl.ds(s * AZ, AZ)])
    plsc.subcore_barrier()

    pltpu.async_copy(table_hbm.at[sidx.at[0]], rows[0], gsem[0])
    pltpu.async_copy(table_hbm.at[sidx.at[1]], rows[1], gsem[1])

    def grp(j4, carry):
      for b in range(4):
        q = 4 * j4 + b
        bp = (b + 2) % 4
        if b < 2:
          pltpu.async_copy(table_hbm.at[sidx.at[q + 2]], rows[bp], gsem[bp])
        else:
          @pl.when(j4 < NG - 1)
          def _(b=b, q=q, bp=bp):
            pltpu.async_copy(table_hbm.at[sidx.at[q + 2]], rows[bp], gsem[bp])

        pltpu.make_async_copy(table_hbm.at[sidx.at[q]], rows[b], gsem[b]).wait()
        pltpu.sync_copy(rows[b], agg_sh.at[didx.at[q]], add=True)
      return carry

    lax.fori_loop(0, NG, grp, 0)
    plsc.subcore_barrier()
    base = c * N + s * CPS
    pltpu.sync_copy(agg_sh.at[pl.ds(s * CPS, CPW)], agg_hbm.at[pl.ds(base, CPW)])

  return agg


def _sc_edge_agg(*args):
    return _build_sc_edge_agg()(*args)


B = 1000
GRID2 = 2 * N // B
TBL_P = 2 * N + NS

def _dot(a, b):
    return jnp.dot(a.astype(jnp.bfloat16), b.astype(jnp.bfloat16),
                   preferred_element_type=_f32)


def _tc1_body(x_ref, w1_ref, rw1_ref, rb1_ref, xw_ref, res_ref):
    x = x_ref[...]
    xw_ref[...] = _dot(x, w1_ref[0])
    res_ref[...] = jnp.maximum(_dot(x, rw1_ref[0]) + rb1_ref[0], 0.0)


def _tc1(x12, W1s, rW1s, rb1s):
    return pl.pallas_call(
        _tc1_body,
        grid=(GRID2,),
        in_specs=[
            pl.BlockSpec((B, D), lambda i: (i, 0)),
            pl.BlockSpec((1, D, H), lambda i: (i // 10, 0, 0)),
            pl.BlockSpec((1, D, H), lambda i: (i // 10, 0, 0)),
            pl.BlockSpec((1, 1, H), lambda i: (i // 10, 0, 0)),
        ],
        out_specs=[pl.BlockSpec((B, H), lambda i: (i, 0)),
                   pl.BlockSpec((B, H), lambda i: (i, 0))],
        out_shape=[jax.ShapeDtypeStruct((2 * N, H), _f32),
                   jax.ShapeDtypeStruct((2 * N, H), _f32)],
    )(x12, W1s, rW1s, rb1s)


def _tc1b_body(xw_ref, od_ref, tbl_ref):
    od = od_ref[..., 0:1]
    ns = jnp.where(od > 0.0, lax.rsqrt(od), 0.0)
    tbl_ref[...] = xw_ref[...] * ns


def _tc1b(xw, od):
    return pl.pallas_call(
        _tc1b_body,
        grid=(GRID2,),
        in_specs=[
            pl.BlockSpec((B, H), lambda i: (i, 0)),
            pl.BlockSpec((B, DW), lambda i: (i, 0)),
        ],
        out_specs=pl.BlockSpec((B, H), lambda i: (i, 0)),
        out_shape=jax.ShapeDtypeStruct((TBL_P, H), _f32),
    )(xw, od)


def _tc2_body(agg_ref, od_ref, id_ref, res_ref, b1_ref, g1_ref, bt1_ref,
              w2_ref, rw2_ref, rb2_ref, tbl2_ref, res2_ref):
    od = od_ref[..., 0:1]
    idg = id_ref[..., 0:1]
    ns = jnp.where(od > 0.0, lax.rsqrt(od), 0.0)
    nd = jnp.where(idg > 0.0, lax.rsqrt(idg), 0.0)
    h = jnp.maximum(agg_ref[...] * nd + b1_ref[0], 0.0)
    h1 = g1_ref[0] * (h + res_ref[...]) + bt1_ref[0]
    tbl2_ref[...] = _dot(h1, w2_ref[0]) * ns
    res2_ref[...] = jnp.maximum(_dot(h1, rw2_ref[0]) + rb2_ref[0], 0.0)


def _tc2(agg1, od, idg, res1, b1s, g1s, bt1s, W2s, rW2s, rb2s):
    wspec = lambda d2, d3: pl.BlockSpec((1, d2, d3), lambda i: (i // 10, 0, 0))
    return pl.pallas_call(
        _tc2_body,
        grid=(GRID2,),
        in_specs=[
            pl.BlockSpec((B, H), lambda i: (i, 0)),
            pl.BlockSpec((B, DW), lambda i: (i, 0)),
            pl.BlockSpec((B, DW), lambda i: (i, 0)),
            pl.BlockSpec((B, H), lambda i: (i, 0)),
            wspec(1, H), wspec(1, H), wspec(1, H),
            wspec(H, H), wspec(H, H), wspec(1, H),
        ],
        out_specs=[pl.BlockSpec((B, H), lambda i: (i, 0)),
                   pl.BlockSpec((B, H), lambda i: (i, 0))],
        out_shape=[jax.ShapeDtypeStruct((TBL_P, H), _f32),
                   jax.ShapeDtypeStruct((2 * N, H), _f32)],
    )(agg1, od, idg, res1, b1s, g1s, bt1s, W2s, rW2s, rb2s)


def _tc3_body(agg_ref, id_ref, res_ref, b2_ref, g2_ref, bt2_ref,
              aw_ref, ab_ref, ws_ref, mx_ref):
    idg = id_ref[..., 0:1]
    nd = jnp.where(idg > 0.0, lax.rsqrt(idg), 0.0)
    h = jnp.maximum(agg_ref[...] * nd + b2_ref[0], 0.0)
    h2 = g2_ref[0] * (h + res_ref[...]) + bt2_ref[0]
    wv = jax.nn.sigmoid(_dot(h2, aw_ref[0]) + ab_ref[0])
    psum = jnp.sum(wv * h2, axis=0, keepdims=True)
    pmax = jnp.max(h2, axis=0, keepdims=True)
    i = pl.program_id(0)
    mask = lax.broadcasted_iota(jnp.int32, (2, 1), 0) == (i // 10)

    @pl.when(i == 0)
    def _():
        ws_ref[...] = jnp.zeros((2, H), _f32)
        mx_ref[...] = jnp.full((2, H), -jnp.inf, _f32)

    ws_ref[...] += jnp.where(mask, psum, 0.0)
    mx_ref[...] = jnp.maximum(mx_ref[...], jnp.where(mask, pmax, -jnp.inf))


def _tc3(agg2, idg, res2, b2s, g2s, bt2s, aws, abs_):
    wspec = lambda d2, d3: pl.BlockSpec((1, d2, d3), lambda i: (i // 10, 0, 0))
    return pl.pallas_call(
        _tc3_body,
        grid=(GRID2,),
        in_specs=[
            pl.BlockSpec((B, H), lambda i: (i, 0)),
            pl.BlockSpec((B, DW), lambda i: (i, 0)),
            pl.BlockSpec((B, H), lambda i: (i, 0)),
            wspec(1, H), wspec(1, H), wspec(1, H),
            wspec(H, 1), wspec(1, 1),
        ],
        out_specs=[pl.BlockSpec((2, H), lambda i: (0, 0)),
                   pl.BlockSpec((2, H), lambda i: (0, 0))],
        out_shape=[jax.ShapeDtypeStruct((2, H), _f32),
                   jax.ShapeDtypeStruct((2, H), _f32)],
    )(agg2, idg, res2, b2s, g2s, bt2s, aws, abs_)


def _tc4_body(ws, mx,
              p1w1, p1b, p1g, p1bt, p1w2, p1b2,
              p2w1, p2b, p2g, p2bt, p2w2, p2b2,
              pw, pb, out_ref):
    gf1 = jnp.concatenate([ws[0:1], mx[0:1]], axis=1)
    z1 = jnp.maximum(_dot(gf1, p1w1[...]) + p1b[...], 0.0)
    z1 = p1g[...] * z1 + p1bt[...]
    t1 = _dot(z1, p1w2[...]) + p1b2[...]
    gf2 = jnp.concatenate([ws[1:2], mx[1:2]], axis=1)
    z2 = jnp.maximum(_dot(gf2, p2w1[...]) + p2b[...], 0.0)
    z2 = p2g[...] * z2 + p2bt[...]
    t2 = _dot(z2, p2w2[...]) + p2b2[...]
    flat = jnp.concatenate([t1, t2], axis=1)
    out_ref[...] = jnp.sum(flat * pw[...], axis=1, keepdims=True) + pb[...]


def _tc4(args):
    return pl.pallas_call(
        _tc4_body,
        out_shape=jax.ShapeDtypeStruct((1, 1), _f32),
    )(*args)


def kernel(x1, x2, edge_index1, edge_index2,
           n1_W1, n1_b1, n1_rW1, n1_rb1, n1_g1, n1_bt1,
           n1_W2, n1_b2, n1_rW2, n1_rb2, n1_g2, n1_bt2,
           n1_aw, n1_ab, n1_pW1, n1_pb1, n1_pg, n1_pbt, n1_pW2, n1_pb2,
           n2_W1, n2_b1, n2_rW1, n2_rb1, n2_g1, n2_bt1,
           n2_W2, n2_b2, n2_rW2, n2_rb2, n2_g2, n2_bt2,
           n2_aw, n2_ab, n2_pW1, n2_pb1, n2_pg, n2_pbt, n2_pW2, n2_pb2,
           predW, predb):
    srcs = jnp.concatenate([edge_index1[0], edge_index2[0] + N]).astype(jnp.int32)
    dsts = jnp.concatenate([edge_index1[1], edge_index2[1]]).astype(jnp.int32)
    tileid = (jnp.arange(2 * NS, dtype=jnp.int32) % NS)[:, None]
    spad = jnp.broadcast_to(DUMP + tileid, (2 * NS, VC * CH - EPT))
    dpad = jnp.broadcast_to(N + tileid, (2 * NS, VC * CH - EPT))
    src2d = jnp.concatenate([srcs.reshape(2 * NS, EPT), spad],
                            axis=1).reshape(2 * NS, VC, CH)
    dst2d = jnp.concatenate([dsts.reshape(2 * NS, EPT), dpad],
                            axis=1).reshape(2 * NS, VC, CH)
    ones8 = jnp.ones((CH, DW), _f32)
    zeros8 = jnp.zeros((TBL_R, DW), _f32)
    zeros32 = jnp.zeros((AR, H), _f32)

    st = lambda a, b: jnp.stack([a, b])
    rr = lambda a, b: jnp.stack([a.reshape(1, -1), b.reshape(1, -1)])

    od8, id8 = _sc_degrees(src2d, dst2d, ones8, zeros8)
    od = od8
    idg = id8

    x12 = jnp.concatenate([x1, x2])
    xw1, res1 = _tc1(x12, st(n1_W1, n2_W1), st(n1_rW1, n2_rW1),
                     rr(n1_rb1, n2_rb1))
    table1 = _tc1b(xw1, od)
    agg1 = _sc_edge_agg(src2d, dst2d, table1, zeros32)

    table2, res2 = _tc2(agg1, od, idg, res1, rr(n1_b1, n2_b1),
                        rr(n1_g1, n2_g1), rr(n1_bt1, n2_bt1),
                        st(n1_W2, n2_W2), st(n1_rW2, n2_rW2),
                        rr(n1_rb2, n2_rb2))
    agg2 = _sc_edge_agg(src2d, dst2d, table2, zeros32)

    ws, mx = _tc3(agg2, idg, res2, rr(n1_b2, n2_b2), rr(n1_g2, n2_g2),
                  rr(n1_bt2, n2_bt2), st(n1_aw, n2_aw),
                  st(n1_ab.reshape(1, 1), n2_ab.reshape(1, 1)))

    r = lambda v: v.reshape(1, -1)
    out = _tc4([
        ws, mx,
        n1_pW1, r(n1_pb1), r(n1_pg), r(n1_pbt), n1_pW2, r(n1_pb2),
        n2_pW1, r(n2_pb1), r(n2_pg), r(n2_pbt), n2_pW2, r(n2_pb2),
        predW.reshape(1, 12), predb.reshape(1, 1),
    ])
    return out

# --- scband reference (transcript-rebuilt; emitter-appended) ---
"""Pipeline reference for scband-predictor-24756191494583 (READ-ONLY COPY).

The authoritative reference and input builder live on the scoring server;
editing this copy changes nothing except your own understanding.
"""

import jax, jax.numpy as jnp
import numpy as np

N = 10000
E = 320000
D = 128
H = 32
PH = 32
T = 6


def _mk(key, shape, scale=0.1):
    return jax.random.normal(key, shape, dtype=jnp.float32) * scale


def setup_inputs(seed: int = 0) -> dict:
    key = jax.random.key(seed)
    ks = iter(jax.random.split(key, 80))
    inp = {}
    inp["x1"] = jax.random.normal(next(ks), (N, D), dtype=jnp.float32)
    inp["x2"] = jax.random.normal(next(ks), (N, D), dtype=jnp.float32)
    inp["edge_index1"] = jax.random.randint(next(ks), (2, E), 0, N, dtype=jnp.int32)
    inp["edge_index2"] = jax.random.randint(next(ks), (2, E), 0, N, dtype=jnp.int32)
    for p in ("n1", "n2"):
        inp[f"{p}_W1"] = _mk(next(ks), (D, H))
        inp[f"{p}_b1"] = _mk(next(ks), (H,), 0.01)
        inp[f"{p}_rW1"] = _mk(next(ks), (D, H))
        inp[f"{p}_rb1"] = _mk(next(ks), (H,), 0.01)
        inp[f"{p}_g1"] = jnp.ones((H,), jnp.float32)
        inp[f"{p}_bt1"] = jnp.zeros((H,), jnp.float32)
        inp[f"{p}_W2"] = _mk(next(ks), (H, H))
        inp[f"{p}_b2"] = _mk(next(ks), (H,), 0.01)
        inp[f"{p}_rW2"] = _mk(next(ks), (H, H))
        inp[f"{p}_rb2"] = _mk(next(ks), (H,), 0.01)
        inp[f"{p}_g2"] = jnp.ones((H,), jnp.float32)
        inp[f"{p}_bt2"] = jnp.zeros((H,), jnp.float32)
        inp[f"{p}_aw"] = _mk(next(ks), (H, 1))
        inp[f"{p}_ab"] = jnp.zeros((1,), jnp.float32)
        inp[f"{p}_pW1"] = _mk(next(ks), (2 * H, PH))
        inp[f"{p}_pb1"] = _mk(next(ks), (PH,), 0.01)
        inp[f"{p}_pg"] = jnp.ones((PH,), jnp.float32)
        inp[f"{p}_pbt"] = jnp.zeros((PH,), jnp.float32)
        inp[f"{p}_pW2"] = _mk(next(ks), (PH, T))
        inp[f"{p}_pb2"] = jnp.zeros((T,), jnp.float32)
    inp["predW"] = _mk(next(ks), (2 * T, 1))
    inp["predb"] = jnp.zeros((1,), jnp.float32)
    return inp


def _gcn_layer(x, src, dst, W, b, rW, rb, g, bt):
    n = x.shape[0]
    out_deg = jnp.bincount(src, length=n).astype(jnp.float32)
    in_deg = jnp.bincount(dst, length=n).astype(jnp.float32)
    ns = jnp.where(out_deg > 0, out_deg ** -0.5, 0.0)
    nd = jnp.where(in_deg > 0, in_deg ** -0.5, 0.0)
    xw = x @ W
    m = (xw * ns[:, None])[src]
    agg = jax.ops.segment_sum(m, dst, num_segments=n)
    h = agg * nd[:, None] + b
    h = jax.nn.relu(h)
    res = jax.nn.relu(x @ rW + rb)
    h = h + res
    return g * h + bt  # BatchNorm in eval mode (running_mean=0, running_var=1)


def _gcn_predictor(x, src, dst, P):
    h = _gcn_layer(x, src, dst, P["W1"], P["b1"], P["rW1"], P["rb1"], P["g1"], P["bt1"])
    h = _gcn_layer(h, src, dst, P["W2"], P["b2"], P["rW2"], P["rb2"], P["g2"], P["bt2"])
    # WeightedSumAndMax readout over the single graph
    w = jax.nn.sigmoid(h @ P["aw"] + P["ab"])
    gf = jnp.concatenate([jnp.sum(w * h, axis=0), jnp.max(h, axis=0)])
    z = jax.nn.relu(gf @ P["pW1"] + P["pb1"])
    z = P["pg"] * z + P["pbt"]
    return z @ P["pW2"] + P["pb2"]


def reference(x1, x2, edge_index1, edge_index2,
              n1_W1, n1_b1, n1_rW1, n1_rb1, n1_g1, n1_bt1,
              n1_W2, n1_b2, n1_rW2, n1_rb2, n1_g2, n1_bt2,
              n1_aw, n1_ab, n1_pW1, n1_pb1, n1_pg, n1_pbt, n1_pW2, n1_pb2,
              n2_W1, n2_b1, n2_rW1, n2_rb1, n2_g1, n2_bt1,
              n2_W2, n2_b2, n2_rW2, n2_rb2, n2_g2, n2_bt2,
              n2_aw, n2_ab, n2_pW1, n2_pb1, n2_pg, n2_pbt, n2_pW2, n2_pb2,
              predW, predb):
    inp = dict(locals())
    ei1 = inp["edge_index1"]
    ei2 = inp["edge_index2"]
    P1 = {k[3:]: v for k, v in inp.items() if k.startswith("n1_")}
    P2 = {k[3:]: v for k, v in inp.items() if k.startswith("n2_")}
    wt = _gcn_predictor(inp["x1"], ei1[0], ei1[1], P1)
    mut = _gcn_predictor(inp["x2"], ei2[0], ei2[1], P2)
    flat = jnp.concatenate([wt, mut])
    out = flat @ inp["predW"] + inp["predb"]
    return out.reshape(1, 1)

if __name__ == "__main__":
    import jax
    _d = setup_inputs()
    print(jax.jit(kernel)(*tuple(_d.values())))

</pallas_src>

<mosaic_0001>
#map = affine_map<(d0, d1) -> (0, 0, 0)>
#map1 = affine_map<(d0, d1) -> (0, 0)>
module attributes {stable_mosaic.version = 14 : i64} {
  func.func @agg(%arg0: i32, %arg1: i32, %arg2: memref<32x160x128xi32, #tpu.memory_space<hbm>>, %arg3: memref<32x160x128xi32, #tpu.memory_space<hbm>>, %arg4: memref<20016x32xf32, #tpu.memory_space<hbm>>, %arg5: memref<10112x32xf32, #tpu.memory_space<hbm>>, %arg6: memref<20000x32xf32, #tpu.memory_space<hbm>>, %arg7: memref<160x128xi32, #tpu.memory_space<vmem>>, %arg8: memref<160x128xi32, #tpu.memory_space<vmem>>, %arg9: memref<128x32xf32, #tpu.memory_space<vmem>>, %arg10: memref<128x32xf32, #tpu.memory_space<vmem>>, %arg11: memref<128x32xf32, #tpu.memory_space<vmem>>, %arg12: memref<128x32xf32, #tpu.memory_space<vmem>>, %arg13: memref<10112x32xf32, #tpu.memory_space<vmem_shared>>, %arg14: memref<!tpu.dma_semaphore, #tpu.memory_space<semaphore_mem>>, %arg15: memref<!tpu.dma_semaphore, #tpu.memory_space<semaphore_mem>>, %arg16: memref<!tpu.dma_semaphore, #tpu.memory_space<semaphore_mem>>, %arg17: memref<!tpu.dma_semaphore, #tpu.memory_space<semaphore_mem>>) attributes {dimension_semantics = [#tpu.dimension_semantics<core_parallel>, #tpu.dimension_semantics<subcore_parallel>], iteration_bounds = array<i64: 2, 16>, scalar_prefetch = 0 : i64, scratch_operands = 11 : i64, tpu.core_type = #tpu.core_type<sc_vector_subcore>, window_params = [{transform_indices = #map}, {transform_indices = #map}, {transform_indices = #map1}, {transform_indices = #map1}, {transform_indices = #map1}]} {
    %mul3A = arith.constant 16 : i32
    %mul3A_0 = arith.muli %arg0, %mul3A : i32
    %add3A = arith.addi %mul3A_0, %arg1 : i32
    "tpu.region"() ({
      %run_scoped3A = tpu.sem_alloc : memref<!tpu.dma_semaphore, #tpu.memory_space<semaphore_mem>>
      %dma_start3A_31 = arith.constant 0 : i32
      %dma_start3A_32 = arith.constant 0 : i32
      %dma_start3A_33 = tpu.memref_slice %arg2[%add3A, %dma_start3A_31, %dma_start3A_32] : memref<32x160x128xi32, #tpu.memory_space<hbm>> -> memref<1x160x128xi32, #tpu.memory_space<hbm>>
      %dma_start3A_34 = tpu.memref_squeeze %dma_start3A_33 : memref<1x160x128xi32, #tpu.memory_space<hbm>> -> memref<160x128xi32, #tpu.memory_space<hbm>>
      %dma_start3A_35 = arith.constant 0 : i32
      %dma_start3A_36 = arith.constant 0 : i32
      %dma_start3A_37 = tpu.memref_slice %arg2[%add3A, %dma_start3A_35, %dma_start3A_36] : memref<32x160x128xi32, #tpu.memory_space<hbm>> -> memref<1x160x128xi32, #tpu.memory_space<hbm>>
      %dma_start3A_38 = tpu.memref_squeeze %dma_start3A_37 : memref<1x160x128xi32, #tpu.memory_space<hbm>> -> memref<160x128xi32, #tpu.memory_space<hbm>>
      tpu.enqueue_dma source(%dma_start3A_38 : memref<160x128xi32, #tpu.memory_space<hbm>>) target(%arg7 : memref<160x128xi32, #tpu.memory_space<vmem>>) target_semaphore(%run_scoped3A : memref<!tpu.dma_semaphore, #tpu.memory_space<semaphore_mem>>)
      %dma_wait3A = arith.constant 0 : i32
      %dma_wait3A_39 = arith.constant 0 : i32
      %dma_wait3A_40 = tpu.memref_slice %arg2[%add3A, %dma_wait3A, %dma_wait3A_39] : memref<32x160x128xi32, #tpu.memory_space<hbm>> -> memref<1x160x128xi32, #tpu.memory_space<hbm>>
      %dma_wait3A_41 = tpu.memref_squeeze %dma_wait3A_40 : memref<1x160x128xi32, #tpu.memory_space<hbm>> -> memref<160x128xi32, #tpu.memory_space<hbm>>
      %dma_wait3A_42 = arith.constant 0 : i32
      %dma_wait3A_43 = arith.constant 0 : i32
      %dma_wait3A_44 = tpu.memref_slice %arg2[%add3A, %dma_wait3A_42, %dma_wait3A_43] : memref<32x160x128xi32, #tpu.memory_space<hbm>> -> memref<1x160x128xi32, #tpu.memory_space<hbm>>
      %dma_wait3A_45 = tpu.memref_squeeze %dma_wait3A_44 : memref<1x160x128xi32, #tpu.memory_space<hbm>> -> memref<160x128xi32, #tpu.memory_space<hbm>>
      tpu.wait_dma2 semaphore(%run_scoped3A : memref<!tpu.dma_semaphore, #tpu.memory_space<semaphore_mem>>) src(%dma_wait3A_45 : memref<160x128xi32, #tpu.memory_space<hbm>>) dst(%arg7 : memref<160x128xi32, #tpu.memory_space<vmem>>)
      tpu.yield
    }) : () -> ()
    "tpu.region"() ({
      %run_scoped3A = tpu.sem_alloc : memref<!tpu.dma_semaphore, #tpu.memory_space<semaphore_mem>>
      %dma_start3A_31 = arith.constant 0 : i32
      %dma_start3A_32 = arith.constant 0 : i32
      %dma_start3A_33 = tpu.memref_slice %arg3[%add3A, %dma_start3A_31, %dma_start3A_32] : memref<32x160x128xi32, #tpu.memory_space<hbm>> -> memref<1x160x128xi32, #tpu.memory_space<hbm>>
      %dma_start3A_34 = tpu.memref_squeeze %dma_start3A_33 : memref<1x160x128xi32, #tpu.memory_space<hbm>> -> memref<160x128xi32, #tpu.memory_space<hbm>>
      %dma_start3A_35 = arith.constant 0 : i32
      %dma_start3A_36 = arith.constant 0 : i32
      %dma_start3A_37 = tpu.memref_slice %arg3[%add3A, %dma_start3A_35, %dma_start3A_36] : memref<32x160x128xi32, #tpu.memory_space<hbm>> -> memref<1x160x128xi32, #tpu.memory_space<hbm>>
      %dma_start3A_38 = tpu.memref_squeeze %dma_start3A_37 : memref<1x160x128xi32, #tpu.memory_space<hbm>> -> memref<160x128xi32, #tpu.memory_space<hbm>>
      tpu.enqueue_dma source(%dma_start3A_38 : memref<160x128xi32, #tpu.memory_space<hbm>>) target(%arg8 : memref<160x128xi32, #tpu.memory_space<vmem>>) target_semaphore(%run_scoped3A : memref<!tpu.dma_semaphore, #tpu.memory_space<semaphore_mem>>)
      %dma_wait3A = arith.constant 0 : i32
      %dma_wait3A_39 = arith.constant 0 : i32
      %dma_wait3A_40 = tpu.memref_slice %arg3[%add3A, %dma_wait3A, %dma_wait3A_39] : memref<32x160x128xi32, #tpu.memory_space<hbm>> -> memref<1x160x128xi32, #tpu.memory_space<hbm>>
      %dma_wait3A_41 = tpu.memref_squeeze %dma_wait3A_40 : memref<1x160x128xi32, #tpu.memory_space<hbm>> -> memref<160x128xi32, #tpu.memory_space<hbm>>
      %dma_wait3A_42 = arith.constant 0 : i32
      %dma_wait3A_43 = arith.constant 0 : i32
      %dma_wait3A_44 = tpu.memref_slice %arg3[%add3A, %dma_wait3A_42, %dma_wait3A_43] : memref<32x160x128xi32, #tpu.memory_space<hbm>> -> memref<1x160x128xi32, #tpu.memory_space<hbm>>
      %dma_wait3A_45 = tpu.memref_squeeze %dma_wait3A_44 : memref<1x160x128xi32, #tpu.memory_space<hbm>> -> memref<160x128xi32, #tpu.memory_space<hbm>>
      tpu.wait_dma2 semaphore(%run_scoped3A : memref<!tpu.dma_semaphore, #tpu.memory_space<semaphore_mem>>) src(%dma_wait3A_45 : memref<160x128xi32, #tpu.memory_space<hbm>>) dst(%arg8 : memref<160x128xi32, #tpu.memory_space<vmem>>)
      tpu.yield
    }) : () -> ()
    %mul3A_1 = arith.constant 632 : i32
    %mul3A_2 = arith.muli %arg1, %mul3A_1 : i32
    %mul3A_3 = arith.constant 632 : i32
    %mul3A_4 = arith.muli %arg1, %mul3A_3 : i32
    "tpu.region"() ({
      %run_scoped3A = tpu.sem_alloc : memref<!tpu.dma_semaphore, #tpu.memory_space<semaphore_mem>>
      %dma_start3A_31 = arith.constant 0 : i32
      %dma_start3A_32 = tpu.memref_slice %arg13[%mul3A_4, %dma_start3A_31] : memref<10112x32xf32, #tpu.memory_space<vmem_shared>> -> memref<632x32xf32, #tpu.memory_space<vmem_shared>>
      %dma_start3A_33 = arith.constant 0 : i32
      %dma_start3A_34 = tpu.memref_slice %arg5[%mul3A_2, %dma_start3A_33] : memref<10112x32xf32, #tpu.memory_space<hbm>> -> memref<632x32xf32, #tpu.memory_space<hbm>>
      tpu.enqueue_dma source(%dma_start3A_34 : memref<632x32xf32, #tpu.memory_space<hbm>>) target(%dma_start3A_32 : memref<632x32xf32, #tpu.memory_space<vmem_shared>>) target_semaphore(%run_scoped3A : memref<!tpu.dma_semaphore, #tpu.memory_space<semaphore_mem>>)
      %dma_wait3A = arith.constant 0 : i32
      %dma_wait3A_35 = tpu.memref_slice %arg13[%mul3A_4, %dma_wait3A] : memref<10112x32xf32, #tpu.memory_space<vmem_shared>> -> memref<632x32xf32, #tpu.memory_space<vmem_shared>>
      %dma_wait3A_36 = arith.constant 0 : i32
      %dma_wait3A_37 = tpu.memref_slice %arg5[%mul3A_2, %dma_wait3A_36] : memref<10112x32xf32, #tpu.memory_space<hbm>> -> memref<632x32xf32, #tpu.memory_space<hbm>>
      tpu.wait_dma2 semaphore(%run_scoped3A : memref<!tpu.dma_semaphore, #tpu.memory_space<semaphore_mem>>) src(%dma_wait3A_37 : memref<632x32xf32, #tpu.memory_space<hbm>>) dst(%dma_wait3A_35 : memref<632x32xf32, #tpu.memory_space<vmem_shared>>)
      tpu.yield
    }) : () -> ()
    %barrier3A = arith.constant 0 : index
    tpu.barrier barrier_id(%barrier3A)
    %dma_start3A = arith.constant 0 : i32
    %dma_start3A_5 = arith.constant 0 : i32
    %dma_start3A_6 = tpu.memref_slice %arg7[%dma_start3A, %dma_start3A_5] : memref<160x128xi32, #tpu.memory_space<vmem>> -> memref<1x128xi32, #tpu.memory_space<vmem>>
    %dma_start3A_7 = tpu.memref_squeeze %dma_start3A_6 : memref<1x128xi32, #tpu.memory_space<vmem>> -> memref<128xi32, #tpu.memory_space<vmem>>
    %dma_start3A_8 = arith.constant 0 : i32
    %dma_start3A_9 = arith.constant 0 : i32
    %dma_start3A_10 = tpu.memref_slice %arg4[%dma_start3A_8, %dma_start3A_9] : memref<20016x32xf32, #tpu.memory_space<hbm>> -> memref<20016x32xf32, #tpu.memory_space<hbm>>
    tpu.enqueue_indirect_dma source(%dma_start3A_10 : memref<20016x32xf32, #tpu.memory_space<hbm>>) target(%arg9 : memref<128x32xf32, #tpu.memory_space<vmem>>) offsets(%dma_start3A_7 : memref<128xi32, #tpu.memory_space<vmem>>) semaphore(%arg14 : memref<!tpu.dma_semaphore, #tpu.memory_space<semaphore_mem>>)
    %dma_start3A_11 = arith.constant 1 : i32
    %dma_start3A_12 = arith.constant 0 : i32
    %dma_start3A_13 = tpu.memref_slice %arg7[%dma_start3A_11, %dma_start3A_12] : memref<160x128xi32, #tpu.memory_space<vmem>> -> memref<1x128xi32, #tpu.memory_space<vmem>>
    %dma_start3A_14 = tpu.memref_squeeze %dma_start3A_13 : memref<1x128xi32, #tpu.memory_space<vmem>> -> memref<128xi32, #tpu.memory_space<vmem>>
    %dma_start3A_15 = arith.constant 0 : i32
    %dma_start3A_16 = arith.constant 0 : i32
    %dma_start3A_17 = tpu.memref_slice %arg4[%dma_start3A_15, %dma_start3A_16] : memref<20016x32xf32, #tpu.memory_space<hbm>> -> memref<20016x32xf32, #tpu.memory_space<hbm>>
    tpu.enqueue_indirect_dma source(%dma_start3A_17 : memref<20016x32xf32, #tpu.memory_space<hbm>>) target(%arg10 : memref<128x32xf32, #tpu.memory_space<vmem>>) offsets(%dma_start3A_14 : memref<128xi32, #tpu.memory_space<vmem>>) semaphore(%arg15 : memref<!tpu.dma_semaphore, #tpu.memory_space<semaphore_mem>>)
    %scan3A = arith.constant 0 : i32
    %scan3A_18 = arith.constant 0 : i32
    %scan3A_19 = arith.constant 40 : i32
    %scan3A_20 = arith.addi %scan3A_18, %scan3A_19 : i32
    %scan3A_21 = arith.constant 1 : i32
    scf.for %scan3A_31 = %scan3A_18 to %scan3A_20 step %scan3A_21  : i32 {
      %mul3A_32 = arith.constant 4 : i32
      %mul3A_33 = arith.muli %mul3A_32, %scan3A_31 : i32
      %add3A_34 = arith.constant 0 : i32
      %add3A_35 = arith.addi %mul3A_33, %add3A_34 : i32
      %add3A_36 = arith.constant 2 : i32
      %add3A_37 = arith.addi %add3A_35, %add3A_36 : i32
      %dma_start3A_38 = arith.constant 0 : i32
      %dma_start3A_39 = tpu.memref_slice %arg7[%add3A_37, %dma_start3A_38] : memref<160x128xi32, #tpu.memory_space<vmem>> -> memref<1x128xi32, #tpu.memory_space<vmem>>
      %dma_start3A_40 = tpu.memref_squeeze %dma_start3A_39 : memref<1x128xi32, #tpu.memory_space<vmem>> -> memref<128xi32, #tpu.memory_space<vmem>>
      %dma_start3A_41 = arith.constant 0 : i32
      %dma_start3A_42 = arith.constant 0 : i32
      %dma_start3A_43 = tpu.memref_slice %arg4[%dma_start3A_41, %dma_start3A_42] : memref<20016x32xf32, #tpu.memory_space<hbm>> -> memref<20016x32xf32, #tpu.memory_space<hbm>>
      tpu.enqueue_indirect_dma source(%dma_start3A_43 : memref<20016x32xf32, #tpu.memory_space<hbm>>) target(%arg11 : memref<128x32xf32, #tpu.memory_space<vmem>>) offsets(%dma_start3A_40 : memref<128xi32, #tpu.memory_space<vmem>>) semaphore(%arg16 : memref<!tpu.dma_semaphore, #tpu.memory_space<semaphore_mem>>)
      %dma_wait3A = arith.constant 0 : i32
      %dma_wait3A_44 = tpu.memref_slice %arg7[%add3A_35, %dma_wait3A] : memref<160x128xi32, #tpu.memory_space<vmem>> -> memref<1x128xi32, #tpu.memory_space<vmem>>
      %dma_wait3A_45 = tpu.memref_squeeze %dma_wait3A_44 : memref<1x128xi32, #tpu.memory_space<vmem>> -> memref<128xi32, #tpu.memory_space<vmem>>
      %dma_wait3A_46 = arith.constant 0 : i32
      %dma_wait3A_47 = arith.constant 0 : i32
      %dma_wait3A_48 = tpu.memref_slice %arg4[%dma_wait3A_46, %dma_wait3A_47] : memref<20016x32xf32, #tpu.memory_space<hbm>> -> memref<20016x32xf32, #tpu.memory_space<hbm>>
      tpu.wait_indirect_dma semaphore(%arg14 : memref<!tpu.dma_semaphore, #tpu.memory_space<semaphore_mem>>) src(%dma_wait3A_48 : memref<20016x32xf32, #tpu.memory_space<hbm>>) dst(%arg9 : memref<128x32xf32, #tpu.memory_space<vmem>>)
      "tpu.region"() ({
        %run_scoped3A = tpu.sem_alloc : memref<!tpu.dma_semaphore, #tpu.memory_space<semaphore_mem>>
        %dma_start3A_94 = arith.constant 0 : i32
        %dma_start3A_95 = tpu.memref_slice %arg8[%add3A_35, %dma_start3A_94] : memref<160x128xi32, #tpu.memory_space<vmem>> -> memref<1x128xi32, #tpu.memory_space<vmem>>
        %dma_start3A_96 = tpu.memref_squeeze %dma_start3A_95 : memref<1x128xi32, #tpu.memory_space<vmem>> -> memref<128xi32, #tpu.memory_space<vmem>>
        %dma_start3A_97 = arith.constant 0 : i32
        %dma_start3A_98 = arith.constant 0 : i32
        %dma_start3A_99 = tpu.memref_slice %arg13[%dma_start3A_97, %dma_start3A_98] : memref<10112x32xf32, #tpu.memory_space<vmem_shared>> -> memref<10112x32xf32, #tpu.memory_space<vmem_shared>>
        tpu.enqueue_indirect_dma source(%arg9 : memref<128x32xf32, #tpu.memory_space<vmem>>) target(%dma_start3A_99 : memref<10112x32xf32, #tpu.memory_space<vmem_shared>>) offsets(%dma_start3A_96 : memref<128xi32, #tpu.memory_space<vmem>>) semaphore(%run_scoped3A : memref<!tpu.dma_semaphore, #tpu.memory_space<semaphore_mem>>) {add = true}
        %dma_wait3A_100 = arith.constant 0 : i32
        %dma_wait3A_101 = tpu.memref_slice %arg8[%add3A_35, %dma_wait3A_100] : memref<160x128xi32, #tpu.memory_space<vmem>> -> memref<1x128xi32, #tpu.memory_space<vmem>>
        %dma_wait3A_102 = tpu.memref_squeeze %dma_wait3A_101 : memref<1x128xi32, #tpu.memory_space<vmem>> -> memref<128xi32, #tpu.memory_space<vmem>>
        %dma_wait3A_103 = arith.constant 0 : i32
        %dma_wait3A_104 = arith.constant 0 : i32
        %dma_wait3A_105 = tpu.memref_slice %arg13[%dma_wait3A_103, %dma_wait3A_104] : memref<10112x32xf32, #tpu.memory_space<vmem_shared>> -> memref<10112x32xf32, #tpu.memory_space<vmem_shared>>
        tpu.wait_indirect_dma semaphore(%run_scoped3A : memref<!tpu.dma_semaphore, #tpu.memory_space<semaphore_mem>>) src(%arg9 : memref<128x32xf32, #tpu.memory_space<vmem>>) dst(%dma_wait3A_105 : memref<10112x32xf32, #tpu.memory_space<vmem_shared>>)
        tpu.yield
      }) : () -> ()
      %mul3A_49 = arith.constant 4 : i32
      %mul3A_50 = arith.muli %mul3A_49, %scan3A_31 : i32
      %add3A_51 = arith.constant 1 : i32
      %add3A_52 = arith.addi %mul3A_50, %add3A_51 : i32
      %add3A_53 = arith.constant 2 : i32
      %add3A_54 = arith.addi %add3A_52, %add3A_53 : i32
      %dma_start3A_55 = arith.constant 0 : i32
      %dma_start3A_56 = tpu.memref_slice %arg7[%add3A_54, %dma_start3A_55] : memref<160x128xi32, #tpu.memory_space<vmem>> -> memref<1x128xi32, #tpu.memory_space<vmem>>
      %dma_start3A_57 = tpu.memref_squeeze %dma_start3A_56 : memref<1x128xi32, #tpu.memory_space<vmem>> -> memref<128xi32, #tpu.memory_space<vmem>>
      %dma_start3A_58 = arith.constant 0 : i32
      %dma_start3A_59 = arith.constant 0 : i32
      %dma_start3A_60 = tpu.memref_slice %arg4[%dma_start3A_58, %dma_start3A_59] : memref<20016x32xf32, #tpu.memory_space<hbm>> -> memref<20016x32xf32, #tpu.memory_space<hbm>>
      tpu.enqueue_indirect_dma source(%dma_start3A_60 : memref<20016x32xf32, #tpu.memory_space<hbm>>) target(%arg12 : memref<128x32xf32, #tpu.memory_space<vmem>>) offsets(%dma_start3A_57 : memref<128xi32, #tpu.memory_space<vmem>>) semaphore(%arg17 : memref<!tpu.dma_semaphore, #tpu.memory_space<semaphore_mem>>)
      %dma_wait3A_61 = arith.constant 0 : i32
      %dma_wait3A_62 = tpu.memref_slice %arg7[%add3A_52, %dma_wait3A_61] : memref<160x128xi32, #tpu.memory_space<vmem>> -> memref<1x128xi32, #tpu.memory_space<vmem>>
      %dma_wait3A_63 = tpu.memref_squeeze %dma_wait3A_62 : memref<1x128xi32, #tpu.memory_space<vmem>> -> memref<128xi32, #tpu.memory_space<vmem>>
      %dma_wait3A_64 = arith.constant 0 : i32
      %dma_wait3A_65 = arith.constant 0 : i32
      %dma_wait3A_66 = tpu.memref_slice %arg4[%dma_wait3A_64, %dma_wait3A_65] : memref<20016x32xf32, #tpu.memory_space<hbm>> -> memref<20016x32xf32, #tpu.memory_space<hbm>>
      tpu.wait_indirect_dma semaphore(%arg15 : memref<!tpu.dma_semaphore, #tpu.memory_space<semaphore_mem>>) src(%dma_wait3A_66 : memref<20016x32xf32, #tpu.memory_space<hbm>>) dst(%arg10 : memref<128x32xf32, #tpu.memory_space<vmem>>)
      "tpu.region"() ({
        %run_scoped3A = tpu.sem_alloc : memref<!tpu.dma_semaphore, #tpu.memory_space<semaphore_mem>>
        %dma_start3A_94 = arith.constant 0 : i32
        %dma_start3A_95 = tpu.memref_slice %arg8[%add3A_52, %dma_start3A_94] : memref<160x128xi32, #tpu.memory_space<vmem>> -> memref<1x128xi32, #tpu.memory_space<vmem>>
        %dma_start3A_96 = tpu.memref_squeeze %dma_start3A_95 : memref<1x128xi32, #tpu.memory_space<vmem>> -> memref<128xi32, #tpu.memory_space<vmem>>
        %dma_start3A_97 = arith.constant 0 : i32
        %dma_start3A_98 = arith.constant 0 : i32
        %dma_start3A_99 = tpu.memref_slice %arg13[%dma_start3A_97, %dma_start3A_98] : memref<10112x32xf32, #tpu.memory_space<vmem_shared>> -> memref<10112x32xf32, #tpu.memory_space<vmem_shared>>
        tpu.enqueue_indirect_dma source(%arg10 : memref<128x32xf32, #tpu.memory_space<vmem>>) target(%dma_start3A_99 : memref<10112x32xf32, #tpu.memory_space<vmem_shared>>) offsets(%dma_start3A_96 : memref<128xi32, #tpu.memory_space<vmem>>) semaphore(%run_scoped3A : memref<!tpu.dma_semaphore, #tpu.memory_space<semaphore_mem>>) {add = true}
        %dma_wait3A_100 = arith.constant 0 : i32
        %dma_wait3A_101 = tpu.memref_slice %arg8[%add3A_52, %dma_wait3A_100] : memref<160x128xi32, #tpu.memory_space<vmem>> -> memref<1x128xi32, #tpu.memory_space<vmem>>
        %dma_wait3A_102 = tpu.memref_squeeze %dma_wait3A_101 : memref<1x128xi32, #tpu.memory_space<vmem>> -> memref<128xi32, #tpu.memory_space<vmem>>
        %dma_wait3A_103 = arith.constant 0 : i32
        %dma_wait3A_104 = arith.constant 0 : i32
        %dma_wait3A_105 = tpu.memref_slice %arg13[%dma_wait3A_103, %dma_wait3A_104] : memref<10112x32xf32, #tpu.memory_space<vmem_shared>> -> memref<10112x32xf32, #tpu.memory_space<vmem_shared>>
        tpu.wait_indirect_dma semaphore(%run_scoped3A : memref<!tpu.dma_semaphore, #tpu.memory_space<semaphore_mem>>) src(%arg10 : memref<128x32xf32, #tpu.memory_space<vmem>>) dst(%dma_wait3A_105 : memref<10112x32xf32, #tpu.memory_space<vmem_shared>>)
        tpu.yield
      }) : () -> ()
      %mul3A_67 = arith.constant 4 : i32
      %mul3A_68 = arith.muli %mul3A_67, %scan3A_31 : i32
      %add3A_69 = arith.constant 2 : i32
      %add3A_70 = arith.addi %mul3A_68, %add3A_69 : i32
      %lt3A = arith.constant 39 : i32
      %lt3A_71 = arith.cmpi slt, %scan3A_31, %lt3A : i32
      %convert_element_type3A = arith.extui %lt3A_71 : i1 to i32
      %cond3A = arith.constant 0 : i32
      %cond3A_72 = arith.cmpi ne, %convert_element_type3A, %cond3A : i32
      scf.if %cond3A_72 {
        %add3A_94 = arith.constant 2 : i32
        %add3A_95 = arith.addi %add3A_70, %add3A_94 : i32
        %dma_start3A_96 = arith.constant 0 : i32
        %dma_start3A_97 = tpu.memref_slice %arg7[%add3A_95, %dma_start3A_96] : memref<160x128xi32, #tpu.memory_space<vmem>> -> memref<1x128xi32, #tpu.memory_space<vmem>>
        %dma_start3A_98 = tpu.memref_squeeze %dma_start3A_97 : memref<1x128xi32, #tpu.memory_space<vmem>> -> memref<128xi32, #tpu.memory_space<vmem>>
        %dma_start3A_99 = arith.constant 0 : i32
        %dma_start3A_100 = arith.constant 0 : i32
        %dma_start3A_101 = tpu.memref_slice %arg4[%dma_start3A_99, %dma_start3A_100] : memref<20016x32xf32, #tpu.memory_space<hbm>> -> memref<20016x32xf32, #tpu.memory_space<hbm>>
        tpu.enqueue_indirect_dma source(%dma_start3A_101 : memref<20016x32xf32, #tpu.memory_space<hbm>>) target(%arg9 : memref<128x32xf32, #tpu.memory_space<vmem>>) offsets(%dma_start3A_98 : memref<128xi32, #tpu.memory_space<vmem>>) semaphore(%arg14 : memref<!tpu.dma_semaphore, #tpu.memory_space<semaphore_mem>>)
      } else {
      }
      %dma_wait3A_73 = arith.constant 0 : i32
      %dma_wait3A_74 = tpu.memref_slice %arg7[%add3A_70, %dma_wait3A_73] : memref<160x128xi32, #tpu.memory_space<vmem>> -> memref<1x128xi32, #tpu.memory_space<vmem>>
      %dma_wait3A_75 = tpu.memref_squeeze %dma_wait3A_74 : memref<1x128xi32, #tpu.memory_space<vmem>> -> memref<128xi32, #tpu.memory_space<vmem>>
      %dma_wait3A_76 = arith.constant 0 : i32
      %dma_wait3A_77 = arith.constant 0 : i32
      %dma_wait3A_78 = tpu.memref_slice %arg4[%dma_wait3A_76, %dma_wait3A_77] : memref<20016x32xf32, #tpu.memory_space<hbm>> -> memref<20016x32xf32, #tpu.memory_space<hbm>>
      tpu.wait_indirect_dma semaphore(%arg16 : memref<!tpu.dma_semaphore, #tpu.memory_space<semaphore_mem>>) src(%dma_wait3A_78 : memref<20016x32xf32, #tpu.memory_space<hbm>>) dst(%arg11 : memref<128x32xf32, #tpu.memory_space<vmem>>)
      "tpu.region"() ({
        %run_scoped3A = tpu.sem_alloc : memref<!tpu.dma_semaphore, #tpu.memory_space<semaphore_mem>>
        %dma_start3A_94 = arith.constant 0 : i32
        %dma_start3A_95 = tpu.memref_slice %arg8[%add3A_70, %dma_start3A_94] : memref<160x128xi32, #tpu.memory_space<vmem>> -> memref<1x128xi32, #tpu.memory_space<vmem>>
        %dma_start3A_96 = tpu.memref_squeeze %dma_start3A_95 : memref<1x128xi32, #tpu.memory_space<vmem>> -> memref<128xi32, #tpu.memory_space<vmem>>
        %dma_start3A_97 = arith.constant 0 : i32
        %dma_start3A_98 = arith.constant 0 : i32
        %dma_start3A_99 = tpu.memref_slice %arg13[%dma_start3A_97, %dma_start3A_98] : memref<10112x32xf32, #tpu.memory_space<vmem_shared>> -> memref<10112x32xf32, #tpu.memory_space<vmem_shared>>
        tpu.enqueue_indirect_dma source(%arg11 : memref<128x32xf32, #tpu.memory_space<vmem>>) target(%dma_start3A_99 : memref<10112x32xf32, #tpu.memory_space<vmem_shared>>) offsets(%dma_start3A_96 : memref<128xi32, #tpu.memory_space<vmem>>) semaphore(%run_scoped3A : memref<!tpu.dma_semaphore, #tpu.memory_space<semaphore_mem>>) {add = true}
        %dma_wait3A_100 = arith.constant 0 : i32
        %dma_wait3A_101 = tpu.memref_slice %arg8[%add3A_70, %dma_wait3A_100] : memref<160x128xi32, #tpu.memory_space<vmem>> -> memref<1x128xi32, #tpu.memory_space<vmem>>
        %dma_wait3A_102 = tpu.memref_squeeze %dma_wait3A_101 : memref<1x128xi32, #tpu.memory_space<vmem>> -> memref<128xi32, #tpu.memory_space<vmem>>
        %dma_wait3A_103 = arith.constant 0 : i32
        %dma_wait3A_104 = arith.constant 0 : i32
        %dma_wait3A_105 = tpu.memref_slice %arg13[%dma_wait3A_103, %dma_wait3A_104] : memref<10112x32xf32, #tpu.memory_space<vmem_shared>> -> memref<10112x32xf32, #tpu.memory_space<vmem_shared>>
        tpu.wait_indirect_dma semaphore(%run_scoped3A : memref<!tpu.dma_semaphore, #tpu.memory_space<semaphore_mem>>) src(%arg11 : memref<128x32xf32, #tpu.memory_space<vmem>>) dst(%dma_wait3A_105 : memref<10112x32xf32, #tpu.memory_space<vmem_shared>>)
        tpu.yield
      }) : () -> ()
      %mul3A_79 = arith.constant 4 : i32
      %mul3A_80 = arith.muli %mul3A_79, %scan3A_31 : i32
      %add3A_81 = arith.constant 3 : i32
      %add3A_82 = arith.addi %mul3A_80, %add3A_81 : i32
      %lt3A_83 = arith.constant 39 : i32
      %lt3A_84 = arith.cmpi slt, %scan3A_31, %lt3A_83 : i32
      %convert_element_type3A_85 = arith.extui %lt3A_84 : i1 to i32
      %cond3A_86 = arith.constant 0 : i32
      %cond3A_87 = arith.cmpi ne, %convert_element_type3A_85, %cond3A_86 : i32
      scf.if %cond3A_87 {
        %add3A_94 = arith.constant 2 : i32
        %add3A_95 = arith.addi %add3A_82, %add3A_94 : i32
        %dma_start3A_96 = arith.constant 0 : i32
        %dma_start3A_97 = tpu.memref_slice %arg7[%add3A_95, %dma_start3A_96] : memref<160x128xi32, #tpu.memory_space<vmem>> -> memref<1x128xi32, #tpu.memory_space<vmem>>
        %dma_start3A_98 = tpu.memref_squeeze %dma_start3A_97 : memref<1x128xi32, #tpu.memory_space<vmem>> -> memref<128xi32, #tpu.memory_space<vmem>>
        %dma_start3A_99 = arith.constant 0 : i32
        %dma_start3A_100 = arith.constant 0 : i32
        %dma_start3A_101 = tpu.memref_slice %arg4[%dma_start3A_99, %dma_start3A_100] : memref<20016x32xf32, #tpu.memory_space<hbm>> -> memref<20016x32xf32, #tpu.memory_space<hbm>>
        tpu.enqueue_indirect_dma source(%dma_start3A_101 : memref<20016x32xf32, #tpu.memory_space<hbm>>) target(%arg10 : memref<128x32xf32, #tpu.memory_space<vmem>>) offsets(%dma_start3A_98 : memref<128xi32, #tpu.memory_space<vmem>>) semaphore(%arg15 : memref<!tpu.dma_semaphore, #tpu.memory_space<semaphore_mem>>)
      } else {
      }
      %dma_wait3A_88 = arith.constant 0 : i32
      %dma_wait3A_89 = tpu.memref_slice %arg7[%add3A_82, %dma_wait3A_88] : memref<160x128xi32, #tpu.memory_space<vmem>> -> memref<1x128xi32, #tpu.memory_space<vmem>>
      %dma_wait3A_90 = tpu.memref_squeeze %dma_wait3A_89 : memref<1x128xi32, #tpu.memory_space<vmem>> -> memref<128xi32, #tpu.memory_space<vmem>>
      %dma_wait3A_91 = arith.constant 0 : i32
      %dma_wait3A_92 = arith.constant 0 : i32
      %dma_wait3A_93 = tpu.memref_slice %arg4[%dma_wait3A_91, %dma_wait3A_92] : memref<20016x32xf32, #tpu.memory_space<hbm>> -> memref<20016x32xf32, #tpu.memory_space<hbm>>
      tpu.wait_indirect_dma semaphore(%arg17 : memref<!tpu.dma_semaphore, #tpu.memory_space<semaphore_mem>>) src(%dma_wait3A_93 : memref<20016x32xf32, #tpu.memory_space<hbm>>) dst(%arg12 : memref<128x32xf32, #tpu.memory_space<vmem>>)
      "tpu.region"() ({
        %run_scoped3A = tpu.sem_alloc : memref<!tpu.dma_semaphore, #tpu.memory_space<semaphore_mem>>
        %dma_start3A_94 = arith.constant 0 : i32
        %dma_start3A_95 = tpu.memref_slice %arg8[%add3A_82, %dma_start3A_94] : memref<160x128xi32, #tpu.memory_space<vmem>> -> memref<1x128xi32, #tpu.memory_space<vmem>>
        %dma_start3A_96 = tpu.memref_squeeze %dma_start3A_95 : memref<1x128xi32, #tpu.memory_space<vmem>> -> memref<128xi32, #tpu.memory_space<vmem>>
        %dma_start3A_97 = arith.constant 0 : i32
        %dma_start3A_98 = arith.constant 0 : i32
        %dma_start3A_99 = tpu.memref_slice %arg13[%dma_start3A_97, %dma_start3A_98] : memref<10112x32xf32, #tpu.memory_space<vmem_shared>> -> memref<10112x32xf32, #tpu.memory_space<vmem_shared>>
        tpu.enqueue_indirect_dma source(%arg12 : memref<128x32xf32, #tpu.memory_space<vmem>>) target(%dma_start3A_99 : memref<10112x32xf32, #tpu.memory_space<vmem_shared>>) offsets(%dma_start3A_96 : memref<128xi32, #tpu.memory_space<vmem>>) semaphore(%run_scoped3A : memref<!tpu.dma_semaphore, #tpu.memory_space<semaphore_mem>>) {add = true}
        %dma_wait3A_100 = arith.constant 0 : i32
        %dma_wait3A_101 = tpu.memref_slice %arg8[%add3A_82, %dma_wait3A_100] : memref<160x128xi32, #tpu.memory_space<vmem>> -> memref<1x128xi32, #tpu.memory_space<vmem>>
        %dma_wait3A_102 = tpu.memref_squeeze %dma_wait3A_101 : memref<1x128xi32, #tpu.memory_space<vmem>> -> memref<128xi32, #tpu.memory_space<vmem>>
        %dma_wait3A_103 = arith.constant 0 : i32
        %dma_wait3A_104 = arith.constant 0 : i32
        %dma_wait3A_105 = tpu.memref_slice %arg13[%dma_wait3A_103, %dma_wait3A_104] : memref<10112x32xf32, #tpu.memory_space<vmem_shared>> -> memref<10112x32xf32, #tpu.memory_space<vmem_shared>>
        tpu.wait_indirect_dma semaphore(%run_scoped3A : memref<!tpu.dma_semaphore, #tpu.memory_space<semaphore_mem>>) src(%arg12 : memref<128x32xf32, #tpu.memory_space<vmem>>) dst(%dma_wait3A_105 : memref<10112x32xf32, #tpu.memory_space<vmem_shared>>)
        tpu.yield
      }) : () -> ()
    }
    %scan3A_22 = arith.constant 40 : i32
    %barrier3A_23 = arith.constant 0 : index
    tpu.barrier barrier_id(%barrier3A_23)
    %mul3A_24 = arith.constant 10000 : i32
    %mul3A_25 = arith.muli %arg0, %mul3A_24 : i32
    %mul3A_26 = arith.constant 624 : i32
    %mul3A_27 = arith.muli %arg1, %mul3A_26 : i32
    %add3A_28 = arith.addi %mul3A_25, %mul3A_27 : i32
    %mul3A_29 = arith.constant 624 : i32
    %mul3A_30 = arith.muli %arg1, %mul3A_29 : i32
    "tpu.region"() ({
      %run_scoped3A = tpu.sem_alloc : memref<!tpu.dma_semaphore, #tpu.memory_space<semaphore_mem>>
      %dma_start3A_31 = arith.constant 0 : i32
      %dma_start3A_32 = tpu.memref_slice %arg6[%add3A_28, %dma_start3A_31] : memref<20000x32xf32, #tpu.memory_space<hbm>> -> memref<640x32xf32, #tpu.memory_space<hbm>>
      %dma_start3A_33 = arith.constant 0 : i32
      %dma_start3A_34 = tpu.memref_slice %arg13[%mul3A_30, %dma_start3A_33] : memref<10112x32xf32, #tpu.memory_space<vmem_shared>> -> memref<640x32xf32, #tpu.memory_space<vmem_shared>>
      tpu.enqueue_dma source(%dma_start3A_34 : memref<640x32xf32, #tpu.memory_space<vmem_shared>>) target(%dma_start3A_32 : memref<640x32xf32, #tpu.memory_space<hbm>>) target_semaphore(%run_scoped3A : memref<!tpu.dma_semaphore, #tpu.memory_space<semaphore_mem>>)
      %dma_wait3A = arith.constant 0 : i32
      %dma_wait3A_35 = tpu.memref_slice %arg6[%add3A_28, %dma_wait3A] : memref<20000x32xf32, #tpu.memory_space<hbm>> -> memref<640x32xf32, #tpu.memory_space<hbm>>
      %dma_wait3A_36 = arith.constant 0 : i32
      %dma_wait3A_37 = tpu.memref_slice %arg13[%mul3A_30, %dma_wait3A_36] : memref<10112x32xf32, #tpu.memory_space<vmem_shared>> -> memref<640x32xf32, #tpu.memory_space<vmem_shared>>
      tpu.wait_dma2 semaphore(%run_scoped3A : memref<!tpu.dma_semaphore, #tpu.memory_space<semaphore_mem>>) src(%dma_wait3A_37 : memref<640x32xf32, #tpu.memory_space<vmem_shared>>) dst(%dma_wait3A_35 : memref<640x32xf32, #tpu.memory_space<hbm>>)
      tpu.yield
    }) : () -> ()
    return
  }
}

#map = affine_map<(d0, d1) -> (0, 0, 0)>
#map1 = affine_map<(d0, d1) -> (0, 0)>
module attributes {stable_mosaic.version = 14 : i64} {
  func.func @deg(%arg0: i32, %arg1: i32, %arg2: memref<32x160x128xi32, #tpu.memory_space<hbm>>, %arg3: memref<32x160x128xi32, #tpu.memory_space<hbm>>, %arg4: memref<128x8xf32, #tpu.memory_space<hbm>>, %arg5: memref<20224x8xf32, #tpu.memory_space<hbm>>, %arg6: memref<20000x8xf32, #tpu.memory_space<hbm>>, %arg7: memref<20000x8xf32, #tpu.memory_space<hbm>>, %arg8: memref<160x128xi32, #tpu.memory_space<vmem>>, %arg9: memref<160x128xi32, #tpu.memory_space<vmem>>, %arg10: memref<128x8xf32, #tpu.memory_space<vmem>>, %arg11: memref<20224x8xf32, #tpu.memory_space<vmem_shared>>, %arg12: memref<10112x8xf32, #tpu.memory_space<vmem_shared>>, %arg13: memref<!tpu.dma_semaphore, #tpu.memory_space<semaphore_mem>>, %arg14: memref<!tpu.dma_semaphore, #tpu.memory_space<semaphore_mem>>) attributes {dimension_semantics = [#tpu.dimension_semantics<core_parallel>, #tpu.dimension_semantics<subcore_parallel>], iteration_bounds = array<i64: 2, 16>, scalar_prefetch = 0 : i64, scratch_operands = 7 : i64, tpu.core_type = #tpu.core_type<sc_vector_subcore>, window_params = [{transform_indices = #map}, {transform_indices = #map}, {transform_indices = #map1}, {transform_indices = #map1}, {transform_indices = #map1}, {transform_indices = #map1}]} {
    %mul3A = arith.constant 16 : i32
    %mul3A_0 = arith.muli %arg0, %mul3A : i32
    %add3A = arith.addi %mul3A_0, %arg1 : i32
    %mul3A_1 = arith.constant 1264 : i32
    %mul3A_2 = arith.muli %arg1, %mul3A_1 : i32
    %mul3A_3 = arith.constant 1264 : i32
    %mul3A_4 = arith.muli %arg1, %mul3A_3 : i32
    "tpu.region"() ({
      %run_scoped3A = tpu.sem_alloc : memref<!tpu.dma_semaphore, #tpu.memory_space<semaphore_mem>>
      %dma_start3A = arith.constant 0 : i32
      %dma_start3A_22 = tpu.memref_slice %arg11[%mul3A_4, %dma_start3A] : memref<20224x8xf32, #tpu.memory_space<vmem_shared>> -> memref<1264x8xf32, #tpu.memory_space<vmem_shared>>
      %dma_start3A_23 = arith.constant 0 : i32
      %dma_start3A_24 = tpu.memref_slice %arg5[%mul3A_2, %dma_start3A_23] : memref<20224x8xf32, #tpu.memory_space<hbm>> -> memref<1264x8xf32, #tpu.memory_space<hbm>>
      tpu.enqueue_dma source(%dma_start3A_24 : memref<1264x8xf32, #tpu.memory_space<hbm>>) target(%dma_start3A_22 : memref<1264x8xf32, #tpu.memory_space<vmem_shared>>) target_semaphore(%run_scoped3A : memref<!tpu.dma_semaphore, #tpu.memory_space<semaphore_mem>>)
      %dma_wait3A = arith.constant 0 : i32
      %dma_wait3A_25 = tpu.memref_slice %arg11[%mul3A_4, %dma_wait3A] : memref<20224x8xf32, #tpu.memory_space<vmem_shared>> -> memref<1264x8xf32, #tpu.memory_space<vmem_shared>>
      %dma_wait3A_26 = arith.constant 0 : i32
      %dma_wait3A_27 = tpu.memref_slice %arg5[%mul3A_2, %dma_wait3A_26] : memref<20224x8xf32, #tpu.memory_space<hbm>> -> memref<1264x8xf32, #tpu.memory_space<hbm>>
      tpu.wait_dma2 semaphore(%run_scoped3A : memref<!tpu.dma_semaphore, #tpu.memory_space<semaphore_mem>>) src(%dma_wait3A_27 : memref<1264x8xf32, #tpu.memory_space<hbm>>) dst(%dma_wait3A_25 : memref<1264x8xf32, #tpu.memory_space<vmem_shared>>)
      tpu.yield
    }) : () -> ()
    %mul3A_5 = arith.constant 632 : i32
    %mul3A_6 = arith.muli %arg1, %mul3A_5 : i32
    %mul3A_7 = arith.constant 632 : i32
    %mul3A_8 = arith.muli %arg1, %mul3A_7 : i32
    "tpu.region"() ({
      %run_scoped3A = tpu.sem_alloc : memref<!tpu.dma_semaphore, #tpu.memory_space<semaphore_mem>>
      %dma_start3A = arith.constant 0 : i32
      %dma_start3A_22 = tpu.memref_slice %arg12[%mul3A_8, %dma_start3A] : memref<10112x8xf32, #tpu.memory_space<vmem_shared>> -> memref<632x8xf32, #tpu.memory_space<vmem_shared>>
      %dma_start3A_23 = arith.constant 0 : i32
      %dma_start3A_24 = tpu.memref_slice %arg5[%mul3A_6, %dma_start3A_23] : memref<20224x8xf32, #tpu.memory_space<hbm>> -> memref<632x8xf32, #tpu.memory_space<hbm>>
      tpu.enqueue_dma source(%dma_start3A_24 : memref<632x8xf32, #tpu.memory_space<hbm>>) target(%dma_start3A_22 : memref<632x8xf32, #tpu.memory_space<vmem_shared>>) target_semaphore(%run_scoped3A : memref<!tpu.dma_semaphore, #tpu.memory_space<semaphore_mem>>)
      %dma_wait3A = arith.constant 0 : i32
      %dma_wait3A_25 = tpu.memref_slice %arg12[%mul3A_8, %dma_wait3A] : memref<10112x8xf32, #tpu.memory_space<vmem_shared>> -> memref<632x8xf32, #tpu.memory_space<vmem_shared>>
      %dma_wait3A_26 = arith.constant 0 : i32
      %dma_wait3A_27 = tpu.memref_slice %arg5[%mul3A_6, %dma_wait3A_26] : memref<20224x8xf32, #tpu.memory_space<hbm>> -> memref<632x8xf32, #tpu.memory_space<hbm>>
      tpu.wait_dma2 semaphore(%run_scoped3A : memref<!tpu.dma_semaphore, #tpu.memory_space<semaphore_mem>>) src(%dma_wait3A_27 : memref<632x8xf32, #tpu.memory_space<hbm>>) dst(%dma_wait3A_25 : memref<632x8xf32, #tpu.memory_space<vmem_shared>>)
      tpu.yield
    }) : () -> ()
    "tpu.region"() ({
      %run_scoped3A = tpu.sem_alloc : memref<!tpu.dma_semaphore, #tpu.memory_space<semaphore_mem>>
      tpu.enqueue_dma source(%arg4 : memref<128x8xf32, #tpu.memory_space<hbm>>) target(%arg10 : memref<128x8xf32, #tpu.memory_space<vmem>>) target_semaphore(%run_scoped3A : memref<!tpu.dma_semaphore, #tpu.memory_space<semaphore_mem>>)
      tpu.wait_dma2 semaphore(%run_scoped3A : memref<!tpu.dma_semaphore, #tpu.memory_space<semaphore_mem>>) src(%arg4 : memref<128x8xf32, #tpu.memory_space<hbm>>) dst(%arg10 : memref<128x8xf32, #tpu.memory_space<vmem>>)
      tpu.yield
    }) : () -> ()
    "tpu.region"() ({
      %run_scoped3A = tpu.sem_alloc : memref<!tpu.dma_semaphore, #tpu.memory_space<semaphore_mem>>
      %dma_start3A = arith.constant 0 : i32
      %dma_start3A_22 = arith.constant 0 : i32
      %dma_start3A_23 = tpu.memref_slice %arg2[%add3A, %dma_start3A, %dma_start3A_22] : memref<32x160x128xi32, #tpu.memory_space<hbm>> -> memref<1x160x128xi32, #tpu.memory_space<hbm>>
      %dma_start3A_24 = tpu.memref_squeeze %dma_start3A_23 : memref<1x160x128xi32, #tpu.memory_space<hbm>> -> memref<160x128xi32, #tpu.memory_space<hbm>>
      %dma_start3A_25 = arith.constant 0 : i32
      %dma_start3A_26 = arith.constant 0 : i32
      %dma_start3A_27 = tpu.memref_slice %arg2[%add3A, %dma_start3A_25, %dma_start3A_26] : memref<32x160x128xi32, #tpu.memory_space<hbm>> -> memref<1x160x128xi32, #tpu.memory_space<hbm>>
      %dma_start3A_28 = tpu.memref_squeeze %dma_start3A_27 : memref<1x160x128xi32, #tpu.memory_space<hbm>> -> memref<160x128xi32, #tpu.memory_space<hbm>>
      tpu.enqueue_dma source(%dma_start3A_28 : memref<160x128xi32, #tpu.memory_space<hbm>>) target(%arg8 : memref<160x128xi32, #tpu.memory_space<vmem>>) target_semaphore(%run_scoped3A : memref<!tpu.dma_semaphore, #tpu.memory_space<semaphore_mem>>)
      %dma_wait3A = arith.constant 0 : i32
      %dma_wait3A_29 = arith.constant 0 : i32
      %dma_wait3A_30 = tpu.memref_slice %arg2[%add3A, %dma_wait3A, %dma_wait3A_29] : memref<32x160x128xi32, #tpu.memory_space<hbm>> -> memref<1x160x128xi32, #tpu.memory_space<hbm>>
      %dma_wait3A_31 = tpu.memref_squeeze %dma_wait3A_30 : memref<1x160x128xi32, #tpu.memory_space<hbm>> -> memref<160x128xi32, #tpu.memory_space<hbm>>
      %dma_wait3A_32 = arith.constant 0 : i32
      %dma_wait3A_33 = arith.constant 0 : i32
      %dma_wait3A_34 = tpu.memref_slice %arg2[%add3A, %dma_wait3A_32, %dma_wait3A_33] : memref<32x160x128xi32, #tpu.memory_space<hbm>> -> memref<1x160x128xi32, #tpu.memory_space<hbm>>
      %dma_wait3A_35 = tpu.memref_squeeze %dma_wait3A_34 : memref<1x160x128xi32, #tpu.memory_space<hbm>> -> memref<160x128xi32, #tpu.memory_space<hbm>>
      tpu.wait_dma2 semaphore(%run_scoped3A : memref<!tpu.dma_semaphore, #tpu.memory_space<semaphore_mem>>) src(%dma_wait3A_35 : memref<160x128xi32, #tpu.memory_space<hbm>>) dst(%arg8 : memref<160x128xi32, #tpu.memory_space<vmem>>)
      tpu.yield
    }) : () -> ()
    "tpu.region"() ({
      %run_scoped3A = tpu.sem_alloc : memref<!tpu.dma_semaphore, #tpu.memory_space<semaphore_mem>>
      %dma_start3A = arith.constant 0 : i32
      %dma_start3A_22 = arith.constant 0 : i32
      %dma_start3A_23 = tpu.memref_slice %arg3[%add3A, %dma_start3A, %dma_start3A_22] : memref<32x160x128xi32, #tpu.memory_space<hbm>> -> memref<1x160x128xi32, #tpu.memory_space<hbm>>
      %dma_start3A_24 = tpu.memref_squeeze %dma_start3A_23 : memref<1x160x128xi32, #tpu.memory_space<hbm>> -> memref<160x128xi32, #tpu.memory_space<hbm>>
      %dma_start3A_25 = arith.constant 0 : i32
      %dma_start3A_26 = arith.constant 0 : i32
      %dma_start3A_27 = tpu.memref_slice %arg3[%add3A, %dma_start3A_25, %dma_start3A_26] : memref<32x160x128xi32, #tpu.memory_space<hbm>> -> memref<1x160x128xi32, #tpu.memory_space<hbm>>
      %dma_start3A_28 = tpu.memref_squeeze %dma_start3A_27 : memref<1x160x128xi32, #tpu.memory_space<hbm>> -> memref<160x128xi32, #tpu.memory_space<hbm>>
      tpu.enqueue_dma source(%dma_start3A_28 : memref<160x128xi32, #tpu.memory_space<hbm>>) target(%arg9 : memref<160x128xi32, #tpu.memory_space<vmem>>) target_semaphore(%run_scoped3A : memref<!tpu.dma_semaphore, #tpu.memory_space<semaphore_mem>>)
      %dma_wait3A = arith.constant 0 : i32
      %dma_wait3A_29 = arith.constant 0 : i32
      %dma_wait3A_30 = tpu.memref_slice %arg3[%add3A, %dma_wait3A, %dma_wait3A_29] : memref<32x160x128xi32, #tpu.memory_space<hbm>> -> memref<1x160x128xi32, #tpu.memory_space<hbm>>
      %dma_wait3A_31 = tpu.memref_squeeze %dma_wait3A_30 : memref<1x160x128xi32, #tpu.memory_space<hbm>> -> memref<160x128xi32, #tpu.memory_space<hbm>>
      %dma_wait3A_32 = arith.constant 0 : i32
      %dma_wait3A_33 = arith.constant 0 : i32
      %dma_wait3A_34 = tpu.memref_slice %arg3[%add3A, %dma_wait3A_32, %dma_wait3A_33] : memref<32x160x128xi32, #tpu.memory_space<hbm>> -> memref<1x160x128xi32, #tpu.memory_space<hbm>>
      %dma_wait3A_35 = tpu.memref_squeeze %dma_wait3A_34 : memref<1x160x128xi32, #tpu.memory_space<hbm>> -> memref<160x128xi32, #tpu.memory_space<hbm>>
      tpu.wait_dma2 semaphore(%run_scoped3A : memref<!tpu.dma_semaphore, #tpu.memory_space<semaphore_mem>>) src(%dma_wait3A_35 : memref<160x128xi32, #tpu.memory_space<hbm>>) dst(%arg9 : memref<160x128xi32, #tpu.memory_space<vmem>>)
      tpu.yield
    }) : () -> ()
    %barrier3A = arith.constant 0 : index
    tpu.barrier barrier_id(%barrier3A)
    %scan3A = arith.constant 0 : i32
    %scan3A_9 = arith.constant 0 : i32
    %scan3A_10 = arith.constant 160 : i32
    %scan3A_11 = arith.addi %scan3A_9, %scan3A_10 : i32
    %scan3A_12 = arith.constant 1 : i32
    scf.for %scan3A_22 = %scan3A_9 to %scan3A_11 step %scan3A_12  : i32 {
      %dma_start3A = arith.constant 0 : i32
      %dma_start3A_23 = tpu.memref_slice %arg8[%scan3A_22, %dma_start3A] : memref<160x128xi32, #tpu.memory_space<vmem>> -> memref<1x128xi32, #tpu.memory_space<vmem>>
      %dma_start3A_24 = tpu.memref_squeeze %dma_start3A_23 : memref<1x128xi32, #tpu.memory_space<vmem>> -> memref<128xi32, #tpu.memory_space<vmem>>
      %dma_start3A_25 = arith.constant 0 : i32
      %dma_start3A_26 = arith.constant 0 : i32
      %dma_start3A_27 = tpu.memref_slice %arg11[%dma_start3A_25, %dma_start3A_26] : memref<20224x8xf32, #tpu.memory_space<vmem_shared>> -> memref<20224x8xf32, #tpu.memory_space<vmem_shared>>
      tpu.enqueue_indirect_dma source(%arg10 : memref<128x8xf32, #tpu.memory_space<vmem>>) target(%dma_start3A_27 : memref<20224x8xf32, #tpu.memory_space<vmem_shared>>) offsets(%dma_start3A_24 : memref<128xi32, #tpu.memory_space<vmem>>) semaphore(%arg13 : memref<!tpu.dma_semaphore, #tpu.memory_space<semaphore_mem>>) {add = true}
      %dma_start3A_28 = arith.constant 0 : i32
      %dma_start3A_29 = tpu.memref_slice %arg9[%scan3A_22, %dma_start3A_28] : memref<160x128xi32, #tpu.memory_space<vmem>> -> memref<1x128xi32, #tpu.memory_space<vmem>>
      %dma_start3A_30 = tpu.memref_squeeze %dma_start3A_29 : memref<1x128xi32, #tpu.memory_space<vmem>> -> memref<128xi32, #tpu.memory_space<vmem>>
      %dma_start3A_31 = arith.constant 0 : i32
      %dma_start3A_32 = arith.constant 0 : i32
      %dma_start3A_33 = tpu.memref_slice %arg12[%dma_start3A_31, %dma_start3A_32] : memref<10112x8xf32, #tpu.memory_space<vmem_shared>> -> memref<10112x8xf32, #tpu.memory_space<vmem_shared>>
      tpu.enqueue_indirect_dma source(%arg10 : memref<128x8xf32, #tpu.memory_space<vmem>>) target(%dma_start3A_33 : memref<10112x8xf32, #tpu.memory_space<vmem_shared>>) offsets(%dma_start3A_30 : memref<128xi32, #tpu.memory_space<vmem>>) semaphore(%arg14 : memref<!tpu.dma_semaphore, #tpu.memory_space<semaphore_mem>>) {add = true}
      %dma_wait3A = arith.constant 0 : i32
      %dma_wait3A_34 = tpu.memref_slice %arg8[%scan3A_22, %dma_wait3A] : memref<160x128xi32, #tpu.memory_space<vmem>> -> memref<1x128xi32, #tpu.memory_space<vmem>>
      %dma_wait3A_35 = tpu.memref_squeeze %dma_wait3A_34 : memref<1x128xi32, #tpu.memory_space<vmem>> -> memref<128xi32, #tpu.memory_space<vmem>>
      %dma_wait3A_36 = arith.constant 0 : i32
      %dma_wait3A_37 = arith.constant 0 : i32
      %dma_wait3A_38 = tpu.memref_slice %arg11[%dma_wait3A_36, %dma_wait3A_37] : memref<20224x8xf32, #tpu.memory_space<vmem_shared>> -> memref<20224x8xf32, #tpu.memory_space<vmem_shared>>
      tpu.wait_indirect_dma semaphore(%arg13 : memref<!tpu.dma_semaphore, #tpu.memory_space<semaphore_mem>>) src(%arg10 : memref<128x8xf32, #tpu.memory_space<vmem>>) dst(%dma_wait3A_38 : memref<20224x8xf32, #tpu.memory_space<vmem_shared>>)
      %dma_wait3A_39 = arith.constant 0 : i32
      %dma_wait3A_40 = tpu.memref_slice %arg9[%scan3A_22, %dma_wait3A_39] : memref<160x128xi32, #tpu.memory_space<vmem>> -> memref<1x128xi32, #tpu.memory_space<vmem>>
      %dma_wait3A_41 = tpu.memref_squeeze %dma_wait3A_40 : memref<1x128xi32, #tpu.memory_space<vmem>> -> memref<128xi32, #tpu.memory_space<vmem>>
      %dma_wait3A_42 = arith.constant 0 : i32
      %dma_wait3A_43 = arith.constant 0 : i32
      %dma_wait3A_44 = tpu.memref_slice %arg12[%dma_wait3A_42, %dma_wait3A_43] : memref<10112x8xf32, #tpu.memory_space<vmem_shared>> -> memref<10112x8xf32, #tpu.memory_space<vmem_shared>>
      tpu.wait_indirect_dma semaphore(%arg14 : memref<!tpu.dma_semaphore, #tpu.memory_space<semaphore_mem>>) src(%arg10 : memref<128x8xf32, #tpu.memory_space<vmem>>) dst(%dma_wait3A_44 : memref<10112x8xf32, #tpu.memory_space<vmem_shared>>)
    }
    %scan3A_13 = arith.constant 160 : i32
    %barrier3A_14 = arith.constant 0 : index
    tpu.barrier barrier_id(%barrier3A_14)
    %mul3A_15 = arith.constant 10000 : i32
    %mul3A_16 = arith.muli %arg0, %mul3A_15 : i32
    %mul3A_17 = arith.constant 624 : i32
    %mul3A_18 = arith.muli %arg1, %mul3A_17 : i32
    %add3A_19 = arith.addi %mul3A_16, %mul3A_18 : i32
    "tpu.region"() ({
      %run_scoped3A = tpu.sem_alloc : memref<!tpu.dma_semaphore, #tpu.memory_space<semaphore_mem>>
      %dma_start3A = arith.constant 0 : i32
      %dma_start3A_22 = tpu.memref_slice %arg6[%add3A_19, %dma_start3A] : memref<20000x8xf32, #tpu.memory_space<hbm>> -> memref<640x8xf32, #tpu.memory_space<hbm>>
      %dma_start3A_23 = arith.constant 0 : i32
      %dma_start3A_24 = tpu.memref_slice %arg11[%add3A_19, %dma_start3A_23] : memref<20224x8xf32, #tpu.memory_space<vmem_shared>> -> memref<640x8xf32, #tpu.memory_space<vmem_shared>>
      tpu.enqueue_dma source(%dma_start3A_24 : memref<640x8xf32, #tpu.memory_space<vmem_shared>>) target(%dma_start3A_22 : memref<640x8xf32, #tpu.memory_space<hbm>>) target_semaphore(%run_scoped3A : memref<!tpu.dma_semaphore, #tpu.memory_space<semaphore_mem>>)
      %dma_wait3A = arith.constant 0 : i32
      %dma_wait3A_25 = tpu.memref_slice %arg6[%add3A_19, %dma_wait3A] : memref<20000x8xf32, #tpu.memory_space<hbm>> -> memref<640x8xf32, #tpu.memory_space<hbm>>
      %dma_wait3A_26 = arith.constant 0 : i32
      %dma_wait3A_27 = tpu.memref_slice %arg11[%add3A_19, %dma_wait3A_26] : memref<20224x8xf32, #tpu.memory_space<vmem_shared>> -> memref<640x8xf32, #tpu.memory_space<vmem_shared>>
      tpu.wait_dma2 semaphore(%run_scoped3A : memref<!tpu.dma_semaphore, #tpu.memory_space<semaphore_mem>>) src(%dma_wait3A_27 : memref<640x8xf32, #tpu.memory_space<vmem_shared>>) dst(%dma_wait3A_25 : memref<640x8xf32, #tpu.memory_space<hbm>>)
      tpu.yield
    }) : () -> ()
    %mul3A_20 = arith.constant 624 : i32
    %mul3A_21 = arith.muli %arg1, %mul3A_20 : i32
    "tpu.region"() ({
      %run_scoped3A = tpu.sem_alloc : memref<!tpu.dma_semaphore, #tpu.memory_space<semaphore_mem>>
      %dma_start3A = arith.constant 0 : i32
      %dma_start3A_22 = tpu.memref_slice %arg7[%add3A_19, %dma_start3A] : memref<20000x8xf32, #tpu.memory_space<hbm>> -> memref<640x8xf32, #tpu.memory_space<hbm>>
      %dma_start3A_23 = arith.constant 0 : i32
      %dma_start3A_24 = tpu.memref_slice %arg12[%mul3A_21, %dma_start3A_23] : memref<10112x8xf32, #tpu.memory_space<vmem_shared>> -> memref<640x8xf32, #tpu.memory_space<vmem_shared>>
      tpu.enqueue_dma source(%dma_start3A_24 : memref<640x8xf32, #tpu.memory_space<vmem_shared>>) target(%dma_start3A_22 : memref<640x8xf32, #tpu.memory_space<hbm>>) target_semaphore(%run_scoped3A : memref<!tpu.dma_semaphore, #tpu.memory_space<semaphore_mem>>)
      %dma_wait3A = arith.constant 0 : i32
      %dma_wait3A_25 = tpu.memref_slice %arg7[%add3A_19, %dma_wait3A] : memref<20000x8xf32, #tpu.memory_space<hbm>> -> memref<640x8xf32, #tpu.memory_space<hbm>>
      %dma_wait3A_26 = arith.constant 0 : i32
      %dma_wait3A_27 = tpu.memref_slice %arg12[%mul3A_21, %dma_wait3A_26] : memref<10112x8xf32, #tpu.memory_space<vmem_shared>> -> memref<640x8xf32, #tpu.memory_space<vmem_shared>>
      tpu.wait_dma2 semaphore(%run_scoped3A : memref<!tpu.dma_semaphore, #tpu.memory_space<semaphore_mem>>) src(%dma_wait3A_27 : memref<640x8xf32, #tpu.memory_space<vmem_shared>>) dst(%dma_wait3A_25 : memref<640x8xf32, #tpu.memory_space<hbm>>)
      tpu.yield
    }) : () -> ()
    return
  }
}

#map = affine_map<(d0, d1) -> (0, 0, 0)>
#map1 = affine_map<(d0, d1) -> (0, 0)>
module attributes {stable_mosaic.version = 14 : i64} {
  func.func @agg(%arg0: i32, %arg1: i32, %arg2: memref<32x160x128xi32, #tpu.memory_space<hbm>>, %arg3: memref<32x160x128xi32, #tpu.memory_space<hbm>>, %arg4: memref<20016x32xf32, #tpu.memory_space<hbm>>, %arg5: memref<10112x32xf32, #tpu.memory_space<hbm>>, %arg6: memref<20000x32xf32, #tpu.memory_space<hbm>>, %arg7: memref<160x128xi32, #tpu.memory_space<vmem>>, %arg8: memref<160x128xi32, #tpu.memory_space<vmem>>, %arg9: memref<128x32xf32, #tpu.memory_space<vmem>>, %arg10: memref<128x32xf32, #tpu.memory_space<vmem>>, %arg11: memref<128x32xf32, #tpu.memory_space<vmem>>, %arg12: memref<128x32xf32, #tpu.memory_space<vmem>>, %arg13: memref<10112x32xf32, #tpu.memory_space<vmem_shared>>, %arg14: memref<!tpu.dma_semaphore, #tpu.memory_space<semaphore_mem>>, %arg15: memref<!tpu.dma_semaphore, #tpu.memory_space<semaphore_mem>>, %arg16: memref<!tpu.dma_semaphore, #tpu.memory_space<semaphore_mem>>, %arg17: memref<!tpu.dma_semaphore, #tpu.memory_space<semaphore_mem>>) attributes {dimension_semantics = [#tpu.dimension_semantics<core_parallel>, #tpu.dimension_semantics<subcore_parallel>], iteration_bounds = array<i64: 2, 16>, scalar_prefetch = 0 : i64, scratch_operands = 11 : i64, tpu.core_type = #tpu.core_type<sc_vector_subcore>, window_params = [{transform_indices = #map}, {transform_indices = #map}, {transform_indices = #map1}, {transform_indices = #map1}, {transform_indices = #map1}]} {
    %mul3A = arith.constant 16 : i32
    %mul3A_0 = arith.muli %arg0, %mul3A : i32
    %add3A = arith.addi %mul3A_0, %arg1 : i32
    "tpu.region"() ({
      %run_scoped3A = tpu.sem_alloc : memref<!tpu.dma_semaphore, #tpu.memory_space<semaphore_mem>>
      %dma_start3A_31 = arith.constant 0 : i32
      %dma_start3A_32 = arith.constant 0 : i32
      %dma_start3A_33 = tpu.memref_slice %arg2[%add3A, %dma_start3A_31, %dma_start3A_32] : memref<32x160x128xi32, #tpu.memory_space<hbm>> -> memref<1x160x128xi32, #tpu.memory_space<hbm>>
      %dma_start3A_34 = tpu.memref_squeeze %dma_start3A_33 : memref<1x160x128xi32, #tpu.memory_space<hbm>> -> memref<160x128xi32, #tpu.memory_space<hbm>>
      %dma_start3A_35 = arith.constant 0 : i32
      %dma_start3A_36 = arith.constant 0 : i32
      %dma_start3A_37 = tpu.memref_slice %arg2[%add3A, %dma_start3A_35, %dma_start3A_36] : memref<32x160x128xi32, #tpu.memory_space<hbm>> -> memref<1x160x128xi32, #tpu.memory_space<hbm>>
      %dma_start3A_38 = tpu.memref_squeeze %dma_start3A_37 : memref<1x160x128xi32, #tpu.memory_space<hbm>> -> memref<160x128xi32, #tpu.memory_space<hbm>>
      tpu.enqueue_dma source(%dma_start3A_38 : memref<160x128xi32, #tpu.memory_space<hbm>>) target(%arg7 : memref<160x128xi32, #tpu.memory_space<vmem>>) target_semaphore(%run_scoped3A : memref<!tpu.dma_semaphore, #tpu.memory_space<semaphore_mem>>)
      %dma_wait3A = arith.constant 0 : i32
      %dma_wait3A_39 = arith.constant 0 : i32
      %dma_wait3A_40 = tpu.memref_slice %arg2[%add3A, %dma_wait3A, %dma_wait3A_39] : memref<32x160x128xi32, #tpu.memory_space<hbm>> -> memref<1x160x128xi32, #tpu.memory_space<hbm>>
      %dma_wait3A_41 = tpu.memref_squeeze %dma_wait3A_40 : memref<1x160x128xi32, #tpu.memory_space<hbm>> -> memref<160x128xi32, #tpu.memory_space<hbm>>
      %dma_wait3A_42 = arith.constant 0 : i32
      %dma_wait3A_43 = arith.constant 0 : i32
      %dma_wait3A_44 = tpu.memref_slice %arg2[%add3A, %dma_wait3A_42, %dma_wait3A_43] : memref<32x160x128xi32, #tpu.memory_space<hbm>> -> memref<1x160x128xi32, #tpu.memory_space<hbm>>
      %dma_wait3A_45 = tpu.memref_squeeze %dma_wait3A_44 : memref<1x160x128xi32, #tpu.memory_space<hbm>> -> memref<160x128xi32, #tpu.memory_space<hbm>>
      tpu.wait_dma2 semaphore(%run_scoped3A : memref<!tpu.dma_semaphore, #tpu.memory_space<semaphore_mem>>) src(%dma_wait3A_45 : memref<160x128xi32, #tpu.memory_space<hbm>>) dst(%arg7 : memref<160x128xi32, #tpu.memory_space<vmem>>)
      tpu.yield
    }) : () -> ()
    "tpu.region"() ({
      %run_scoped3A = tpu.sem_alloc : memref<!tpu.dma_semaphore, #tpu.memory_space<semaphore_mem>>
      %dma_start3A_31 = arith.constant 0 : i32
      %dma_start3A_32 = arith.constant 0 : i32
      %dma_start3A_33 = tpu.memref_slice %arg3[%add3A, %dma_start3A_31, %dma_start3A_32] : memref<32x160x128xi32, #tpu.memory_space<hbm>> -> memref<1x160x128xi32, #tpu.memory_space<hbm>>
      %dma_start3A_34 = tpu.memref_squeeze %dma_start3A_33 : memref<1x160x128xi32, #tpu.memory_space<hbm>> -> memref<160x128xi32, #tpu.memory_space<hbm>>
      %dma_start3A_35 = arith.constant 0 : i32
      %dma_start3A_36 = arith.constant 0 : i32
      %dma_start3A_37 = tpu.memref_slice %arg3[%add3A, %dma_start3A_35, %dma_start3A_36] : memref<32x160x128xi32, #tpu.memory_space<hbm>> -> memref<1x160x128xi32, #tpu.memory_space<hbm>>
      %dma_start3A_38 = tpu.memref_squeeze %dma_start3A_37 : memref<1x160x128xi32, #tpu.memory_space<hbm>> -> memref<160x128xi32, #tpu.memory_space<hbm>>
      tpu.enqueue_dma source(%dma_start3A_38 : memref<160x128xi32, #tpu.memory_space<hbm>>) target(%arg8 : memref<160x128xi32, #tpu.memory_space<vmem>>) target_semaphore(%run_scoped3A : memref<!tpu.dma_semaphore, #tpu.memory_space<semaphore_mem>>)
      %dma_wait3A = arith.constant 0 : i32
      %dma_wait3A_39 = arith.constant 0 : i32
      %dma_wait3A_40 = tpu.memref_slice %arg3[%add3A, %dma_wait3A, %dma_wait3A_39] : memref<32x160x128xi32, #tpu.memory_space<hbm>> -> memref<1x160x128xi32, #tpu.memory_space<hbm>>
      %dma_wait3A_41 = tpu.memref_squeeze %dma_wait3A_40 : memref<1x160x128xi32, #tpu.memory_space<hbm>> -> memref<160x128xi32, #tpu.memory_space<hbm>>
      %dma_wait3A_42 = arith.constant 0 : i32
      %dma_wait3A_43 = arith.constant 0 : i32
      %dma_wait3A_44 = tpu.memref_slice %arg3[%add3A, %dma_wait3A_42, %dma_wait3A_43] : memref<32x160x128xi32, #tpu.memory_space<hbm>> -> memref<1x160x128xi32, #tpu.memory_space<hbm>>
      %dma_wait3A_45 = tpu.memref_squeeze %dma_wait3A_44 : memref<1x160x128xi32, #tpu.memory_space<hbm>> -> memref<160x128xi32, #tpu.memory_space<hbm>>
      tpu.wait_dma2 semaphore(%run_scoped3A : memref<!tpu.dma_semaphore, #tpu.memory_space<semaphore_mem>>) src(%dma_wait3A_45 : memref<160x128xi32, #tpu.memory_space<hbm>>) dst(%arg8 : memref<160x128xi32, #tpu.memory_space<vmem>>)
      tpu.yield
    }) : () -> ()
    %mul3A_1 = arith.constant 632 : i32
    %mul3A_2 = arith.muli %arg1, %mul3A_1 : i32
    %mul3A_3 = arith.constant 632 : i32
    %mul3A_4 = arith.muli %arg1, %mul3A_3 : i32
    "tpu.region"() ({
      %run_scoped3A = tpu.sem_alloc : memref<!tpu.dma_semaphore, #tpu.memory_space<semaphore_mem>>
      %dma_start3A_31 = arith.constant 0 : i32
      %dma_start3A_32 = tpu.memref_slice %arg13[%mul3A_4, %dma_start3A_31] : memref<10112x32xf32, #tpu.memory_space<vmem_shared>> -> memref<632x32xf32, #tpu.memory_space<vmem_shared>>
      %dma_start3A_33 = arith.constant 0 : i32
      %dma_start3A_34 = tpu.memref_slice %arg5[%mul3A_2, %dma_start3A_33] : memref<10112x32xf32, #tpu.memory_space<hbm>> -> memref<632x32xf32, #tpu.memory_space<hbm>>
      tpu.enqueue_dma source(%dma_start3A_34 : memref<632x32xf32, #tpu.memory_space<hbm>>) target(%dma_start3A_32 : memref<632x32xf32, #tpu.memory_space<vmem_shared>>) target_semaphore(%run_scoped3A : memref<!tpu.dma_semaphore, #tpu.memory_space<semaphore_mem>>)
      %dma_wait3A = arith.constant 0 : i32
      %dma_wait3A_35 = tpu.memref_slice %arg13[%mul3A_4, %dma_wait3A] : memref<10112x32xf32, #tpu.memory_space<vmem_shared>> -> memref<632x32xf32, #tpu.memory_space<vmem_shared>>
      %dma_wait3A_36 = arith.constant 0 : i32
      %dma_wait3A_37 = tpu.memref_slice %arg5[%mul3A_2, %dma_wait3A_36] : memref<10112x32xf32, #tpu.memory_space<hbm>> -> memref<632x32xf32, #tpu.memory_space<hbm>>
      tpu.wait_dma2 semaphore(%run_scoped3A : memref<!tpu.dma_semaphore, #tpu.memory_space<semaphore_mem>>) src(%dma_wait3A_37 : memref<632x32xf32, #tpu.memory_space<hbm>>) dst(%dma_wait3A_35 : memref<632x32xf32, #tpu.memory_space<vmem_shared>>)
      tpu.yield
    }) : () -> ()
    %barrier3A = arith.constant 0 : index
    tpu.barrier barrier_id(%barrier3A)
    %dma_start3A = arith.constant 0 : i32
    %dma_start3A_5 = arith.constant 0 : i32
    %dma_start3A_6 = tpu.memref_slice %arg7[%dma_start3A, %dma_start3A_5] : memref<160x128xi32, #tpu.memory_space<vmem>> -> memref<1x128xi32, #tpu.memory_space<vmem>>
    %dma_start3A_7 = tpu.memref_squeeze %dma_start3A_6 : memref<1x128xi32, #tpu.memory_space<vmem>> -> memref<128xi32, #tpu.memory_space<vmem>>
    %dma_start3A_8 = arith.constant 0 : i32
    %dma_start3A_9 = arith.constant 0 : i32
    %dma_start3A_10 = tpu.memref_slice %arg4[%dma_start3A_8, %dma_start3A_9] : memref<20016x32xf32, #tpu.memory_space<hbm>> -> memref<20016x32xf32, #tpu.memory_space<hbm>>
    tpu.enqueue_indirect_dma source(%dma_start3A_10 : memref<20016x32xf32, #tpu.memory_space<hbm>>) target(%arg9 : memref<128x32xf32, #tpu.memory_space<vmem>>) offsets(%dma_start3A_7 : memref<128xi32, #tpu.memory_space<vmem>>) semaphore(%arg14 : memref<!tpu.dma_semaphore, #tpu.memory_space<semaphore_mem>>)
    %dma_start3A_11 = arith.constant 1 : i32
    %dma_start3A_12 = arith.constant 0 : i32
    %dma_start3A_13 = tpu.memref_slice %arg7[%dma_start3A_11, %dma_start3A_12] : memref<160x128xi32, #tpu.memory_space<vmem>> -> memref<1x128xi32, #tpu.memory_space<vmem>>
    %dma_start3A_14 = tpu.memref_squeeze %dma_start3A_13 : memref<1x128xi32, #tpu.memory_space<vmem>> -> memref<128xi32, #tpu.memory_space<vmem>>
    %dma_start3A_15 = arith.constant 0 : i32
    %dma_start3A_16 = arith.constant 0 : i32
    %dma_start3A_17 = tpu.memref_slice %arg4[%dma_start3A_15, %dma_start3A_16] : memref<20016x32xf32, #tpu.memory_space<hbm>> -> memref<20016x32xf32, #tpu.memory_space<hbm>>
    tpu.enqueue_indirect_dma source(%dma_start3A_17 : memref<20016x32xf32, #tpu.memory_space<hbm>>) target(%arg10 : memref<128x32xf32, #tpu.memory_space<vmem>>) offsets(%dma_start3A_14 : memref<128xi32, #tpu.memory_space<vmem>>) semaphore(%arg15 : memref<!tpu.dma_semaphore, #tpu.memory_space<semaphore_mem>>)
    %scan3A = arith.constant 0 : i32
    %scan3A_18 = arith.constant 0 : i32
    %scan3A_19 = arith.constant 40 : i32
    %scan3A_20 = arith.addi %scan3A_18, %scan3A_19 : i32
    %scan3A_21 = arith.constant 1 : i32
    scf.for %scan3A_31 = %scan3A_18 to %scan3A_20 step %scan3A_21  : i32 {
      %mul3A_32 = arith.constant 4 : i32
      %mul3A_33 = arith.muli %mul3A_32, %scan3A_31 : i32
      %add3A_34 = arith.constant 0 : i32
      %add3A_35 = arith.addi %mul3A_33, %add3A_34 : i32
      %add3A_36 = arith.constant 2 : i32
      %add3A_37 = arith.addi %add3A_35, %add3A_36 : i32
      %dma_start3A_38 = arith.constant 0 : i32
      %dma_start3A_39 = tpu.memref_slice %arg7[%add3A_37, %dma_start3A_38] : memref<160x128xi32, #tpu.memory_space<vmem>> -> memref<1x128xi32, #tpu.memory_space<vmem>>
      %dma_start3A_40 = tpu.memref_squeeze %dma_start3A_39 : memref<1x128xi32, #tpu.memory_space<vmem>> -> memref<128xi32, #tpu.memory_space<vmem>>
      %dma_start3A_41 = arith.constant 0 : i32
      %dma_start3A_42 = arith.constant 0 : i32
      %dma_start3A_43 = tpu.memref_slice %arg4[%dma_start3A_41, %dma_start3A_42] : memref<20016x32xf32, #tpu.memory_space<hbm>> -> memref<20016x32xf32, #tpu.memory_space<hbm>>
      tpu.enqueue_indirect_dma source(%dma_start3A_43 : memref<20016x32xf32, #tpu.memory_space<hbm>>) target(%arg11 : memref<128x32xf32, #tpu.memory_space<vmem>>) offsets(%dma_start3A_40 : memref<128xi32, #tpu.memory_space<vmem>>) semaphore(%arg16 : memref<!tpu.dma_semaphore, #tpu.memory_space<semaphore_mem>>)
      %dma_wait3A = arith.constant 0 : i32
      %dma_wait3A_44 = tpu.memref_slice %arg7[%add3A_35, %dma_wait3A] : memref<160x128xi32, #tpu.memory_space<vmem>> -> memref<1x128xi32, #tpu.memory_space<vmem>>
      %dma_wait3A_45 = tpu.memref_squeeze %dma_wait3A_44 : memref<1x128xi32, #tpu.memory_space<vmem>> -> memref<128xi32, #tpu.memory_space<vmem>>
      %dma_wait3A_46 = arith.constant 0 : i32
      %dma_wait3A_47 = arith.constant 0 : i32
      %dma_wait3A_48 = tpu.memref_slice %arg4[%dma_wait3A_46, %dma_wait3A_47] : memref<20016x32xf32, #tpu.memory_space<hbm>> -> memref<20016x32xf32, #tpu.memory_space<hbm>>
      tpu.wait_indirect_dma semaphore(%arg14 : memref<!tpu.dma_semaphore, #tpu.memory_space<semaphore_mem>>) src(%dma_wait3A_48 : memref<20016x32xf32, #tpu.memory_space<hbm>>) dst(%arg9 : memref<128x32xf32, #tpu.memory_space<vmem>>)
      "tpu.region"() ({
        %run_scoped3A = tpu.sem_alloc : memref<!tpu.dma_semaphore, #tpu.memory_space<semaphore_mem>>
        %dma_start3A_94 = arith.constant 0 : i32
        %dma_start3A_95 = tpu.memref_slice %arg8[%add3A_35, %dma_start3A_94] : memref<160x128xi32, #tpu.memory_space<vmem>> -> memref<1x128xi32, #tpu.memory_space<vmem>>
        %dma_start3A_96 = tpu.memref_squeeze %dma_start3A_95 : memref<1x128xi32, #tpu.memory_space<vmem>> -> memref<128xi32, #tpu.memory_space<vmem>>
        %dma_start3A_97 = arith.constant 0 : i32
        %dma_start3A_98 = arith.constant 0 : i32
        %dma_start3A_99 = tpu.memref_slice %arg13[%dma_start3A_97, %dma_start3A_98] : memref<10112x32xf32, #tpu.memory_space<vmem_shared>> -> memref<10112x32xf32, #tpu.memory_space<vmem_shared>>
        tpu.enqueue_indirect_dma source(%arg9 : memref<128x32xf32, #tpu.memory_space<vmem>>) target(%dma_start3A_99 : memref<10112x32xf32, #tpu.memory_space<vmem_shared>>) offsets(%dma_start3A_96 : memref<128xi32, #tpu.memory_space<vmem>>) semaphore(%run_scoped3A : memref<!tpu.dma_semaphore, #tpu.memory_space<semaphore_mem>>) {add = true}
        %dma_wait3A_100 = arith.constant 0 : i32
        %dma_wait3A_101 = tpu.memref_slice %arg8[%add3A_35, %dma_wait3A_100] : memref<160x128xi32, #tpu.memory_space<vmem>> -> memref<1x128xi32, #tpu.memory_space<vmem>>
        %dma_wait3A_102 = tpu.memref_squeeze %dma_wait3A_101 : memref<1x128xi32, #tpu.memory_space<vmem>> -> memref<128xi32, #tpu.memory_space<vmem>>
        %dma_wait3A_103 = arith.constant 0 : i32
        %dma_wait3A_104 = arith.constant 0 : i32
        %dma_wait3A_105 = tpu.memref_slice %arg13[%dma_wait3A_103, %dma_wait3A_104] : memref<10112x32xf32, #tpu.memory_space<vmem_shared>> -> memref<10112x32xf32, #tpu.memory_space<vmem_shared>>
        tpu.wait_indirect_dma semaphore(%run_scoped3A : memref<!tpu.dma_semaphore, #tpu.memory_space<semaphore_mem>>) src(%arg9 : memref<128x32xf32, #tpu.memory_space<vmem>>) dst(%dma_wait3A_105 : memref<10112x32xf32, #tpu.memory_space<vmem_shared>>)
        tpu.yield
      }) : () -> ()
      %mul3A_49 = arith.constant 4 : i32
      %mul3A_50 = arith.muli %mul3A_49, %scan3A_31 : i32
      %add3A_51 = arith.constant 1 : i32
      %add3A_52 = arith.addi %mul3A_50, %add3A_51 : i32
      %add3A_53 = arith.constant 2 : i32
      %add3A_54 = arith.addi %add3A_52, %add3A_53 : i32
      %dma_start3A_55 = arith.constant 0 : i32
      %dma_start3A_56 = tpu.memref_slice %arg7[%add3A_54, %dma_start3A_55] : memref<160x128xi32, #tpu.memory_space<vmem>> -> memref<1x128xi32, #tpu.memory_space<vmem>>
      %dma_start3A_57 = tpu.memref_squeeze %dma_start3A_56 : memref<1x128xi32, #tpu.memory_space<vmem>> -> memref<128xi32, #tpu.memory_space<vmem>>
      %dma_start3A_58 = arith.constant 0 : i32
      %dma_start3A_59 = arith.constant 0 : i32
      %dma_start3A_60 = tpu.memref_slice %arg4[%dma_start3A_58, %dma_start3A_59] : memref<20016x32xf32, #tpu.memory_space<hbm>> -> memref<20016x32xf32, #tpu.memory_space<hbm>>
      tpu.enqueue_indirect_dma source(%dma_start3A_60 : memref<20016x32xf32, #tpu.memory_space<hbm>>) target(%arg12 : memref<128x32xf32, #tpu.memory_space<vmem>>) offsets(%dma_start3A_57 : memref<128xi32, #tpu.memory_space<vmem>>) semaphore(%arg17 : memref<!tpu.dma_semaphore, #tpu.memory_space<semaphore_mem>>)
      %dma_wait3A_61 = arith.constant 0 : i32
      %dma_wait3A_62 = tpu.memref_slice %arg7[%add3A_52, %dma_wait3A_61] : memref<160x128xi32, #tpu.memory_space<vmem>> -> memref<1x128xi32, #tpu.memory_space<vmem>>
      %dma_wait3A_63 = tpu.memref_squeeze %dma_wait3A_62 : memref<1x128xi32, #tpu.memory_space<vmem>> -> memref<128xi32, #tpu.memory_space<vmem>>
      %dma_wait3A_64 = arith.constant 0 : i32
      %dma_wait3A_65 = arith.constant 0 : i32
      %dma_wait3A_66 = tpu.memref_slice %arg4[%dma_wait3A_64, %dma_wait3A_65] : memref<20016x32xf32, #tpu.memory_space<hbm>> -> memref<20016x32xf32, #tpu.memory_space<hbm>>
      tpu.wait_indirect_dma semaphore(%arg15 : memref<!tpu.dma_semaphore, #tpu.memory_space<semaphore_mem>>) src(%dma_wait3A_66 : memref<20016x32xf32, #tpu.memory_space<hbm>>) dst(%arg10 : memref<128x32xf32, #tpu.memory_space<vmem>>)
      "tpu.region"() ({
        %run_scoped3A = tpu.sem_alloc : memref<!tpu.dma_semaphore, #tpu.memory_space<semaphore_mem>>
        %dma_start3A_94 = arith.constant 0 : i32
        %dma_start3A_95 = tpu.memref_slice %arg8[%add3A_52, %dma_start3A_94] : memref<160x128xi32, #tpu.memory_space<vmem>> -> memref<1x128xi32, #tpu.memory_space<vmem>>
        %dma_start3A_96 = tpu.memref_squeeze %dma_start3A_95 : memref<1x128xi32, #tpu.memory_space<vmem>> -> memref<128xi32, #tpu.memory_space<vmem>>
        %dma_start3A_97 = arith.constant 0 : i32
        %dma_start3A_98 = arith.constant 0 : i32
        %dma_start3A_99 = tpu.memref_slice %arg13[%dma_start3A_97, %dma_start3A_98] : memref<10112x32xf32, #tpu.memory_space<vmem_shared>> -> memref<10112x32xf32, #tpu.memory_space<vmem_shared>>
        tpu.enqueue_indirect_dma source(%arg10 : memref<128x32xf32, #tpu.memory_space<vmem>>) target(%dma_start3A_99 : memref<10112x32xf32, #tpu.memory_space<vmem_shared>>) offsets(%dma_start3A_96 : memref<128xi32, #tpu.memory_space<vmem>>) semaphore(%run_scoped3A : memref<!tpu.dma_semaphore, #tpu.memory_space<semaphore_mem>>) {add = true}
        %dma_wait3A_100 = arith.constant 0 : i32
        %dma_wait3A_101 = tpu.memref_slice %arg8[%add3A_52, %dma_wait3A_100] : memref<160x128xi32, #tpu.memory_space<vmem>> -> memref<1x128xi32, #tpu.memory_space<vmem>>
        %dma_wait3A_102 = tpu.memref_squeeze %dma_wait3A_101 : memref<1x128xi32, #tpu.memory_space<vmem>> -> memref<128xi32, #tpu.memory_space<vmem>>
        %dma_wait3A_103 = arith.constant 0 : i32
        %dma_wait3A_104 = arith.constant 0 : i32
        %dma_wait3A_105 = tpu.memref_slice %arg13[%dma_wait3A_103, %dma_wait3A_104] : memref<10112x32xf32, #tpu.memory_space<vmem_shared>> -> memref<10112x32xf32, #tpu.memory_space<vmem_shared>>
        tpu.wait_indirect_dma semaphore(%run_scoped3A : memref<!tpu.dma_semaphore, #tpu.memory_space<semaphore_mem>>) src(%arg10 : memref<128x32xf32, #tpu.memory_space<vmem>>) dst(%dma_wait3A_105 : memref<10112x32xf32, #tpu.memory_space<vmem_shared>>)
        tpu.yield
      }) : () -> ()
      %mul3A_67 = arith.constant 4 : i32
      %mul3A_68 = arith.muli %mul3A_67, %scan3A_31 : i32
      %add3A_69 = arith.constant 2 : i32
      %add3A_70 = arith.addi %mul3A_68, %add3A_69 : i32
      %lt3A = arith.constant 39 : i32
      %lt3A_71 = arith.cmpi slt, %scan3A_31, %lt3A : i32
      %convert_element_type3A = arith.extui %lt3A_71 : i1 to i32
      %cond3A = arith.constant 0 : i32
      %cond3A_72 = arith.cmpi ne, %convert_element_type3A, %cond3A : i32
      scf.if %cond3A_72 {
        %add3A_94 = arith.constant 2 : i32
        %add3A_95 = arith.addi %add3A_70, %add3A_94 : i32
        %dma_start3A_96 = arith.constant 0 : i32
        %dma_start3A_97 = tpu.memref_slice %arg7[%add3A_95, %dma_start3A_96] : memref<160x128xi32, #tpu.memory_space<vmem>> -> memref<1x128xi32, #tpu.memory_space<vmem>>
        %dma_start3A_98 = tpu.memref_squeeze %dma_start3A_97 : memref<1x128xi32, #tpu.memory_space<vmem>> -> memref<128xi32, #tpu.memory_space<vmem>>
        %dma_start3A_99 = arith.constant 0 : i32
        %dma_start3A_100 = arith.constant 0 : i32
        %dma_start3A_101 = tpu.memref_slice %arg4[%dma_start3A_99, %dma_start3A_100] : memref<20016x32xf32, #tpu.memory_space<hbm>> -> memref<20016x32xf32, #tpu.memory_space<hbm>>
        tpu.enqueue_indirect_dma source(%dma_start3A_101 : memref<20016x32xf32, #tpu.memory_space<hbm>>) target(%arg9 : memref<128x32xf32, #tpu.memory_space<vmem>>) offsets(%dma_start3A_98 : memref<128xi32, #tpu.memory_space<vmem>>) semaphore(%arg14 : memref<!tpu.dma_semaphore, #tpu.memory_space<semaphore_mem>>)
      } else {
      }
      %dma_wait3A_73 = arith.constant 0 : i32
      %dma_wait3A_74 = tpu.memref_slice %arg7[%add3A_70, %dma_wait3A_73] : memref<160x128xi32, #tpu.memory_space<vmem>> -> memref<1x128xi32, #tpu.memory_space<vmem>>
      %dma_wait3A_75 = tpu.memref_squeeze %dma_wait3A_74 : memref<1x128xi32, #tpu.memory_space<vmem>> -> memref<128xi32, #tpu.memory_space<vmem>>
      %dma_wait3A_76 = arith.constant 0 : i32
      %dma_wait3A_77 = arith.constant 0 : i32
      %dma_wait3A_78 = tpu.memref_slice %arg4[%dma_wait3A_76, %dma_wait3A_77] : memref<20016x32xf32, #tpu.memory_space<hbm>> -> memref<20016x32xf32, #tpu.memory_space<hbm>>
      tpu.wait_indirect_dma semaphore(%arg16 : memref<!tpu.dma_semaphore, #tpu.memory_space<semaphore_mem>>) src(%dma_wait3A_78 : memref<20016x32xf32, #tpu.memory_space<hbm>>) dst(%arg11 : memref<128x32xf32, #tpu.memory_space<vmem>>)
      "tpu.region"() ({
        %run_scoped3A = tpu.sem_alloc : memref<!tpu.dma_semaphore, #tpu.memory_space<semaphore_mem>>
        %dma_start3A_94 = arith.constant 0 : i32
        %dma_start3A_95 = tpu.memref_slice %arg8[%add3A_70, %dma_start3A_94] : memref<160x128xi32, #tpu.memory_space<vmem>> -> memref<1x128xi32, #tpu.memory_space<vmem>>
        %dma_start3A_96 = tpu.memref_squeeze %dma_start3A_95 : memref<1x128xi32, #tpu.memory_space<vmem>> -> memref<128xi32, #tpu.memory_space<vmem>>
        %dma_start3A_97 = arith.constant 0 : i32
        %dma_start3A_98 = arith.constant 0 : i32
        %dma_start3A_99 = tpu.memref_slice %arg13[%dma_start3A_97, %dma_start3A_98] : memref<10112x32xf32, #tpu.memory_space<vmem_shared>> -> memref<10112x32xf32, #tpu.memory_space<vmem_shared>>
        tpu.enqueue_indirect_dma source(%arg11 : memref<128x32xf32, #tpu.memory_space<vmem>>) target(%dma_start3A_99 : memref<10112x32xf32, #tpu.memory_space<vmem_shared>>) offsets(%dma_start3A_96 : memref<128xi32, #tpu.memory_space<vmem>>) semaphore(%run_scoped3A : memref<!tpu.dma_semaphore, #tpu.memory_space<semaphore_mem>>) {add = true}
        %dma_wait3A_100 = arith.constant 0 : i32
        %dma_wait3A_101 = tpu.memref_slice %arg8[%add3A_70, %dma_wait3A_100] : memref<160x128xi32, #tpu.memory_space<vmem>> -> memref<1x128xi32, #tpu.memory_space<vmem>>
        %dma_wait3A_102 = tpu.memref_squeeze %dma_wait3A_101 : memref<1x128xi32, #tpu.memory_space<vmem>> -> memref<128xi32, #tpu.memory_space<vmem>>
        %dma_wait3A_103 = arith.constant 0 : i32
        %dma_wait3A_104 = arith.constant 0 : i32
        %dma_wait3A_105 = tpu.memref_slice %arg13[%dma_wait3A_103, %dma_wait3A_104] : memref<10112x32xf32, #tpu.memory_space<vmem_shared>> -> memref<10112x32xf32, #tpu.memory_space<vmem_shared>>
        tpu.wait_indirect_dma semaphore(%run_scoped3A : memref<!tpu.dma_semaphore, #tpu.memory_space<semaphore_mem>>) src(%arg11 : memref<128x32xf32, #tpu.memory_space<vmem>>) dst(%dma_wait3A_105 : memref<10112x32xf32, #tpu.memory_space<vmem_shared>>)
        tpu.yield
      }) : () -> ()
      %mul3A_79 = arith.constant 4 : i32
      %mul3A_80 = arith.muli %mul3A_79, %scan3A_31 : i32
      %add3A_81 = arith.constant 3 : i32
      %add3A_82 = arith.addi %mul3A_80, %add3A_81 : i32
      %lt3A_83 = arith.constant 39 : i32
      %lt3A_84 = arith.cmpi slt, %scan3A_31, %lt3A_83 : i32
      %convert_element_type3A_85 = arith.extui %lt3A_84 : i1 to i32
      %cond3A_86 = arith.constant 0 : i32
      %cond3A_87 = arith.cmpi ne, %convert_element_type3A_85, %cond3A_86 : i32
      scf.if %cond3A_87 {
        %add3A_94 = arith.constant 2 : i32
        %add3A_95 = arith.addi %add3A_82, %add3A_94 : i32
        %dma_start3A_96 = arith.constant 0 : i32
        %dma_start3A_97 = tpu.memref_slice %arg7[%add3A_95, %dma_start3A_96] : memref<160x128xi32, #tpu.memory_space<vmem>> -> memref<1x128xi32, #tpu.memory_space<vmem>>
        %dma_start3A_98 = tpu.memref_squeeze %dma_start3A_97 : memref<1x128xi32, #tpu.memory_space<vmem>> -> memref<128xi32, #tpu.memory_space<vmem>>
        %dma_start3A_99 = arith.constant 0 : i32
        %dma_start3A_100 = arith.constant 0 : i32
        %dma_start3A_101 = tpu.memref_slice %arg4[%dma_start3A_99, %dma_start3A_100] : memref<20016x32xf32, #tpu.memory_space<hbm>> -> memref<20016x32xf32, #tpu.memory_space<hbm>>
        tpu.enqueue_indirect_dma source(%dma_start3A_101 : memref<20016x32xf32, #tpu.memory_space<hbm>>) target(%arg10 : memref<128x32xf32, #tpu.memory_space<vmem>>) offsets(%dma_start3A_98 : memref<128xi32, #tpu.memory_space<vmem>>) semaphore(%arg15 : memref<!tpu.dma_semaphore, #tpu.memory_space<semaphore_mem>>)
      } else {
      }
      %dma_wait3A_88 = arith.constant 0 : i32
      %dma_wait3A_89 = tpu.memref_slice %arg7[%add3A_82, %dma_wait3A_88] : memref<160x128xi32, #tpu.memory_space<vmem>> -> memref<1x128xi32, #tpu.memory_space<vmem>>
      %dma_wait3A_90 = tpu.memref_squeeze %dma_wait3A_89 : memref<1x128xi32, #tpu.memory_space<vmem>> -> memref<128xi32, #tpu.memory_space<vmem>>
      %dma_wait3A_91 = arith.constant 0 : i32
      %dma_wait3A_92 = arith.constant 0 : i32
      %dma_wait3A_93 = tpu.memref_slice %arg4[%dma_wait3A_91, %dma_wait3A_92] : memref<20016x32xf32, #tpu.memory_space<hbm>> -> memref<20016x32xf32, #tpu.memory_space<hbm>>
      tpu.wait_indirect_dma semaphore(%arg17 : memref<!tpu.dma_semaphore, #tpu.memory_space<semaphore_mem>>) src(%dma_wait3A_93 : memref<20016x32xf32, #tpu.memory_space<hbm>>) dst(%arg12 : memref<128x32xf32, #tpu.memory_space<vmem>>)
      "tpu.region"() ({
        %run_scoped3A = tpu.sem_alloc : memref<!tpu.dma_semaphore, #tpu.memory_space<semaphore_mem>>
        %dma_start3A_94 = arith.constant 0 : i32
        %dma_start3A_95 = tpu.memref_slice %arg8[%add3A_82, %dma_start3A_94] : memref<160x128xi32, #tpu.memory_space<vmem>> -> memref<1x128xi32, #tpu.memory_space<vmem>>
        %dma_start3A_96 = tpu.memref_squeeze %dma_start3A_95 : memref<1x128xi32, #tpu.memory_space<vmem>> -> memref<128xi32, #tpu.memory_space<vmem>>
        %dma_start3A_97 = arith.constant 0 : i32
        %dma_start3A_98 = arith.constant 0 : i32
        %dma_start3A_99 = tpu.memref_slice %arg13[%dma_start3A_97, %dma_start3A_98] : memref<10112x32xf32, #tpu.memory_space<vmem_shared>> -> memref<10112x32xf32, #tpu.memory_space<vmem_shared>>
        tpu.enqueue_indirect_dma source(%arg12 : memref<128x32xf32, #tpu.memory_space<vmem>>) target(%dma_start3A_99 : memref<10112x32xf32, #tpu.memory_space<vmem_shared>>) offsets(%dma_start3A_96 : memref<128xi32, #tpu.memory_space<vmem>>) semaphore(%run_scoped3A : memref<!tpu.dma_semaphore, #tpu.memory_space<semaphore_mem>>) {add = true}
        %dma_wait3A_100 = arith.constant 0 : i32
        %dma_wait3A_101 = tpu.memref_slice %arg8[%add3A_82, %dma_wait3A_100] : memref<160x128xi32, #tpu.memory_space<vmem>> -> memref<1x128xi32, #tpu.memory_space<vmem>>
        %dma_wait3A_102 = tpu.memref_squeeze %dma_wait3A_101 : memref<1x128xi32, #tpu.memory_space<vmem>> -> memref<128xi32, #tpu.memory_space<vmem>>
        %dma_wait3A_103 = arith.constant 0 : i32
        %dma_wait3A_104 = arith.constant 0 : i32
        %dma_wait3A_105 = tpu.memref_slice %arg13[%dma_wait3A_103, %dma_wait3A_104] : memref<10112x32xf32, #tpu.memory_space<vmem_shared>> -> memref<10112x32xf32, #tpu.memory_space<vmem_shared>>
        tpu.wait_indirect_dma semaphore(%run_scoped3A : memref<!tpu.dma_semaphore, #tpu.memory_space<semaphore_mem>>) src(%arg12 : memref<128x32xf32, #tpu.memory_space<vmem>>) dst(%dma_wait3A_105 : memref<10112x32xf32, #tpu.memory_space<vmem_shared>>)
        tpu.yield
      }) : () -> ()
    }
    %scan3A_22 = arith.constant 40 : i32
    %barrier3A_23 = arith.constant 0 : index
    tpu.barrier barrier_id(%barrier3A_23)
    %mul3A_24 = arith.constant 10000 : i32
    %mul3A_25 = arith.muli %arg0, %mul3A_24 : i32
    %mul3A_26 = arith.constant 624 : i32
    %mul3A_27 = arith.muli %arg1, %mul3A_26 : i32
    %add3A_28 = arith.addi %mul3A_25, %mul3A_27 : i32
    %mul3A_29 = arith.constant 624 : i32
    %mul3A_30 = arith.muli %arg1, %mul3A_29 : i32
    "tpu.region"() ({
      %run_scoped3A = tpu.sem_alloc : memref<!tpu.dma_semaphore, #tpu.memory_space<semaphore_mem>>
      %dma_start3A_31 = arith.constant 0 : i32
      %dma_start3A_32 = tpu.memref_slice %arg6[%add3A_28, %dma_start3A_31] : memref<20000x32xf32, #tpu.memory_space<hbm>> -> memref<640x32xf32, #tpu.memory_space<hbm>>
      %dma_start3A_33 = arith.constant 0 : i32
      %dma_start3A_34 = tpu.memref_slice %arg13[%mul3A_30, %dma_start3A_33] : memref<10112x32xf32, #tpu.memory_space<vmem_shared>> -> memref<640x32xf32, #tpu.memory_space<vmem_shared>>
      tpu.enqueue_dma source(%dma_start3A_34 : memref<640x32xf32, #tpu.memory_space<vmem_shared>>) target(%dma_start3A_32 : memref<640x32xf32, #tpu.memory_space<hbm>>) target_semaphore(%run_scoped3A : memref<!tpu.dma_semaphore, #tpu.memory_space<semaphore_mem>>)
      %dma_wait3A = arith.constant 0 : i32
      %dma_wait3A_35 = tpu.memref_slice %arg6[%add3A_28, %dma_wait3A] : memref<20000x32xf32, #tpu.memory_space<hbm>> -> memref<640x32xf32, #tpu.memory_space<hbm>>
      %dma_wait3A_36 = arith.constant 0 : i32
      %dma_wait3A_37 = tpu.memref_slice %arg13[%mul3A_30, %dma_wait3A_36] : memref<10112x32xf32, #tpu.memory_space<vmem_shared>> -> memref<640x32xf32, #tpu.memory_space<vmem_shared>>
      tpu.wait_dma2 semaphore(%run_scoped3A : memref<!tpu.dma_semaphore, #tpu.memory_space<semaphore_mem>>) src(%dma_wait3A_37 : memref<640x32xf32, #tpu.memory_space<vmem_shared>>) dst(%dma_wait3A_35 : memref<640x32xf32, #tpu.memory_space<hbm>>)
      tpu.yield
    }) : () -> ()
    return
  }
}

module attributes {stable_mosaic.version = 14 : i64} {
  func.func @_tc1_body(%arg0: i32, %arg1: memref<1000x128xf32, #tpu.memory_space<vmem>>, %arg2: memref<1x128x32xf32, #tpu.memory_space<vmem>>, %arg3: memref<1x128x32xf32, #tpu.memory_space<vmem>>, %arg4: memref<1x1x32xf32, #tpu.memory_space<vmem>>, %arg5: memref<1000x32xf32, #tpu.memory_space<vmem>>, %arg6: memref<1000x32xf32, #tpu.memory_space<vmem>>) attributes {dimension_semantics = [#tpu.dimension_semantics<arbitrary>], iteration_bounds = array<i64: 20>, scalar_prefetch = 0 : i64, scratch_operands = 0 : i64, tpu.core_type = #tpu.core_type<tc>, window_params = [{transform_indices = @transform_0, window_bounds = array<i64: 1000, 128>}, {transform_indices = @transform_1, window_bounds = array<i64: 1, 128, 32>}, {transform_indices = @transform_2, window_bounds = array<i64: 1, 128, 32>}, {transform_indices = @transform_3, window_bounds = array<i64: 1, 1, 32>}, {transform_indices = @transform_4, window_bounds = array<i64: 1000, 32>}, {transform_indices = @transform_5, window_bounds = array<i64: 1000, 32>}]} {
    %get3A = arith.constant 0 : index
    %get3A_0 = arith.constant 0 : index
    %get3A_1 = vector.load %arg1[%get3A, %get3A_0] : memref<1000x128xf32, #tpu.memory_space<vmem>>, vector<1000x128xf32>
    %get3A_2 = arith.constant 0 : index
    %get3A_3 = arith.constant 0 : index
    %get3A_4 = arith.constant 0 : index
    %get3A_5 = vector.load %arg2[%get3A_2, %get3A_3, %get3A_4] : memref<1x128x32xf32, #tpu.memory_space<vmem>>, vector<1x128x32xf32>
    %get3A_6 = vector.shape_cast %get3A_5 : vector<1x128x32xf32> to vector<128x32xf32>
    %convert_element_type3A = arith.truncf %get3A_1 : vector<1000x128xf32> to vector<1000x128xbf16>
    %convert_element_type3A_7 = arith.truncf %get3A_6 : vector<128x32xf32> to vector<128x32xbf16>
    %dot_general3A = arith.constant dense<0.000000e+00> : vector<1000x32xf32>
    %dot_general3A_8 = tpu.matmul %convert_element_type3A, %convert_element_type3A_7, %dot_general3A {dimension_numbers = #tpu.dot_dimension_numbers<[1], [0], [0], [1], [0, 0, 1, 1], [], []>, transpose_lhs_hint = false} : vector<1000x128xbf16>, vector<128x32xbf16>, vector<1000x32xf32> -> vector<1000x32xf32>
    %swap3A = arith.constant 0 : index
    %swap3A_9 = arith.constant 0 : index
    %swap3A_10 = vector.load %arg5[%swap3A, %swap3A_9] : memref<1000x32xf32, #tpu.memory_space<vmem>>, vector<1000x32xf32>
    tpu.vector_store %arg5[%swap3A, %swap3A_9], %dot_general3A_8 {strides = array<i32>} : memref<1000x32xf32, #tpu.memory_space<vmem>>, vector<1000x32xf32>,
    %get3A_11 = arith.constant 0 : index
    %get3A_12 = arith.constant 0 : index
    %get3A_13 = arith.constant 0 : index
    %get3A_14 = vector.load %arg3[%get3A_11, %get3A_12, %get3A_13] : memref<1x128x32xf32, #tpu.memory_space<vmem>>, vector<1x128x32xf32>
    %get3A_15 = vector.shape_cast %get3A_14 : vector<1x128x32xf32> to vector<128x32xf32>
    %convert_element_type3A_16 = arith.truncf %get3A_1 : vector<1000x128xf32> to vector<1000x128xbf16>
    %convert_element_type3A_17 = arith.truncf %get3A_15 : vector<128x32xf32> to vector<128x32xbf16>
    %dot_general3A_18 = arith.constant dense<0.000000e+00> : vector<1000x32xf32>
    %dot_general3A_19 = tpu.matmul %convert_element_type3A_16, %convert_element_type3A_17, %dot_general3A_18 {dimension_numbers = #tpu.dot_dimension_numbers<[1], [0], [0], [1], [0, 0, 1, 1], [], []>, transpose_lhs_hint = false} : vector<1000x128xbf16>, vector<128x32xbf16>, vector<1000x32xf32> -> vector<1000x32xf32>
    %get3A_20 = arith.constant 0 : index
    %get3A_21 = arith.constant 0 : index
    %get3A_22 = arith.constant 0 : index
    %get3A_23 = vector.load %arg4[%get3A_20, %get3A_21, %get3A_22] : memref<1x1x32xf32, #tpu.memory_space<vmem>>, vector<1x1x32xf32>
    %get3A_24 = vector.shape_cast %get3A_23 : vector<1x1x32xf32> to vector<1x32xf32>
    %add3A = vector.broadcast %get3A_24 : vector<1x32xf32> to vector<1000x32xf32>
    %add3A_25 = arith.addf %dot_general3A_19, %add3A : vector<1000x32xf32>
    %max3A = arith.constant 0.000000e+00 : f32
    %max3A_26 = vector.broadcast %max3A : f32 to vector<1000x32xf32>
    %max3A_27 = arith.maximumf %add3A_25, %max3A_26 : vector<1000x32xf32>
    %swap3A_28 = arith.constant 0 : index
    %swap3A_29 = arith.constant 0 : index
    %swap3A_30 = vector.load %arg6[%swap3A_28, %swap3A_29] : memref<1000x32xf32, #tpu.memory_space<vmem>>, vector<1000x32xf32>
    tpu.vector_store %arg6[%swap3A_28, %swap3A_29], %max3A_27 {strides = array<i32>} : memref<1000x32xf32, #tpu.memory_space<vmem>>, vector<1000x32xf32>,
    return
  }
  func.func @transform_0(%arg0: i32) -> (i32, i32) {
    %c0_i32 = arith.constant 0 : i32
    %c0_i32_0 = arith.constant 0 : i32
    return %arg0, %c0_i32 : i32, i32
  }
  func.func @transform_1(%arg0: i32) -> (i32, i32, i32) {
    %jit3A = arith.constant 10 : i32
    %div3A = arith.divsi %arg0, %jit3A : i32
    %sign3A = arith.constant 0 : i32
    %sign3A_0 = arith.cmpi sgt, %arg0, %sign3A : i32
    %sign3A_1 = arith.extui %sign3A_0 : i1 to i32
    %sign3A_2 = arith.constant 0 : i32
    %sign3A_3 = arith.cmpi slt, %arg0, %sign3A_2 : i32
    %sign3A_4 = arith.extui %sign3A_3 : i1 to i32
    %sign3A_5 = arith.subi %sign3A_1, %sign3A_4 : i32
    %sign3A_6 = arith.constant 0 : i32
    %sign3A_7 = arith.cmpi sgt, %jit3A, %sign3A_6 : i32
    %sign3A_8 = arith.extui %sign3A_7 : i1 to i32
    %sign3A_9 = arith.constant 0 : i32
    %sign3A_10 = arith.cmpi slt, %jit3A, %sign3A_9 : i32
    %sign3A_11 = arith.extui %sign3A_10 : i1 to i32
    %sign3A_12 = arith.subi %sign3A_8, %sign3A_11 : i32
    %ne3A = arith.cmpi ne, %sign3A_5, %sign3A_12 : i32
    %rem3A = arith.remsi %arg0, %jit3A : i32
    %ne3A_13 = arith.constant 0 : i32
    %ne3A_14 = arith.cmpi ne, %rem3A, %ne3A_13 : i32
    %and3A = arith.andi %ne3A, %ne3A_14 : i1
    %sub3A = arith.constant 1 : i32
    %sub3A_15 = arith.subi %div3A, %sub3A : i32
    %select_n3A = arith.select %and3A, %sub3A_15, %div3A : i32
    %c0_i32 = arith.constant 0 : i32
    %c0_i32_16 = arith.constant 0 : i32
    %c0_i32_17 = arith.constant 0 : i32
    return %select_n3A, %c0_i32, %c0_i32_16 : i32, i32, i32
  }
  func.func @transform_2(%arg0: i32) -> (i32, i32, i32) {
    %jit3A = arith.constant 10 : i32
    %div3A = arith.divsi %arg0, %jit3A : i32
    %sign3A = arith.constant 0 : i32
    %sign3A_0 = arith.cmpi sgt, %arg0, %sign3A : i32
    %sign3A_1 = arith.extui %sign3A_0 : i1 to i32
    %sign3A_2 = arith.constant 0 : i32
    %sign3A_3 = arith.cmpi slt, %arg0, %sign3A_2 : i32
    %sign3A_4 = arith.extui %sign3A_3 : i1 to i32
    %sign3A_5 = arith.subi %sign3A_1, %sign3A_4 : i32
    %sign3A_6 = arith.constant 0 : i32
    %sign3A_7 = arith.cmpi sgt, %jit3A, %sign3A_6 : i32
    %sign3A_8 = arith.extui %sign3A_7 : i1 to i32
    %sign3A_9 = arith.constant 0 : i32
    %sign3A_10 = arith.cmpi slt, %jit3A, %sign3A_9 : i32
    %sign3A_11 = arith.extui %sign3A_10 : i1 to i32
    %sign3A_12 = arith.subi %sign3A_8, %sign3A_11 : i32
    %ne3A = arith.cmpi ne, %sign3A_5, %sign3A_12 : i32
    %rem3A = arith.remsi %arg0, %jit3A : i32
    %ne3A_13 = arith.constant 0 : i32
    %ne3A_14 = arith.cmpi ne, %rem3A, %ne3A_13 : i32
    %and3A = arith.andi %ne3A, %ne3A_14 : i1
    %sub3A = arith.constant 1 : i32
    %sub3A_15 = arith.subi %div3A, %sub3A : i32
    %select_n3A = arith.select %and3A, %sub3A_15, %div3A : i32
    %c0_i32 = arith.constant 0 : i32
    %c0_i32_16 = arith.constant 0 : i32
    %c0_i32_17 = arith.constant 0 : i32
    return %select_n3A, %c0_i32, %c0_i32_16 : i32, i32, i32
  }
  func.func @transform_3(%arg0: i32) -> (i32, i32, i32) {
    %jit3A = arith.constant 10 : i32
    %div3A = arith.divsi %arg0, %jit3A : i32
    %sign3A = arith.constant 0 : i32
    %sign3A_0 = arith.cmpi sgt, %arg0, %sign3A : i32
    %sign3A_1 = arith.extui %sign3A_0 : i1 to i32
    %sign3A_2 = arith.constant 0 : i32
    %sign3A_3 = arith.cmpi slt, %arg0, %sign3A_2 : i32
    %sign3A_4 = arith.extui %sign3A_3 : i1 to i32
    %sign3A_5 = arith.subi %sign3A_1, %sign3A_4 : i32
    %sign3A_6 = arith.constant 0 : i32
    %sign3A_7 = arith.cmpi sgt, %jit3A, %sign3A_6 : i32
    %sign3A_8 = arith.extui %sign3A_7 : i1 to i32
    %sign3A_9 = arith.constant 0 : i32
    %sign3A_10 = arith.cmpi slt, %jit3A, %sign3A_9 : i32
    %sign3A_11 = arith.extui %sign3A_10 : i1 to i32
    %sign3A_12 = arith.subi %sign3A_8, %sign3A_11 : i32
    %ne3A = arith.cmpi ne, %sign3A_5, %sign3A_12 : i32
    %rem3A = arith.remsi %arg0, %jit3A : i32
    %ne3A_13 = arith.constant 0 : i32
    %ne3A_14 = arith.cmpi ne, %rem3A, %ne3A_13 : i32
    %and3A = arith.andi %ne3A, %ne3A_14 : i1
    %sub3A = arith.constant 1 : i32
    %sub3A_15 = arith.subi %div3A, %sub3A : i32
    %select_n3A = arith.select %and3A, %sub3A_15, %div3A : i32
    %c0_i32 = arith.constant 0 : i32
    %c0_i32_16 = arith.constant 0 : i32
    %c0_i32_17 = arith.constant 0 : i32
    return %select_n3A, %c0_i32, %c0_i32_16 : i32, i32, i32
  }
  func.func @transform_4(%arg0: i32) -> (i32, i32) {
    %c0_i32 = arith.constant 0 : i32
    %c0_i32_0 = arith.constant 0 : i32
    return %arg0, %c0_i32 : i32, i32
  }
  func.func @transform_5(%arg0: i32) -> (i32, i32) {
    %c0_i32 = arith.constant 0 : i32
    %c0_i32_0 = arith.constant 0 : i32
    return %arg0, %c0_i32 : i32, i32
  }
}

module attributes {stable_mosaic.version = 14 : i64} {
  func.func @_tc1b_body(%arg0: i32, %arg1: memref<1000x32xf32, #tpu.memory_space<vmem>>, %arg2: memref<1000x8xf32, #tpu.memory_space<vmem>>, %arg3: memref<1000x32xf32, #tpu.memory_space<vmem>>) attributes {dimension_semantics = [#tpu.dimension_semantics<arbitrary>], iteration_bounds = array<i64: 20>, scalar_prefetch = 0 : i64, scratch_operands = 0 : i64, tpu.core_type = #tpu.core_type<tc>, window_params = [{transform_indices = @transform_0, window_bounds = array<i64: 1000, 32>}, {transform_indices = @transform_1, window_bounds = array<i64: 1000, 8>}, {transform_indices = @transform_2, window_bounds = array<i64: 1000, 32>}]} {
    %get3A = arith.constant 0 : index
    %get3A_0 = arith.constant 0 : index
    %get3A_1 = vector.load %arg2[%get3A, %get3A_0] : memref<1000x8xf32, #tpu.memory_space<vmem>>, vector<1000x1xf32>
    %gt3A = arith.constant 0.000000e+00 : f32
    %gt3A_2 = vector.broadcast %gt3A : f32 to vector<1000x1xf32>
    %gt3A_3 = arith.cmpf ogt, %get3A_1, %gt3A_2 : vector<1000x1xf32>
    %rsqrt3A = math.rsqrt %get3A_1 : vector<1000x1xf32>
    %jit3A = arith.constant 0.000000e+00 : f32
    %broadcast_in_dim3A = vector.broadcast %jit3A : f32 to vector<1000x1xf32>
    %select_n3A = arith.select %gt3A_3, %rsqrt3A, %broadcast_in_dim3A : vector<1000x1xi1>, vector<1000x1xf32>
    %get3A_4 = arith.constant 0 : index
    %get3A_5 = arith.constant 0 : index
    %get3A_6 = vector.load %arg1[%get3A_4, %get3A_5] : memref<1000x32xf32, #tpu.memory_space<vmem>>, vector<1000x32xf32>
    %mul3A = vector.broadcast %select_n3A : vector<1000x1xf32> to vector<1000x32xf32>
    %mul3A_7 = arith.mulf %get3A_6, %mul3A : vector<1000x32xf32>
    %swap3A = arith.constant 0 : index
    %swap3A_8 = arith.constant 0 : index
    %swap3A_9 = vector.load %arg3[%swap3A, %swap3A_8] : memref<1000x32xf32, #tpu.memory_space<vmem>>, vector<1000x32xf32>
    tpu.vector_store %arg3[%swap3A, %swap3A_8], %mul3A_7 {strides = array<i32>} : memref<1000x32xf32, #tpu.memory_space<vmem>>, vector<1000x32xf32>,
    return
  }
  func.func @transform_0(%arg0: i32) -> (i32, i32) {
    %c0_i32 = arith.constant 0 : i32
    %c0_i32_0 = arith.constant 0 : i32
    return %arg0, %c0_i32 : i32, i32
  }
  func.func @transform_1(%arg0: i32) -> (i32, i32) {
    %c0_i32 = arith.constant 0 : i32
    %c0_i32_0 = arith.constant 0 : i32
    return %arg0, %c0_i32 : i32, i32
  }
  func.func @transform_2(%arg0: i32) -> (i32, i32) {
    %c0_i32 = arith.constant 0 : i32
    %c0_i32_0 = arith.constant 0 : i32
    return %arg0, %c0_i32 : i32, i32
  }
}

module attributes {stable_mosaic.version = 14 : i64} {
  func.func @_tc2_body(%arg0: i32, %arg1: memref<1000x32xf32, #tpu.memory_space<vmem>>, %arg2: memref<1000x8xf32, #tpu.memory_space<vmem>>, %arg3: memref<1000x8xf32, #tpu.memory_space<vmem>>, %arg4: memref<1000x32xf32, #tpu.memory_space<vmem>>, %arg5: memref<1x1x32xf32, #tpu.memory_space<vmem>>, %arg6: memref<1x1x32xf32, #tpu.memory_space<vmem>>, %arg7: memref<1x1x32xf32, #tpu.memory_space<vmem>>, %arg8: memref<1x32x32xf32, #tpu.memory_space<vmem>>, %arg9: memref<1x32x32xf32, #tpu.memory_space<vmem>>, %arg10: memref<1x1x32xf32, #tpu.memory_space<vmem>>, %arg11: memref<1000x32xf32, #tpu.memory_space<vmem>>, %arg12: memref<1000x32xf32, #tpu.memory_space<vmem>>) attributes {dimension_semantics = [#tpu.dimension_semantics<arbitrary>], iteration_bounds = array<i64: 20>, scalar_prefetch = 0 : i64, scratch_operands = 0 : i64, tpu.core_type = #tpu.core_type<tc>, window_params = [{transform_indices = @transform_0, window_bounds = array<i64: 1000, 32>}, {transform_indices = @transform_1, window_bounds = array<i64: 1000, 8>}, {transform_indices = @transform_2, window_bounds = array<i64: 1000, 8>}, {transform_indices = @transform_3, window_bounds = array<i64: 1000, 32>}, {transform_indices = @transform_4, window_bounds = array<i64: 1, 1, 32>}, {transform_indices = @transform_5, window_bounds = array<i64: 1, 1, 32>}, {transform_indices = @transform_6, window_bounds = array<i64: 1, 1, 32>}, {transform_indices = @transform_7, window_bounds = array<i64: 1, 32, 32>}, {transform_indices = @transform_8, window_bounds = array<i64: 1, 32, 32>}, {transform_indices = @transform_9, window_bounds = array<i64: 1, 1, 32>}, {transform_indices = @transform_10, window_bounds = array<i64: 1000, 32>}, {transform_indices = @transform_11, window_bounds = array<i64: 1000, 32>}]} {
    %get3A = arith.constant 0 : index
    %get3A_0 = arith.constant 0 : index
    %get3A_1 = vector.load %arg2[%get3A, %get3A_0] : memref<1000x8xf32, #tpu.memory_space<vmem>>, vector<1000x1xf32>
    %get3A_2 = arith.constant 0 : index
    %get3A_3 = arith.constant 0 : index
    %get3A_4 = vector.load %arg3[%get3A_2, %get3A_3] : memref<1000x8xf32, #tpu.memory_space<vmem>>, vector<1000x1xf32>
    %gt3A = arith.constant 0.000000e+00 : f32
    %gt3A_5 = vector.broadcast %gt3A : f32 to vector<1000x1xf32>
    %gt3A_6 = arith.cmpf ogt, %get3A_1, %gt3A_5 : vector<1000x1xf32>
    %rsqrt3A = math.rsqrt %get3A_1 : vector<1000x1xf32>
    %jit3A = arith.constant 0.000000e+00 : f32
    %broadcast_in_dim3A = vector.broadcast %jit3A : f32 to vector<1000x1xf32>
    %select_n3A = arith.select %gt3A_6, %rsqrt3A, %broadcast_in_dim3A : vector<1000x1xi1>, vector<1000x1xf32>
    %gt3A_7 = arith.constant 0.000000e+00 : f32
    %gt3A_8 = vector.broadcast %gt3A_7 : f32 to vector<1000x1xf32>
    %gt3A_9 = arith.cmpf ogt, %get3A_4, %gt3A_8 : vector<1000x1xf32>
    %rsqrt3A_10 = math.rsqrt %get3A_4 : vector<1000x1xf32>
    %jit3A_11 = arith.constant 0.000000e+00 : f32
    %broadcast_in_dim3A_12 = vector.broadcast %jit3A_11 : f32 to vector<1000x1xf32>
    %select_n3A_13 = arith.select %gt3A_9, %rsqrt3A_10, %broadcast_in_dim3A_12 : vector<1000x1xi1>, vector<1000x1xf32>
    %get3A_14 = arith.constant 0 : index
    %get3A_15 = arith.constant 0 : index
    %get3A_16 = vector.load %arg1[%get3A_14, %get3A_15] : memref<1000x32xf32, #tpu.memory_space<vmem>>, vector<1000x32xf32>
    %mul3A = vector.broadcast %select_n3A_13 : vector<1000x1xf32> to vector<1000x32xf32>
    %mul3A_17 = arith.mulf %get3A_16, %mul3A : vector<1000x32xf32>
    %get3A_18 = arith.constant 0 : index
    %get3A_19 = arith.constant 0 : index
    %get3A_20 = arith.constant 0 : index
    %get3A_21 = vector.load %arg5[%get3A_18, %get3A_19, %get3A_20] : memref<1x1x32xf32, #tpu.memory_space<vmem>>, vector<1x1x32xf32>
    %get3A_22 = vector.shape_cast %get3A_21 : vector<1x1x32xf32> to vector<1x32xf32>
    %add3A = vector.broadcast %get3A_22 : vector<1x32xf32> to vector<1000x32xf32>
    %add3A_23 = arith.addf %mul3A_17, %add3A : vector<1000x32xf32>
    %max3A = arith.constant 0.000000e+00 : f32
    %max3A_24 = vector.broadcast %max3A : f32 to vector<1000x32xf32>
    %max3A_25 = arith.maximumf %add3A_23, %max3A_24 : vector<1000x32xf32>
    %get3A_26 = arith.constant 0 : index
    %get3A_27 = arith.constant 0 : index
    %get3A_28 = arith.constant 0 : index
    %get3A_29 = vector.load %arg6[%get3A_26, %get3A_27, %get3A_28] : memref<1x1x32xf32, #tpu.memory_space<vmem>>, vector<1x1x32xf32>
    %get3A_30 = vector.shape_cast %get3A_29 : vector<1x1x32xf32> to vector<1x32xf32>
    %get3A_31 = arith.constant 0 : index
    %get3A_32 = arith.constant 0 : index
    %get3A_33 = vector.load %arg4[%get3A_31, %get3A_32] : memref<1000x32xf32, #tpu.memory_space<vmem>>, vector<1000x32xf32>
    %add3A_34 = arith.addf %max3A_25, %get3A_33 : vector<1000x32xf32>
    %mul3A_35 = vector.broadcast %get3A_30 : vector<1x32xf32> to vector<1000x32xf32>
    %mul3A_36 = arith.mulf %mul3A_35, %add3A_34 : vector<1000x32xf32>
    %get3A_37 = arith.constant 0 : index
    %get3A_38 = arith.constant 0 : index
    %get3A_39 = arith.constant 0 : index
    %get3A_40 = vector.load %arg7[%get3A_37, %get3A_38, %get3A_39] : memref<1x1x32xf32, #tpu.memory_space<vmem>>, vector<1x1x32xf32>
    %get3A_41 = vector.shape_cast %get3A_40 : vector<1x1x32xf32> to vector<1x32xf32>
    %add3A_42 = vector.broadcast %get3A_41 : vector<1x32xf32> to vector<1000x32xf32>
    %add3A_43 = arith.addf %mul3A_36, %add3A_42 : vector<1000x32xf32>
    %get3A_44 = arith.constant 0 : index
    %get3A_45 = arith.constant 0 : index
    %get3A_46 = arith.constant 0 : index
    %get3A_47 = vector.load %arg8[%get3A_44, %get3A_45, %get3A_46] : memref<1x32x32xf32, #tpu.memory_space<vmem>>, vector<1x32x32xf32>
    %get3A_48 = vector.shape_cast %get3A_47 : vector<1x32x32xf32> to vector<32x32xf32>
    %convert_element_type3A = arith.truncf %add3A_43 : vector<1000x32xf32> to vector<1000x32xbf16>
    %convert_element_type3A_49 = arith.truncf %get3A_48 : vector<32x32xf32> to vector<32x32xbf16>
    %dot_general3A = arith.constant dense<0.000000e+00> : vector<1000x32xf32>
    %dot_general3A_50 = tpu.matmul %convert_element_type3A, %convert_element_type3A_49, %dot_general3A {dimension_numbers = #tpu.dot_dimension_numbers<[1], [0], [0], [1], [0, 0, 1, 1], [], []>, transpose_lhs_hint = false} : vector<1000x32xbf16>, vector<32x32xbf16>, vector<1000x32xf32> -> vector<1000x32xf32>
    %mul3A_51 = vector.broadcast %select_n3A : vector<1000x1xf32> to vector<1000x32xf32>
    %mul3A_52 = arith.mulf %dot_general3A_50, %mul3A_51 : vector<1000x32xf32>
    %swap3A = arith.constant 0 : index
    %swap3A_53 = arith.constant 0 : index
    %swap3A_54 = vector.load %arg11[%swap3A, %swap3A_53] : memref<1000x32xf32, #tpu.memory_space<vmem>>, vector<1000x32xf32>
    tpu.vector_store %arg11[%swap3A, %swap3A_53], %mul3A_52 {strides = array<i32>} : memref<1000x32xf32, #tpu.memory_space<vmem>>, vector<1000x32xf32>,
    %get3A_55 = arith.constant 0 : index
    %get3A_56 = arith.constant 0 : index
    %get3A_57 = arith.constant 0 : index
    %get3A_58 = vector.load %arg9[%get3A_55, %get3A_56, %get3A_57] : memref<1x32x32xf32, #tpu.memory_space<vmem>>, vector<1x32x32xf32>
    %get3A_59 = vector.shape_cast %get3A_58 : vector<1x32x32xf32> to vector<32x32xf32>
    %convert_element_type3A_60 = arith.truncf %add3A_43 : vector<1000x32xf32> to vector<1000x32xbf16>
    %convert_element_type3A_61 = arith.truncf %get3A_59 : vector<32x32xf32> to vector<32x32xbf16>
    %dot_general3A_62 = arith.constant dense<0.000000e+00> : vector<1000x32xf32>
    %dot_general3A_63 = tpu.matmul %convert_element_type3A_60, %convert_element_type3A_61, %dot_general3A_62 {dimension_numbers = #tpu.dot_dimension_numbers<[1], [0], [0], [1], [0, 0, 1, 1], [], []>, transpose_lhs_hint = false} : vector<1000x32xbf16>, vector<32x32xbf16>, vector<1000x32xf32> -> vector<1000x32xf32>
    %get3A_64 = arith.constant 0 : index
    %get3A_65 = arith.constant 0 : index
    %get3A_66 = arith.constant 0 : index
    %get3A_67 = vector.load %arg10[%get3A_64, %get3A_65, %get3A_66] : memref<1x1x32xf32, #tpu.memory_space<vmem>>, vector<1x1x32xf32>
    %get3A_68 = vector.shape_cast %get3A_67 : vector<1x1x32xf32> to vector<1x32xf32>
    %add3A_69 = vector.broadcast %get3A_68 : vector<1x32xf32> to vector<1000x32xf32>
    %add3A_70 = arith.addf %dot_general3A_63, %add3A_69 : vector<1000x32xf32>
    %max3A_71 = arith.constant 0.000000e+00 : f32
    %max3A_72 = vector.broadcast %max3A_71 : f32 to vector<1000x32xf32>
    %max3A_73 = arith.maximumf %add3A_70, %max3A_72 : vector<1000x32xf32>
    %swap3A_74 = arith.constant 0 : index
    %swap3A_75 = arith.constant 0 : index
    %swap3A_76 = vector.load %arg12[%swap3A_74, %swap3A_75] : memref<1000x32xf32, #tpu.memory_space<vmem>>, vector<1000x32xf32>
    tpu.vector_store %arg12[%swap3A_74, %swap3A_75], %max3A_73 {strides = array<i32>} : memref<1000x32xf32, #tpu.memory_space<vmem>>, vector<1000x32xf32>,
    return
  }
  func.func @transform_0(%arg0: i32) -> (i32, i32) {
    %c0_i32 = arith.constant 0 : i32
    %c0_i32_0 = arith.constant 0 : i32
    return %arg0, %c0_i32 : i32, i32
  }
  func.func @transform_1(%arg0: i32) -> (i32, i32) {
    %c0_i32 = arith.constant 0 : i32
    %c0_i32_0 = arith.constant 0 : i32
    return %arg0, %c0_i32 : i32, i32
  }
  func.func @transform_2(%arg0: i32) -> (i32, i32) {
    %c0_i32 = arith.constant 0 : i32
    %c0_i32_0 = arith.constant 0 : i32
    return %arg0, %c0_i32 : i32, i32
  }
  func.func @transform_3(%arg0: i32) -> (i32, i32) {
    %c0_i32 = arith.constant 0 : i32
    %c0_i32_0 = arith.constant 0 : i32
    return %arg0, %c0_i32 : i32, i32
  }
  func.func @transform_4(%arg0: i32) -> (i32, i32, i32) {
    %jit3A = arith.constant 10 : i32
    %div3A = arith.divsi %arg0, %jit3A : i32
    %sign3A = arith.constant 0 : i32
    %sign3A_0 = arith.cmpi sgt, %arg0, %sign3A : i32
    %sign3A_1 = arith.extui %sign3A_0 : i1 to i32
    %sign3A_2 = arith.constant 0 : i32
    %sign3A_3 = arith.cmpi slt, %arg0, %sign3A_2 : i32
    %sign3A_4 = arith.extui %sign3A_3 : i1 to i32
    %sign3A_5 = arith.subi %sign3A_1, %sign3A_4 : i32
    %sign3A_6 = arith.constant 0 : i32
    %sign3A_7 = arith.cmpi sgt, %jit3A, %sign3A_6 : i32
    %sign3A_8 = arith.extui %sign3A_7 : i1 to i32
    %sign3A_9 = arith.constant 0 : i32
    %sign3A_10 = arith.cmpi slt, %jit3A, %sign3A_9 : i32
    %sign3A_11 = arith.extui %sign3A_10 : i1 to i32
    %sign3A_12 = arith.subi %sign3A_8, %sign3A_11 : i32
    %ne3A = arith.cmpi ne, %sign3A_5, %sign3A_12 : i32
    %rem3A = arith.remsi %arg0, %jit3A : i32
    %ne3A_13 = arith.constant 0 : i32
    %ne3A_14 = arith.cmpi ne, %rem3A, %ne3A_13 : i32
    %and3A = arith.andi %ne3A, %ne3A_14 : i1
    %sub3A = arith.constant 1 : i32
    %sub3A_15 = arith.subi %div3A, %sub3A : i32
    %select_n3A = arith.select %and3A, %sub3A_15, %div3A : i32
    %c0_i32 = arith.constant 0 : i32
    %c0_i32_16 = arith.constant 0 : i32
    %c0_i32_17 = arith.constant 0 : i32
    return %select_n3A, %c0_i32, %c0_i32_16 : i32, i32, i32
  }
  func.func @transform_5(%arg0: i32) -> (i32, i32, i32) {
    %jit3A = arith.constant 10 : i32
    %div3A = arith.divsi %arg0, %jit3A : i32
    %sign3A = arith.constant 0 : i32
    %sign3A_0 = arith.cmpi sgt, %arg0, %sign3A : i32
    %sign3A_1 = arith.extui %sign3A_0 : i1 to i32
    %sign3A_2 = arith.constant 0 : i32
    %sign3A_3 = arith.cmpi slt, %arg0, %sign3A_2 : i32
    %sign3A_4 = arith.extui %sign3A_3 : i1 to i32
    %sign3A_5 = arith.subi %sign3A_1, %sign3A_4 : i32
    %sign3A_6 = arith.constant 0 : i32
    %sign3A_7 = arith.cmpi sgt, %jit3A, %sign3A_6 : i32
    %sign3A_8 = arith.extui %sign3A_7 : i1 to i32
    %sign3A_9 = arith.constant 0 : i32
    %sign3A_10 = arith.cmpi slt, %jit3A, %sign3A_9 : i32
    %sign3A_11 = arith.extui %sign3A_10 : i1 to i32
    %sign3A_12 = arith.subi %sign3A_8, %sign3A_11 : i32
    %ne3A = arith.cmpi ne, %sign3A_5, %sign3A_12 : i32
    %rem3A = arith.remsi %arg0, %jit3A : i32
    %ne3A_13 = arith.constant 0 : i32
    %ne3A_14 = arith.cmpi ne, %rem3A, %ne3A_13 : i32
    %and3A = arith.andi %ne3A, %ne3A_14 : i1
    %sub3A = arith.constant 1 : i32
    %sub3A_15 = arith.subi %div3A, %sub3A : i32
    %select_n3A = arith.select %and3A, %sub3A_15, %div3A : i32
    %c0_i32 = arith.constant 0 : i32
    %c0_i32_16 = arith.constant 0 : i32
    %c0_i32_17 = arith.constant 0 : i32
    return %select_n3A, %c0_i32, %c0_i32_16 : i32, i32, i32
  }
  func.func @transform_6(%arg0: i32) -> (i32, i32, i32) {
    %jit3A = arith.constant 10 : i32
    %div3A = arith.divsi %arg0, %jit3A : i32
    %sign3A = arith.constant 0 : i32
    %sign3A_0 = arith.cmpi sgt, %arg0, %sign3A : i32
    %sign3A_1 = arith.extui %sign3A_0 : i1 to i32
    %sign3A_2 = arith.constant 0 : i32
    %sign3A_3 = arith.cmpi slt, %arg0, %sign3A_2 : i32
    %sign3A_4 = arith.extui %sign3A_3 : i1 to i32
    %sign3A_5 = arith.subi %sign3A_1, %sign3A_4 : i32
    %sign3A_6 = arith.constant 0 : i32
    %sign3A_7 = arith.cmpi sgt, %jit3A, %sign3A_6 : i32
    %sign3A_8 = arith.extui %sign3A_7 : i1 to i32
    %sign3A_9 = arith.constant 0 : i32
    %sign3A_10 = arith.cmpi slt, %jit3A, %sign3A_9 : i32
    %sign3A_11 = arith.extui %sign3A_10 : i1 to i32
    %sign3A_12 = arith.subi %sign3A_8, %sign3A_11 : i32
    %ne3A = arith.cmpi ne, %sign3A_5, %sign3A_12 : i32
    %rem3A = arith.remsi %arg0, %jit3A : i32
    %ne3A_13 = arith.constant 0 : i32
    %ne3A_14 = arith.cmpi ne, %rem3A, %ne3A_13 : i32
    %and3A = arith.andi %ne3A, %ne3A_14 : i1
    %sub3A = arith.constant 1 : i32
    %sub3A_15 = arith.subi %div3A, %sub3A : i32
    %select_n3A = arith.select %and3A, %sub3A_15, %div3A : i32
    %c0_i32 = arith.constant 0 : i32
    %c0_i32_16 = arith.constant 0 : i32
    %c0_i32_17 = arith.constant 0 : i32
    return %select_n3A, %c0_i32, %c0_i32_16 : i32, i32, i32
  }
  func.func @transform_7(%arg0: i32) -> (i32, i32, i32) {
    %jit3A = arith.constant 10 : i32
    %div3A = arith.divsi %arg0, %jit3A : i32
    %sign3A = arith.constant 0 : i32
    %sign3A_0 = arith.cmpi sgt, %arg0, %sign3A : i32
    %sign3A_1 = arith.extui %sign3A_0 : i1 to i32
    %sign3A_2 = arith.constant 0 : i32
    %sign3A_3 = arith.cmpi slt, %arg0, %sign3A_2 : i32
    %sign3A_4 = arith.extui %sign3A_3 : i1 to i32
    %sign3A_5 = arith.subi %sign3A_1, %sign3A_4 : i32
    %sign3A_6 = arith.constant 0 : i32
    %sign3A_7 = arith.cmpi sgt, %jit3A, %sign3A_6 : i32
    %sign3A_8 = arith.extui %sign3A_7 : i1 to i32
    %sign3A_9 = arith.constant 0 : i32
    %sign3A_10 = arith.cmpi slt, %jit3A, %sign3A_9 : i32
    %sign3A_11 = arith.extui %sign3A_10 : i1 to i32
    %sign3A_12 = arith.subi %sign3A_8, %sign3A_11 : i32
    %ne3A = arith.cmpi ne, %sign3A_5, %sign3A_12 : i32
    %rem3A = arith.remsi %arg0, %jit3A : i32
    %ne3A_13 = arith.constant 0 : i32
    %ne3A_14 = arith.cmpi ne, %rem3A, %ne3A_13 : i32
    %and3A = arith.andi %ne3A, %ne3A_14 : i1
    %sub3A = arith.constant 1 : i32
    %sub3A_15 = arith.subi %div3A, %sub3A : i32
    %select_n3A = arith.select %and3A, %sub3A_15, %div3A : i32
    %c0_i32 = arith.constant 0 : i32
    %c0_i32_16 = arith.constant 0 : i32
    %c0_i32_17 = arith.constant 0 : i32
    return %select_n3A, %c0_i32, %c0_i32_16 : i32, i32, i32
  }
  func.func @transform_8(%arg0: i32) -> (i32, i32, i32) {
    %jit3A = arith.constant 10 : i32
    %div3A = arith.divsi %arg0, %jit3A : i32
    %sign3A = arith.constant 0 : i32
    %sign3A_0 = arith.cmpi sgt, %arg0, %sign3A : i32
    %sign3A_1 = arith.extui %sign3A_0 : i1 to i32
    %sign3A_2 = arith.constant 0 : i32
    %sign3A_3 = arith.cmpi slt, %arg0, %sign3A_2 : i32
    %sign3A_4 = arith.extui %sign3A_3 : i1 to i32
    %sign3A_5 = arith.subi %sign3A_1, %sign3A_4 : i32
    %sign3A_6 = arith.constant 0 : i32
    %sign3A_7 = arith.cmpi sgt, %jit3A, %sign3A_6 : i32
    %sign3A_8 = arith.extui %sign3A_7 : i1 to i32
    %sign3A_9 = arith.constant 0 : i32
    %sign3A_10 = arith.cmpi slt, %jit3A, %sign3A_9 : i32
    %sign3A_11 = arith.extui %sign3A_10 : i1 to i32
    %sign3A_12 = arith.subi %sign3A_8, %sign3A_11 : i32
    %ne3A = arith.cmpi ne, %sign3A_5, %sign3A_12 : i32
    %rem3A = arith.remsi %arg0, %jit3A : i32
    %ne3A_13 = arith.constant 0 : i32
    %ne3A_14 = arith.cmpi ne, %rem3A, %ne3A_13 : i32
    %and3A = arith.andi %ne3A, %ne3A_14 : i1
    %sub3A = arith.constant 1 : i32
    %sub3A_15 = arith.subi %div3A, %sub3A : i32
    %select_n3A = arith.select %and3A, %sub3A_15, %div3A : i32
    %c0_i32 = arith.constant 0 : i32
    %c0_i32_16 = arith.constant 0 : i32
    %c0_i32_17 = arith.constant 0 : i32
    return %select_n3A, %c0_i32, %c0_i32_16 : i32, i32, i32
  }
  func.func @transform_9(%arg0: i32) -> (i32, i32, i32) {
    %jit3A = arith.constant 10 : i32
    %div3A = arith.divsi %arg0, %jit3A : i32
    %sign3A = arith.constant 0 : i32
    %sign3A_0 = arith.cmpi sgt, %arg0, %sign3A : i32
    %sign3A_1 = arith.extui %sign3A_0 : i1 to i32
    %sign3A_2 = arith.constant 0 : i32
    %sign3A_3 = arith.cmpi slt, %arg0, %sign3A_2 : i32
    %sign3A_4 = arith.extui %sign3A_3 : i1 to i32
    %sign3A_5 = arith.subi %sign3A_1, %sign3A_4 : i32
    %sign3A_6 = arith.constant 0 : i32
    %sign3A_7 = arith.cmpi sgt, %jit3A, %sign3A_6 : i32
    %sign3A_8 = arith.extui %sign3A_7 : i1 to i32
    %sign3A_9 = arith.constant 0 : i32
    %sign3A_10 = arith.cmpi slt, %jit3A, %sign3A_9 : i32
    %sign3A_11 = arith.extui %sign3A_10 : i1 to i32
    %sign3A_12 = arith.subi %sign3A_8, %sign3A_11 : i32
    %ne3A = arith.cmpi ne, %sign3A_5, %sign3A_12 : i32
    %rem3A = arith.remsi %arg0, %jit3A : i32
    %ne3A_13 = arith.constant 0 : i32
    %ne3A_14 = arith.cmpi ne, %rem3A, %ne3A_13 : i32
    %and3A = arith.andi %ne3A, %ne3A_14 : i1
    %sub3A = arith.constant 1 : i32
    %sub3A_15 = arith.subi %div3A, %sub3A : i32
    %select_n3A = arith.select %and3A, %sub3A_15, %div3A : i32
    %c0_i32 = arith.constant 0 : i32
    %c0_i32_16 = arith.constant 0 : i32
    %c0_i32_17 = arith.constant 0 : i32
    return %select_n3A, %c0_i32, %c0_i32_16 : i32, i32, i32
  }
  func.func @transform_10(%arg0: i32) -> (i32, i32) {
    %c0_i32 = arith.constant 0 : i32
    %c0_i32_0 = arith.constant 0 : i32
    return %arg0, %c0_i32 : i32, i32
  }
  func.func @transform_11(%arg0: i32) -> (i32, i32) {
    %c0_i32 = arith.constant 0 : i32
    %c0_i32_0 = arith.constant 0 : i32
    return %arg0, %c0_i32 : i32, i32
  }
}

module attributes {stable_mosaic.version = 14 : i64} {
  func.func @_tc3_body(%arg0: i32, %arg1: memref<1000x32xf32, #tpu.memory_space<vmem>>, %arg2: memref<1000x8xf32, #tpu.memory_space<vmem>>, %arg3: memref<1000x32xf32, #tpu.memory_space<vmem>>, %arg4: memref<1x1x32xf32, #tpu.memory_space<vmem>>, %arg5: memref<1x1x32xf32, #tpu.memory_space<vmem>>, %arg6: memref<1x1x32xf32, #tpu.memory_space<vmem>>, %arg7: memref<1x32x1xf32, #tpu.memory_space<vmem>>, %arg8: memref<1x1x1xf32, #tpu.memory_space<vmem>>, %arg9: memref<2x32xf32, #tpu.memory_space<vmem>>, %arg10: memref<2x32xf32, #tpu.memory_space<vmem>>) attributes {dimension_semantics = [#tpu.dimension_semantics<arbitrary>], iteration_bounds = array<i64: 20>, scalar_prefetch = 0 : i64, scratch_operands = 0 : i64, tpu.core_type = #tpu.core_type<tc>, window_params = [{transform_indices = @transform_0, window_bounds = array<i64: 1000, 32>}, {transform_indices = @transform_1, window_bounds = array<i64: 1000, 8>}, {transform_indices = @transform_2, window_bounds = array<i64: 1000, 32>}, {transform_indices = @transform_3, window_bounds = array<i64: 1, 1, 32>}, {transform_indices = @transform_4, window_bounds = array<i64: 1, 1, 32>}, {transform_indices = @transform_5, window_bounds = array<i64: 1, 1, 32>}, {transform_indices = @transform_6, window_bounds = array<i64: 1, 32, 1>}, {transform_indices = @transform_7, window_bounds = array<i64: 1, 1, 1>}, {pipeline_mode = #tpu.pipeline_mode<synchronous>, transform_indices = @transform_8, window_bounds = array<i64: 2, 32>}, {pipeline_mode = #tpu.pipeline_mode<synchronous>, transform_indices = @transform_9, window_bounds = array<i64: 2, 32>}]} {
    %get3A = arith.constant 0 : index
    %get3A_0 = arith.constant 0 : index
    %get3A_1 = vector.load %arg2[%get3A, %get3A_0] : memref<1000x8xf32, #tpu.memory_space<vmem>>, vector<1000x1xf32>
    %gt3A = arith.constant 0.000000e+00 : f32
    %gt3A_2 = vector.broadcast %gt3A : f32 to vector<1000x1xf32>
    %gt3A_3 = arith.cmpf ogt, %get3A_1, %gt3A_2 : vector<1000x1xf32>
    %rsqrt3A = math.rsqrt %get3A_1 : vector<1000x1xf32>
    %jit3A = arith.constant 0.000000e+00 : f32
    %broadcast_in_dim3A = vector.broadcast %jit3A : f32 to vector<1000x1xf32>
    %select_n3A = arith.select %gt3A_3, %rsqrt3A, %broadcast_in_dim3A : vector<1000x1xi1>, vector<1000x1xf32>
    %get3A_4 = arith.constant 0 : index
    %get3A_5 = arith.constant 0 : index
    %get3A_6 = vector.load %arg1[%get3A_4, %get3A_5] : memref<1000x32xf32, #tpu.memory_space<vmem>>, vector<1000x32xf32>
    %mul3A = vector.broadcast %select_n3A : vector<1000x1xf32> to vector<1000x32xf32>
    %mul3A_7 = arith.mulf %get3A_6, %mul3A : vector<1000x32xf32>
    %get3A_8 = arith.constant 0 : index
    %get3A_9 = arith.constant 0 : index
    %get3A_10 = arith.constant 0 : index
    %get3A_11 = vector.load %arg4[%get3A_8, %get3A_9, %get3A_10] : memref<1x1x32xf32, #tpu.memory_space<vmem>>, vector<1x1x32xf32>
    %get3A_12 = vector.shape_cast %get3A_11 : vector<1x1x32xf32> to vector<1x32xf32>
    %add3A = vector.broadcast %get3A_12 : vector<1x32xf32> to vector<1000x32xf32>
    %add3A_13 = arith.addf %mul3A_7, %add3A : vector<1000x32xf32>
    %max3A = arith.constant 0.000000e+00 : f32
    %max3A_14 = vector.broadcast %max3A : f32 to vector<1000x32xf32>
    %max3A_15 = arith.maximumf %add3A_13, %max3A_14 : vector<1000x32xf32>
    %get3A_16 = arith.constant 0 : index
    %get3A_17 = arith.constant 0 : index
    %get3A_18 = arith.constant 0 : index
    %get3A_19 = vector.load %arg5[%get3A_16, %get3A_17, %get3A_18] : memref<1x1x32xf32, #tpu.memory_space<vmem>>, vector<1x1x32xf32>
    %get3A_20 = vector.shape_cast %get3A_19 : vector<1x1x32xf32> to vector<1x32xf32>
    %get3A_21 = arith.constant 0 : index
    %get3A_22 = arith.constant 0 : index
    %get3A_23 = vector.load %arg3[%get3A_21, %get3A_22] : memref<1000x32xf32, #tpu.memory_space<vmem>>, vector<1000x32xf32>
    %add3A_24 = arith.addf %max3A_15, %get3A_23 : vector<1000x32xf32>
    %mul3A_25 = vector.broadcast %get3A_20 : vector<1x32xf32> to vector<1000x32xf32>
    %mul3A_26 = arith.mulf %mul3A_25, %add3A_24 : vector<1000x32xf32>
    %get3A_27 = arith.constant 0 : index
    %get3A_28 = arith.constant 0 : index
    %get3A_29 = arith.constant 0 : index
    %get3A_30 = vector.load %arg6[%get3A_27, %get3A_28, %get3A_29] : memref<1x1x32xf32, #tpu.memory_space<vmem>>, vector<1x1x32xf32>
    %get3A_31 = vector.shape_cast %get3A_30 : vector<1x1x32xf32> to vector<1x32xf32>
    %add3A_32 = vector.broadcast %get3A_31 : vector<1x32xf32> to vector<1000x32xf32>
    %add3A_33 = arith.addf %mul3A_26, %add3A_32 : vector<1000x32xf32>
    %get3A_34 = arith.constant 0 : index
    %get3A_35 = arith.constant 0 : index
    %get3A_36 = arith.constant 0 : index
    %get3A_37 = vector.load %arg7[%get3A_34, %get3A_35, %get3A_36] : memref<1x32x1xf32, #tpu.memory_space<vmem>>, vector<1x32x1xf32>
    %get3A_38 = vector.shape_cast %get3A_37 : vector<1x32x1xf32> to vector<32x1xf32>
    %convert_element_type3A = arith.truncf %add3A_33 : vector<1000x32xf32> to vector<1000x32xbf16>
    %convert_element_type3A_39 = arith.truncf %get3A_38 : vector<32x1xf32> to vector<32x1xbf16>
    %dot_general3A = arith.constant dense<0.000000e+00> : vector<1000x1xf32>
    %dot_general3A_40 = tpu.matmul %convert_element_type3A, %convert_element_type3A_39, %dot_general3A {dimension_numbers = #tpu.dot_dimension_numbers<[1], [0], [0], [1], [0, 0, 1, 1], [], []>, transpose_lhs_hint = false} : vector<1000x32xbf16>, vector<32x1xbf16>, vector<1000x1xf32> -> vector<1000x1xf32>
    %get3A_41 = arith.constant 0 : index
    %get3A_42 = arith.constant 0 : index
    %get3A_43 = arith.constant 0 : index
    %get3A_44 = vector.load %arg8[%get3A_41, %get3A_42, %get3A_43] : memref<1x1x1xf32, #tpu.memory_space<vmem>>, vector<1x1x1xf32>
    %get3A_45 = vector.shape_cast %get3A_44 : vector<1x1x1xf32> to vector<1x1xf32>
    %add3A_46 = vector.broadcast %get3A_45 : vector<1x1xf32> to vector<1000x1xf32>
    %add3A_47 = arith.addf %dot_general3A_40, %add3A_46 : vector<1000x1xf32>
    %logistic3A = arith.negf %add3A_47 : vector<1000x1xf32>
    %logistic3A_48 = math.exp %logistic3A : vector<1000x1xf32>
    %logistic3A_49 = arith.constant 1.000000e+00 : f32
    %logistic3A_50 = vector.broadcast %logistic3A_49 : f32 to vector<1000x1xf32>
    %logistic3A_51 = arith.addf %logistic3A_50, %logistic3A_48 : vector<1000x1xf32>
    %logistic3A_52 = arith.divf %logistic3A_50, %logistic3A_51 : vector<1000x1xf32>
    %mul3A_53 = vector.broadcast %logistic3A_52 : vector<1000x1xf32> to vector<1000x32xf32>
    %mul3A_54 = arith.mulf %mul3A_53, %add3A_33 : vector<1000x32xf32>
    %reduce_sum3A = arith.constant dense<0.000000e+00> : vector<32xf32>
    %reduce_sum3A_55 = vector.multi_reduction <add>, %mul3A_54, %reduce_sum3A [0] : vector<1000x32xf32> to vector<32xf32>
    %broadcast_in_dim3A_56 = vector.shape_cast %reduce_sum3A_55 : vector<32xf32> to vector<1x32xf32>
    %reduce_max3A = arith.constant dense<0xFF800000> : vector<32xf32>
    %reduce_max3A_57 = vector.multi_reduction <maximumf>, %add3A_33, %reduce_max3A [0] : vector<1000x32xf32> to vector<32xf32>
    %broadcast_in_dim3A_58 = vector.shape_cast %reduce_max3A_57 : vector<32xf32> to vector<1x32xf32>
    %iota3A = tpu.iota {dimensions = array<i32: 0>} : vector<2x1xi32>
    %jit3A_59 = arith.constant 10 : i32
    %div3A = arith.divsi %arg0, %jit3A_59 : i32
    %sign3A = arith.constant 0 : i32
    %sign3A_60 = arith.cmpi sgt, %arg0, %sign3A : i32
    %sign3A_61 = arith.extui %sign3A_60 : i1 to i32
    %sign3A_62 = arith.constant 0 : i32
    %sign3A_63 = arith.cmpi slt, %arg0, %sign3A_62 : i32
    %sign3A_64 = arith.extui %sign3A_63 : i1 to i32
    %sign3A_65 = arith.subi %sign3A_61, %sign3A_64 : i32
    %sign3A_66 = arith.constant 0 : i32
    %sign3A_67 = arith.cmpi sgt, %jit3A_59, %sign3A_66 : i32
    %sign3A_68 = arith.extui %sign3A_67 : i1 to i32
    %sign3A_69 = arith.constant 0 : i32
    %sign3A_70 = arith.cmpi slt, %jit3A_59, %sign3A_69 : i32
    %sign3A_71 = arith.extui %sign3A_70 : i1 to i32
    %sign3A_72 = arith.subi %sign3A_68, %sign3A_71 : i32
    %ne3A = arith.cmpi ne, %sign3A_65, %sign3A_72 : i32
    %rem3A = arith.remsi %arg0, %jit3A_59 : i32
    %ne3A_73 = arith.constant 0 : i32
    %ne3A_74 = arith.cmpi ne, %rem3A, %ne3A_73 : i32
    %and3A = arith.andi %ne3A, %ne3A_74 : i1
    %sub3A = arith.constant 1 : i32
    %sub3A_75 = arith.subi %div3A, %sub3A : i32
    %select_n3A_76 = arith.select %and3A, %sub3A_75, %div3A : i32
    %eq3A = vector.broadcast %select_n3A_76 : i32 to vector<2x1xi32>
    %eq3A_77 = arith.cmpi eq, %iota3A, %eq3A : vector<2x1xi32>
    %eq3A_78 = arith.constant 0 : i32
    %eq3A_79 = arith.cmpi eq, %arg0, %eq3A_78 : i32
    %convert_element_type3A_80 = arith.extui %eq3A_79 : i1 to i32
    %cond3A = arith.constant 0 : i32
    %cond3A_81 = arith.cmpi ne, %convert_element_type3A_80, %cond3A : i32
    scf.if %cond3A_81 {
      %broadcast_in_dim3A_109 = arith.constant 0.000000e+00 : f32
      %broadcast_in_dim3A_110 = vector.broadcast %broadcast_in_dim3A_109 : f32 to vector<2x32xf32>
      %swap3A_111 = arith.constant 0 : index
      %swap3A_112 = arith.constant 0 : index
      %swap3A_113 = vector.load %arg9[%swap3A_111, %swap3A_112] : memref<2x32xf32, #tpu.memory_space<vmem>>, vector<2x32xf32>
      tpu.vector_store %arg9[%swap3A_111, %swap3A_112], %broadcast_in_dim3A_110 {strides = array<i32>} : memref<2x32xf32, #tpu.memory_space<vmem>>, vector<2x32xf32>,
      %broadcast_in_dim3A_114 = arith.constant 0xFF800000 : f32
      %broadcast_in_dim3A_115 = vector.broadcast %broadcast_in_dim3A_114 : f32 to vector<2x32xf32>
      %swap3A_116 = arith.constant 0 : index
      %swap3A_117 = arith.constant 0 : index
      %swap3A_118 = vector.load %arg10[%swap3A_116, %swap3A_117] : memref<2x32xf32, #tpu.memory_space<vmem>>, vector<2x32xf32>
      tpu.vector_store %arg10[%swap3A_116, %swap3A_117], %broadcast_in_dim3A_115 {strides = array<i32>} : memref<2x32xf32, #tpu.memory_space<vmem>>, vector<2x32xf32>,
    } else {
    }
    %get3A_82 = arith.constant 0 : index
    %get3A_83 = arith.constant 0 : index
    %get3A_84 = vector.load %arg9[%get3A_82, %get3A_83] : memref<2x32xf32, #tpu.memory_space<vmem>>, vector<2x32xf32>
    %jit3A_85 = arith.constant 0.000000e+00 : f32
    %broadcast_in_dim3A_86 = vector.shape_cast %eq3A_77 : vector<2x1xi1> to vector<2x1xi1>
    %broadcast_in_dim3A_87 = vector.broadcast %broadcast_in_dim3A_86 : vector<2x1xi1> to vector<2x32xi1>
    %broadcast_in_dim3A_88 = vector.shape_cast %broadcast_in_dim3A_56 : vector<1x32xf32> to vector<1x32xf32>
    %broadcast_in_dim3A_89 = vector.broadcast %broadcast_in_dim3A_88 : vector<1x32xf32> to vector<2x32xf32>
    %broadcast_in_dim3A_90 = vector.broadcast %jit3A_85 : f32 to vector<2x32xf32>
    %select_n3A_91 = arith.select %broadcast_in_dim3A_87, %broadcast_in_dim3A_89, %broadcast_in_dim3A_90 : vector<2x32xi1>, vector<2x32xf32>
    %add3A_92 = arith.addf %get3A_84, %select_n3A_91 : vector<2x32xf32>
    %swap3A = arith.constant 0 : index
    %swap3A_93 = arith.constant 0 : index
    %swap3A_94 = vector.load %arg9[%swap3A, %swap3A_93] : memref<2x32xf32, #tpu.memory_space<vmem>>, vector<2x32xf32>
    tpu.vector_store %arg9[%swap3A, %swap3A_93], %add3A_92 {strides = array<i32>} : memref<2x32xf32, #tpu.memory_space<vmem>>, vector<2x32xf32>,
    %get3A_95 = arith.constant 0 : index
    %get3A_96 = arith.constant 0 : index
    %get3A_97 = vector.load %arg10[%get3A_95, %get3A_96] : memref<2x32xf32, #tpu.memory_space<vmem>>, vector<2x32xf32>
    %jit3A_98 = arith.constant 0xFF800000 : f32
    %broadcast_in_dim3A_99 = vector.shape_cast %eq3A_77 : vector<2x1xi1> to vector<2x1xi1>
    %broadcast_in_dim3A_100 = vector.broadcast %broadcast_in_dim3A_99 : vector<2x1xi1> to vector<2x32xi1>
    %broadcast_in_dim3A_101 = vector.shape_cast %broadcast_in_dim3A_58 : vector<1x32xf32> to vector<1x32xf32>
    %broadcast_in_dim3A_102 = vector.broadcast %broadcast_in_dim3A_101 : vector<1x32xf32> to vector<2x32xf32>
    %broadcast_in_dim3A_103 = vector.broadcast %jit3A_98 : f32 to vector<2x32xf32>
    %select_n3A_104 = arith.select %broadcast_in_dim3A_100, %broadcast_in_dim3A_102, %broadcast_in_dim3A_103 : vector<2x32xi1>, vector<2x32xf32>
    %max3A_105 = arith.maximumf %get3A_97, %select_n3A_104 : vector<2x32xf32>
    %swap3A_106 = arith.constant 0 : index
    %swap3A_107 = arith.constant 0 : index
    %swap3A_108 = vector.load %arg10[%swap3A_106, %swap3A_107] : memref<2x32xf32, #tpu.memory_space<vmem>>, vector<2x32xf32>
    tpu.vector_store %arg10[%swap3A_106, %swap3A_107], %max3A_105 {strides = array<i32>} : memref<2x32xf32, #tpu.memory_space<vmem>>, vector<2x32xf32>,
    return
  }
  func.func @transform_0(%arg0: i32) -> (i32, i32) {
    %c0_i32 = arith.constant 0 : i32
    %c0_i32_0 = arith.constant 0 : i32
    return %arg0, %c0_i32 : i32, i32
  }
  func.func @transform_1(%arg0: i32) -> (i32, i32) {
    %c0_i32 = arith.constant 0 : i32
    %c0_i32_0 = arith.constant 0 : i32
    return %arg0, %c0_i32 : i32, i32
  }
  func.func @transform_2(%arg0: i32) -> (i32, i32) {
    %c0_i32 = arith.constant 0 : i32
    %c0_i32_0 = arith.constant 0 : i32
    return %arg0, %c0_i32 : i32, i32
  }
  func.func @transform_3(%arg0: i32) -> (i32, i32, i32) {
    %jit3A = arith.constant 10 : i32
    %div3A = arith.divsi %arg0, %jit3A : i32
    %sign3A = arith.constant 0 : i32
    %sign3A_0 = arith.cmpi sgt, %arg0, %sign3A : i32
    %sign3A_1 = arith.extui %sign3A_0 : i1 to i32
    %sign3A_2 = arith.constant 0 : i32
    %sign3A_3 = arith.cmpi slt, %arg0, %sign3A_2 : i32
    %sign3A_4 = arith.extui %sign3A_3 : i1 to i32
    %sign3A_5 = arith.subi %sign3A_1, %sign3A_4 : i32
    %sign3A_6 = arith.constant 0 : i32
    %sign3A_7 = arith.cmpi sgt, %jit3A, %sign3A_6 : i32
    %sign3A_8 = arith.extui %sign3A_7 : i1 to i32
    %sign3A_9 = arith.constant 0 : i32
    %sign3A_10 = arith.cmpi slt, %jit3A, %sign3A_9 : i32
    %sign3A_11 = arith.extui %sign3A_10 : i1 to i32
    %sign3A_12 = arith.subi %sign3A_8, %sign3A_11 : i32
    %ne3A = arith.cmpi ne, %sign3A_5, %sign3A_12 : i32
    %rem3A = arith.remsi %arg0, %jit3A : i32
    %ne3A_13 = arith.constant 0 : i32
    %ne3A_14 = arith.cmpi ne, %rem3A, %ne3A_13 : i32
    %and3A = arith.andi %ne3A, %ne3A_14 : i1
    %sub3A = arith.constant 1 : i32
    %sub3A_15 = arith.subi %div3A, %sub3A : i32
    %select_n3A = arith.select %and3A, %sub3A_15, %div3A : i32
    %c0_i32 = arith.constant 0 : i32
    %c0_i32_16 = arith.constant 0 : i32
    %c0_i32_17 = arith.constant 0 : i32
    return %select_n3A, %c0_i32, %c0_i32_16 : i32, i32, i32
  }
  func.func @transform_4(%arg0: i32) -> (i32, i32, i32) {
    %jit3A = arith.constant 10 : i32
    %div3A = arith.divsi %arg0, %jit3A : i32
    %sign3A = arith.constant 0 : i32
    %sign3A_0 = arith.cmpi sgt, %arg0, %sign3A : i32
    %sign3A_1 = arith.extui %sign3A_0 : i1 to i32
    %sign3A_2 = arith.constant 0 : i32
    %sign3A_3 = arith.cmpi slt, %arg0, %sign3A_2 : i32
    %sign3A_4 = arith.extui %sign3A_3 : i1 to i32
    %sign3A_5 = arith.subi %sign3A_1, %sign3A_4 : i32
    %sign3A_6 = arith.constant 0 : i32
    %sign3A_7 = arith.cmpi sgt, %jit3A, %sign3A_6 : i32
    %sign3A_8 = arith.extui %sign3A_7 : i1 to i32
    %sign3A_9 = arith.constant 0 : i32
    %sign3A_10 = arith.cmpi slt, %jit3A, %sign3A_9 : i32
    %sign3A_11 = arith.extui %sign3A_10 : i1 to i32
    %sign3A_12 = arith.subi %sign3A_8, %sign3A_11 : i32
    %ne3A = arith.cmpi ne, %sign3A_5, %sign3A_12 : i32
    %rem3A = arith.remsi %arg0, %jit3A : i32
    %ne3A_13 = arith.constant 0 : i32
    %ne3A_14 = arith.cmpi ne, %rem3A, %ne3A_13 : i32
    %and3A = arith.andi %ne3A, %ne3A_14 : i1
    %sub3A = arith.constant 1 : i32
    %sub3A_15 = arith.subi %div3A, %sub3A : i32
    %select_n3A = arith.select %and3A, %sub3A_15, %div3A : i32
    %c0_i32 = arith.constant 0 : i32
    %c0_i32_16 = arith.constant 0 : i32
    %c0_i32_17 = arith.constant 0 : i32
    return %select_n3A, %c0_i32, %c0_i32_16 : i32, i32, i32
  }
  func.func @transform_5(%arg0: i32) -> (i32, i32, i32) {
    %jit3A = arith.constant 10 : i32
    %div3A = arith.divsi %arg0, %jit3A : i32
    %sign3A = arith.constant 0 : i32
    %sign3A_0 = arith.cmpi sgt, %arg0, %sign3A : i32
    %sign3A_1 = arith.extui %sign3A_0 : i1 to i32
    %sign3A_2 = arith.constant 0 : i32
    %sign3A_3 = arith.cmpi slt, %arg0, %sign3A_2 : i32
    %sign3A_4 = arith.extui %sign3A_3 : i1 to i32
    %sign3A_5 = arith.subi %sign3A_1, %sign3A_4 : i32
    %sign3A_6 = arith.constant 0 : i32
    %sign3A_7 = arith.cmpi sgt, %jit3A, %sign3A_6 : i32
    %sign3A_8 = arith.extui %sign3A_7 : i1 to i32
    %sign3A_9 = arith.constant 0 : i32
    %sign3A_10 = arith.cmpi slt, %jit3A, %sign3A_9 : i32
    %sign3A_11 = arith.extui %sign3A_10 : i1 to i32
    %sign3A_12 = arith.subi %sign3A_8, %sign3A_11 : i32
    %ne3A = arith.cmpi ne, %sign3A_5, %sign3A_12 : i32
    %rem3A = arith.remsi %arg0, %jit3A : i32
    %ne3A_13 = arith.constant 0 : i32
    %ne3A_14 = arith.cmpi ne, %rem3A, %ne3A_13 : i32
    %and3A = arith.andi %ne3A, %ne3A_14 : i1
    %sub3A = arith.constant 1 : i32
    %sub3A_15 = arith.subi %div3A, %sub3A : i32
    %select_n3A = arith.select %and3A, %sub3A_15, %div3A : i32
    %c0_i32 = arith.constant 0 : i32
    %c0_i32_16 = arith.constant 0 : i32
    %c0_i32_17 = arith.constant 0 : i32
    return %select_n3A, %c0_i32, %c0_i32_16 : i32, i32, i32
  }
  func.func @transform_6(%arg0: i32) -> (i32, i32, i32) {
    %jit3A = arith.constant 10 : i32
    %div3A = arith.divsi %arg0, %jit3A : i32
    %sign3A = arith.constant 0 : i32
    %sign3A_0 = arith.cmpi sgt, %arg0, %sign3A : i32
    %sign3A_1 = arith.extui %sign3A_0 : i1 to i32
    %sign3A_2 = arith.constant 0 : i32
    %sign3A_3 = arith.cmpi slt, %arg0, %sign3A_2 : i32
    %sign3A_4 = arith.extui %sign3A_3 : i1 to i32
    %sign3A_5 = arith.subi %sign3A_1, %sign3A_4 : i32
    %sign3A_6 = arith.constant 0 : i32
    %sign3A_7 = arith.cmpi sgt, %jit3A, %sign3A_6 : i32
    %sign3A_8 = arith.extui %sign3A_7 : i1 to i32
    %sign3A_9 = arith.constant 0 : i32
    %sign3A_10 = arith.cmpi slt, %jit3A, %sign3A_9 : i32
    %sign3A_11 = arith.extui %sign3A_10 : i1 to i32
    %sign3A_12 = arith.subi %sign3A_8, %sign3A_11 : i32
    %ne3A = arith.cmpi ne, %sign3A_5, %sign3A_12 : i32
    %rem3A = arith.remsi %arg0, %jit3A : i32
    %ne3A_13 = arith.constant 0 : i32
    %ne3A_14 = arith.cmpi ne, %rem3A, %ne3A_13 : i32
    %and3A = arith.andi %ne3A, %ne3A_14 : i1
    %sub3A = arith.constant 1 : i32
    %sub3A_15 = arith.subi %div3A, %sub3A : i32
    %select_n3A = arith.select %and3A, %sub3A_15, %div3A : i32
    %c0_i32 = arith.constant 0 : i32
    %c0_i32_16 = arith.constant 0 : i32
    %c0_i32_17 = arith.constant 0 : i32
    return %select_n3A, %c0_i32, %c0_i32_16 : i32, i32, i32
  }
  func.func @transform_7(%arg0: i32) -> (i32, i32, i32) {
    %jit3A = arith.constant 10 : i32
    %div3A = arith.divsi %arg0, %jit3A : i32
    %sign3A = arith.constant 0 : i32
    %sign3A_0 = arith.cmpi sgt, %arg0, %sign3A : i32
    %sign3A_1 = arith.extui %sign3A_0 : i1 to i32
    %sign3A_2 = arith.constant 0 : i32
    %sign3A_3 = arith.cmpi slt, %arg0, %sign3A_2 : i32
    %sign3A_4 = arith.extui %sign3A_3 : i1 to i32
    %sign3A_5 = arith.subi %sign3A_1, %sign3A_4 : i32
    %sign3A_6 = arith.constant 0 : i32
    %sign3A_7 = arith.cmpi sgt, %jit3A, %sign3A_6 : i32
    %sign3A_8 = arith.extui %sign3A_7 : i1 to i32
    %sign3A_9 = arith.constant 0 : i32
    %sign3A_10 = arith.cmpi slt, %jit3A, %sign3A_9 : i32
    %sign3A_11 = arith.extui %sign3A_10 : i1 to i32
    %sign3A_12 = arith.subi %sign3A_8, %sign3A_11 : i32
    %ne3A = arith.cmpi ne, %sign3A_5, %sign3A_12 : i32
    %rem3A = arith.remsi %arg0, %jit3A : i32
    %ne3A_13 = arith.constant 0 : i32
    %ne3A_14 = arith.cmpi ne, %rem3A, %ne3A_13 : i32
    %and3A = arith.andi %ne3A, %ne3A_14 : i1
    %sub3A = arith.constant 1 : i32
    %sub3A_15 = arith.subi %div3A, %sub3A : i32
    %select_n3A = arith.select %and3A, %sub3A_15, %div3A : i32
    %c0_i32 = arith.constant 0 : i32
    %c0_i32_16 = arith.constant 0 : i32
    %c0_i32_17 = arith.constant 0 : i32
    return %select_n3A, %c0_i32, %c0_i32_16 : i32, i32, i32
  }
  func.func @transform_8(%arg0: i32) -> (i32, i32) {
    %c0_i32 = arith.constant 0 : i32
    %c0_i32_0 = arith.constant 0 : i32
    %c0_i32_1 = arith.constant 0 : i32
    return %c0_i32, %c0_i32_0 : i32, i32
  }
  func.func @transform_9(%arg0: i32) -> (i32, i32) {
    %c0_i32 = arith.constant 0 : i32
    %c0_i32_0 = arith.constant 0 : i32
    %c0_i32_1 = arith.constant 0 : i32
    return %c0_i32, %c0_i32_0 : i32, i32
  }
}

module attributes {stable_mosaic.version = 14 : i64} {
  func.func @_tc4_body(%arg0: memref<2x32xf32, #tpu.memory_space<vmem>>, %arg1: memref<2x32xf32, #tpu.memory_space<vmem>>, %arg2: memref<64x32xf32, #tpu.memory_space<vmem>>, %arg3: memref<1x32xf32, #tpu.memory_space<vmem>>, %arg4: memref<1x32xf32, #tpu.memory_space<vmem>>, %arg5: memref<1x32xf32, #tpu.memory_space<vmem>>, %arg6: memref<32x6xf32, #tpu.memory_space<vmem>>, %arg7: memref<1x6xf32, #tpu.memory_space<vmem>>, %arg8: memref<64x32xf32, #tpu.memory_space<vmem>>, %arg9: memref<1x32xf32, #tpu.memory_space<vmem>>, %arg10: memref<1x32xf32, #tpu.memory_space<vmem>>, %arg11: memref<1x32xf32, #tpu.memory_space<vmem>>, %arg12: memref<32x6xf32, #tpu.memory_space<vmem>>, %arg13: memref<1x6xf32, #tpu.memory_space<vmem>>, %arg14: memref<1x12xf32, #tpu.memory_space<vmem>>, %arg15: memref<1x1xf32, #tpu.memory_space<vmem>>, %arg16: memref<1x1xf32, #tpu.memory_space<vmem>>) attributes {dimension_semantics = [], scalar_prefetch = 0 : i64, scratch_operands = 0 : i64, tpu.core_type = #tpu.core_type<tc>} {
    %get3A = arith.constant 0 : index
    %get3A_0 = arith.constant 0 : index
    %get3A_1 = vector.load %arg0[%get3A, %get3A_0] : memref<2x32xf32, #tpu.memory_space<vmem>>, vector<1x32xf32>
    %get3A_2 = arith.constant 0 : index
    %get3A_3 = arith.constant 0 : index
    %get3A_4 = vector.load %arg1[%get3A_2, %get3A_3] : memref<2x32xf32, #tpu.memory_space<vmem>>, vector<1x32xf32>
    %concatenate3A = tpu.concatenate %get3A_1, %get3A_4 in 1 : vector<1x32xf32>, vector<1x32xf32> -> vector<1x64xf32>
    %get3A_5 = arith.constant 0 : index
    %get3A_6 = arith.constant 0 : index
    %get3A_7 = vector.load %arg2[%get3A_5, %get3A_6] : memref<64x32xf32, #tpu.memory_space<vmem>>, vector<64x32xf32>
    %convert_element_type3A = arith.truncf %concatenate3A : vector<1x64xf32> to vector<1x64xbf16>
    %convert_element_type3A_8 = arith.truncf %get3A_7 : vector<64x32xf32> to vector<64x32xbf16>
    %dot_general3A = arith.constant dense<0.000000e+00> : vector<1x32xf32>
    %dot_general3A_9 = tpu.matmul %convert_element_type3A, %convert_element_type3A_8, %dot_general3A {dimension_numbers = #tpu.dot_dimension_numbers<[1], [0], [0], [1], [0, 0, 1, 1], [], []>, transpose_lhs_hint = false} : vector<1x64xbf16>, vector<64x32xbf16>, vector<1x32xf32> -> vector<1x32xf32>
    %get3A_10 = arith.constant 0 : index
    %get3A_11 = arith.constant 0 : index
    %get3A_12 = vector.load %arg3[%get3A_10, %get3A_11] : memref<1x32xf32, #tpu.memory_space<vmem>>, vector<1x32xf32>
    %add3A = arith.addf %dot_general3A_9, %get3A_12 : vector<1x32xf32>
    %max3A = arith.constant 0.000000e+00 : f32
    %max3A_13 = vector.broadcast %max3A : f32 to vector<1x32xf32>
    %max3A_14 = arith.maximumf %add3A, %max3A_13 : vector<1x32xf32>
    %get3A_15 = arith.constant 0 : index
    %get3A_16 = arith.constant 0 : index
    %get3A_17 = vector.load %arg4[%get3A_15, %get3A_16] : memref<1x32xf32, #tpu.memory_space<vmem>>, vector<1x32xf32>
    %mul3A = arith.mulf %get3A_17, %max3A_14 : vector<1x32xf32>
    %get3A_18 = arith.constant 0 : index
    %get3A_19 = arith.constant 0 : index
    %get3A_20 = vector.load %arg5[%get3A_18, %get3A_19] : memref<1x32xf32, #tpu.memory_space<vmem>>, vector<1x32xf32>
    %add3A_21 = arith.addf %mul3A, %get3A_20 : vector<1x32xf32>
    %get3A_22 = arith.constant 0 : index
    %get3A_23 = arith.constant 0 : index
    %get3A_24 = vector.load %arg6[%get3A_22, %get3A_23] : memref<32x6xf32, #tpu.memory_space<vmem>>, vector<32x6xf32>
    %convert_element_type3A_25 = arith.truncf %add3A_21 : vector<1x32xf32> to vector<1x32xbf16>
    %convert_element_type3A_26 = arith.truncf %get3A_24 : vector<32x6xf32> to vector<32x6xbf16>
    %dot_general3A_27 = arith.constant dense<0.000000e+00> : vector<1x6xf32>
    %dot_general3A_28 = tpu.matmul %convert_element_type3A_25, %convert_element_type3A_26, %dot_general3A_27 {dimension_numbers = #tpu.dot_dimension_numbers<[1], [0], [0], [1], [0, 0, 1, 1], [], []>, transpose_lhs_hint = false} : vector<1x32xbf16>, vector<32x6xbf16>, vector<1x6xf32> -> vector<1x6xf32>
    %get3A_29 = arith.constant 0 : index
    %get3A_30 = arith.constant 0 : index
    %get3A_31 = vector.load %arg7[%get3A_29, %get3A_30] : memref<1x6xf32, #tpu.memory_space<vmem>>, vector<1x6xf32>
    %add3A_32 = arith.addf %dot_general3A_28, %get3A_31 : vector<1x6xf32>
    %get3A_33 = arith.constant 1 : index
    %get3A_34 = arith.constant 0 : index
    %get3A_35 = vector.load %arg0[%get3A_33, %get3A_34] : memref<2x32xf32, #tpu.memory_space<vmem>>, vector<1x32xf32>
    %get3A_36 = arith.constant 1 : index
    %get3A_37 = arith.constant 0 : index
    %get3A_38 = vector.load %arg1[%get3A_36, %get3A_37] : memref<2x32xf32, #tpu.memory_space<vmem>>, vector<1x32xf32>
    %concatenate3A_39 = tpu.concatenate %get3A_35, %get3A_38 in 1 : vector<1x32xf32>, vector<1x32xf32> -> vector<1x64xf32>
    %get3A_40 = arith.constant 0 : index
    %get3A_41 = arith.constant 0 : index
    %get3A_42 = vector.load %arg8[%get3A_40, %get3A_41] : memref<64x32xf32, #tpu.memory_space<vmem>>, vector<64x32xf32>
    %convert_element_type3A_43 = arith.truncf %concatenate3A_39 : vector<1x64xf32> to vector<1x64xbf16>
    %convert_element_type3A_44 = arith.truncf %get3A_42 : vector<64x32xf32> to vector<64x32xbf16>
    %dot_general3A_45 = arith.constant dense<0.000000e+00> : vector<1x32xf32>
    %dot_general3A_46 = tpu.matmul %convert_element_type3A_43, %convert_element_type3A_44, %dot_general3A_45 {dimension_numbers = #tpu.dot_dimension_numbers<[1], [0], [0], [1], [0, 0, 1, 1], [], []>, transpose_lhs_hint = false} : vector<1x64xbf16>, vector<64x32xbf16>, vector<1x32xf32> -> vector<1x32xf32>
    %get3A_47 = arith.constant 0 : index
    %get3A_48 = arith.constant 0 : index
    %get3A_49 = vector.load %arg9[%get3A_47, %get3A_48] : memref<1x32xf32, #tpu.memory_space<vmem>>, vector<1x32xf32>
    %add3A_50 = arith.addf %dot_general3A_46, %get3A_49 : vector<1x32xf32>
    %max3A_51 = arith.constant 0.000000e+00 : f32
    %max3A_52 = vector.broadcast %max3A_51 : f32 to vector<1x32xf32>
    %max3A_53 = arith.maximumf %add3A_50, %max3A_52 : vector<1x32xf32>
    %get3A_54 = arith.constant 0 : index
    %get3A_55 = arith.constant 0 : index
    %get3A_56 = vector.load %arg10[%get3A_54, %get3A_55] : memref<1x32xf32, #tpu.memory_space<vmem>>, vector<1x32xf32>
    %mul3A_57 = arith.mulf %get3A_56, %max3A_53 : vector<1x32xf32>
    %get3A_58 = arith.constant 0 : index
    %get3A_59 = arith.constant 0 : index
    %get3A_60 = vector.load %arg11[%get3A_58, %get3A_59] : memref<1x32xf32, #tpu.memory_space<vmem>>, vector<1x32xf32>
    %add3A_61 = arith.addf %mul3A_57, %get3A_60 : vector<1x32xf32>
    %get3A_62 = arith.constant 0 : index
    %get3A_63 = arith.constant 0 : index
    %get3A_64 = vector.load %arg12[%get3A_62, %get3A_63] : memref<32x6xf32, #tpu.memory_space<vmem>>, vector<32x6xf32>
    %convert_element_type3A_65 = arith.truncf %add3A_61 : vector<1x32xf32> to vector<1x32xbf16>
    %convert_element_type3A_66 = arith.truncf %get3A_64 : vector<32x6xf32> to vector<32x6xbf16>
    %dot_general3A_67 = arith.constant dense<0.000000e+00> : vector<1x6xf32>
    %dot_general3A_68 = tpu.matmul %convert_element_type3A_65, %convert_element_type3A_66, %dot_general3A_67 {dimension_numbers = #tpu.dot_dimension_numbers<[1], [0], [0], [1], [0, 0, 1, 1], [], []>, transpose_lhs_hint = false} : vector<1x32xbf16>, vector<32x6xbf16>, vector<1x6xf32> -> vector<1x6xf32>
    %get3A_69 = arith.constant 0 : index
    %get3A_70 = arith.constant 0 : index
    %get3A_71 = vector.load %arg13[%get3A_69, %get3A_70] : memref<1x6xf32, #tpu.memory_space<vmem>>, vector<1x6xf32>
    %add3A_72 = arith.addf %dot_general3A_68, %get3A_71 : vector<1x6xf32>
    %concatenate3A_73 = tpu.concatenate %add3A_32, %add3A_72 in 1 : vector<1x6xf32>, vector<1x6xf32> -> vector<1x12xf32>
    %get3A_74 = arith.constant 0 : index
    %get3A_75 = arith.constant 0 : index
    %get3A_76 = vector.load %arg14[%get3A_74, %get3A_75] : memref<1x12xf32, #tpu.memory_space<vmem>>, vector<1x12xf32>
    %mul3A_77 = arith.mulf %concatenate3A_73, %get3A_76 : vector<1x12xf32>
    %reduce_sum3A = arith.constant dense<0.000000e+00> : vector<1xf32>
    %reduce_sum3A_78 = vector.multi_reduction <add>, %mul3A_77, %reduce_sum3A [1] : vector<1x12xf32> to vector<1xf32>
    %broadcast_in_dim3A = vector.shape_cast %reduce_sum3A_78 : vector<1xf32> to vector<1x1xf32>
    %get3A_79 = arith.constant 0 : index
    %get3A_80 = arith.constant 0 : index
    %get3A_81 = vector.load %arg15[%get3A_79, %get3A_80] : memref<1x1xf32, #tpu.memory_space<vmem>>, vector<1x1xf32>
    %add3A_82 = arith.addf %broadcast_in_dim3A, %get3A_81 : vector<1x1xf32>
    %swap3A = arith.constant 0 : index
    %swap3A_83 = arith.constant 0 : index
    %swap3A_84 = vector.load %arg16[%swap3A, %swap3A_83] : memref<1x1xf32, #tpu.memory_space<vmem>>, vector<1x1xf32>
    tpu.vector_store %arg16[%swap3A, %swap3A_83], %add3A_82 {strides = array<i32>} : memref<1x1xf32, #tpu.memory_space<vmem>>, vector<1x1xf32>,
    return
  }
}

</mosaic_0001>

<sc_bundles>
// kernel: kernel.10.cloned.1.call-start
scs
__scs_entry_jumppad:
0x0: {  	(pc) =	sbr.rel $0x88, $3  }
0x1: {  	(tag) =	ssettag $0x0;
	lr =	simm.s32 $0x1  }
0x2: {  	[smem:$0x3F73] =	sst lr;
	_ =	strace $0xD0000000  }
0x3: {  	_ = 	snop  }
0x4: {  	_ = 	snop  }
0x5: {  	_ = 	snop  }
0x6: {  	_ = 	snop  }
0x7: {  	_ = 	snop  }
__scs_overlays_trampoline_lowered:
0x8: {  	[smem:$0x3F82] =	sst s0  }
0x9: {  	[smem:$0x3F83] =	sst s1  }
0xa: {  	[smem:$0x3F84] =	sst s2  }
0xb: {  	[smem:$0x3F85] =	sst s3  }
0xc: {  	[smem:$0x3F86] =	sst s4  }
0xd: {  	[smem:$0x3F87] =	sst s5  }
0xe: {  	[smem:$0x3F88] =	sst s6  }
0xf: {  	[smem:$0x3F89] =	sst s7  }
0x10: {  	[smem:$0x3F8A] =	sst s8  }
0x11: {  	[smem:$0x3F8B] =	sst s9;
	s0 =	simm.s32 @!p0 $0x0  }
0x12: {  	s1 =	sld [smem:$0x3F71];
	s0 =	simm.s32 @p0 $0x1  }
0x13: {  	[smem:$0x3F8C] =	sst s0;
	s0 =	simm.s32 @!p1 $0x0  }
0x14: {  	s2 =	sld [smem:$0x3F70];
	s0 =	simm.s32 @p1 $0x1  }
0x15: {  	[smem:$0x3F8D] =	sst s0;
	s0 =	simm.s32 @!p2 $0x0  }
0x16: {  	s3 =	sld [smem:$0x3FDB];
	s0 =	simm.s32 @p2 $0x1  }
0x17: {  	s4 =	simm.s32 $0x1BF5;
	[smem:$0x3F8F] =	sst s0  }
0x18: {  	s0 =	sld [smem:$0x3F72];
	_ =	swait.ge [sflag:s4], $0x0  }
0x19: {  	s7 =	sld [smem:$0x3F73]  }
0x1a: {  	s8 =	sadd.s32 $0xFFFFE003, lr  }
0x1b: {  	s9 =	sadd.s32 $0xFFFFFEF7, lr;
	s5 =	simm.s32 $0xFFFFFFFF;
	p2 =	slt.u32 s8, $0xFFFFF086  }
0x1c: {  	p1 =	slt.u32 s9, $0xF7A;
	s5 =	simm.s32 @!p2 $0x0  }
0x1d: {  	s5 =	simm.s32 @p1 $0x1;
	p0 =	seq.s32 s7, s2  }
0x1e: {  	s7 =	smul.u32 @!p0 $0xF7A, s2;
	p2 =	seq.s32 @!p0 s5, $0x0  }
0x1f: {  	s9 =	smul.u32 $0xF7A, s1;
	s8 =	simm.s32 @!p0 $0x1BF5;
	p2 =	por !p2, p0  }
0x20: {  	[sflag:s8] =	ssyncset.s32 @!p0 $0xFFFFF086;
	s6 =	sadd.s32 @!p0 s3, s7;
	s7 =	simm.s32 @!p0 $0x108  }
0x21: {  	s3 =	sadd.s32 s3, s9;
	s6 =	sadd.s32 @!p0 $0x88, s6;
	s7 =	simm.s32 @p2 $0x1082  }
0x22: {  	[simem:s7], [sflag:s8] =	dma.local @!p0 [hbm:s6], $0xF7A  }
0x23: {  	s9 =	sor.u32 $0xD0000000, s2;
	s6 =	simm.s32 $0x108;
	_ =	swait.ge @!p0 [sflag:s8], $0x0  }
0x24: {  	s3 =	sadd.s32 $0x88, s3;
	s6 =	simm.s32 @!p1 $0x1082;
	[sflag:s4] =	ssyncset.s32 $0xFFFFF086  }
0x25: {  	[simem:s6], [sflag:s4] =	dma.local [hbm:s3], $0xF7A  }
0x26: {  	[smem:$0x3F73] =	sst s1;
	(tag) =	ssettag s2;
	_ =	strace s9  }
0x27: {  	s1 =	sld [smem:$0x3F83]  }
0x28: {  	s2 =	sld [smem:$0x3F84]  }
0x29: {  	s4 =	sld [smem:$0x3F86]  }
0x2a: {  	p0 =	seq.s32 s5, $0x0;
	s5 =	sld [smem:$0x3F87]  }
0x2b: {  	s6 =	sld [smem:$0x3F88]  }
0x2c: {  	s7 =	sld [smem:$0x3F89]  }
0x2d: {  	s3 =	simm.s32 $0x108;
	s8 =	sld [smem:$0x3F8A]  }
0x2e: {  	s3 =	simm.s32 @!p0 $0x1082;
	s9 =	sld [smem:$0x3F8B]  }
0x2f: {  	lr =	sadd.s32 s0, s3;
	s0 =	sld [smem:$0x3F82]  }
0x30: {  	s3 =	sld [smem:$0x3F85]  }
0x31: {  	[smem:$0x3F8E] =	sst s10  }
0x32: {  	s10 =	sld [smem:$0x3F8C];
	_ =	sdelay $0x3  }
0x33: {  	p0 =	seq.s32 s10, $0x1;
	s10 =	sld [smem:$0x3F8E];
	_ =	sdelay $0x3  }
0x34: {  	[smem:$0x3F8E] =	sst s10  }
0x35: {  	s10 =	sld [smem:$0x3F8D];
	_ =	sdelay $0x3  }
0x36: {  	p1 =	seq.s32 s10, $0x1;
	s10 =	sld [smem:$0x3F8E];
	_ =	sdelay $0x3  }
0x37: {  	[smem:$0x3F8E] =	sst s10  }
0x38: {  	s10 =	sld [smem:$0x3F8F]  }
0x39: {  	_ = 	snop;
	(pc) =	sbr.ind lr, $3  }
0x3a: {  	_ = 	snop  }
0x3b: {  	_ = 	snop  }
0x3c: {  	p2 =	seq.s32 s10, $0x1;
	s10 =	sld [smem:$0x3F8E]  }
0x3d: {  	_ =	shalt  }
0x3e: {  	_ =	shalt  }
0x3f: {  	_ =	shalt  }
0x40: {  	_ =	shalt  }
0x41: {  	_ =	shalt  }
0x42: {  	_ =	shalt  }
0x43: {  	_ =	shalt  }
0x44: {  	_ =	shalt  }
0x45: {  	_ =	shalt  }
0x46: {  	_ =	shalt  }
0x47: {  	_ =	shalt  }
0x48: {  	_ =	shalt  }
0x49: {  	_ =	shalt  }
0x4a: {  	_ =	shalt  }
0x4b: {  	_ =	shalt  }
0x4c: {  	_ =	shalt  }
0x4d: {  	_ =	shalt  }
0x4e: {  	_ =	shalt  }
0x4f: {  	_ =	shalt  }
0x50: {  	_ =	shalt  }
0x51: {  	_ =	shalt  }
0x52: {  	_ =	shalt  }
0x53: {  	_ =	shalt  }
0x54: {  	_ =	shalt  }
0x55: {  	_ =	shalt  }
0x56: {  	_ =	shalt  }
0x57: {  	_ =	shalt  }
0x58: {  	_ =	shalt  }
0x59: {  	_ =	shalt  }
0x5a: {  	_ =	shalt  }
0x5b: {  	_ =	shalt  }
0x5c: {  	_ =	shalt  }
0x5d: {  	_ =	shalt  }
0x5e: {  	_ =	shalt  }
0x5f: {  	_ =	shalt  }
0x60: {  	_ =	shalt  }
0x61: {  	_ =	shalt  }
0x62: {  	_ =	shalt  }
0x63: {  	_ =	shalt  }
0x64: {  	_ =	shalt  }
0x65: {  	_ =	shalt  }
0x66: {  	_ =	shalt  }
0x67: {  	_ =	shalt  }
0x68: {  	_ =	shalt  }
0x69: {  	_ =	shalt  }
0x6a: {  	_ =	shalt  }
0x6b: {  	_ =	shalt  }
0x6c: {  	_ =	shalt  }
0x6d: {  	_ =	shalt  }
0x6e: {  	_ =	shalt  }
0x6f: {  	_ =	shalt  }
0x70: {  	_ =	shalt  }
0x71: {  	_ =	shalt  }
0x72: {  	_ =	shalt  }
0x73: {  	_ =	shalt  }
0x74: {  	_ =	shalt  }
0x75: {  	_ =	shalt  }
0x76: {  	_ =	shalt  }
0x77: {  	_ =	shalt  }
0x78: {  	_ =	shalt  }
0x79: {  	_ =	shalt  }
0x7a: {  	_ =	shalt  }
0x7b: {  	_ =	shalt  }
0x7c: {  	_ =	shalt  }
0x7d: {  	_ =	shalt  }
0x7e: {  	_ =	shalt  }
0x7f: {  	_ =	shalt  }
0x80: {  	_ =	shalt  }
0x81: {  	_ =	shalt  }
0x82: {  	_ =	shalt  }
0x83: {  	_ =	shalt  }
0x84: {  	_ =	shalt  }
0x85: {  	_ =	shalt  }
0x86: {  	_ =	shalt  }
0x87: {  	_ =	shalt  }
.Lfunc_end0:
.L_simem_size_0:
called_computation_lowered:
.L_overlay_start_0:
0x88: {  	s2 =	sld [smem:$0x3FD9]  }
0x89: {  	s3 =	sld [smem:$0x3FFE];
	_ =	sdelay $0x1  }
0x8a: {  	s1 =	srdreg.scid  }
0x8b: {  	s0 =	sand.u32 $0x1, s1  }
0x8c: {  	s16 =	sshll.u32 s0, $0xA;
	s2 =	sadd.s32 s3, s2  }
0x8d: {  	s2 =	sadd.s32 s2, s16  }
0x8e: {  	[smem:$0x3F9A] =	sst s2  }
0x8f: {  	_ = 	snop  }
0x90: {  	(tm) =	ssettm $0x1  }
0x91: {  	s17 =	sld [smem:$0x3FFB];
	_ =	sdelay $0x3  }
0x92: {  	_ =	strace s17  }
0x93: {  	s2 =	sld [smem:$0x3FFC];
	_ =	sdelay $0x3  }
0x94: {  	_ =	strace s2  }
0x95: {  	s2 =	sld [smem:$0x3FFD];
	_ =	sdelay $0x3  }
0x96: {  	_ =	strace s2  }
0x97: {  	_ =	strace $0x8FFFFFFF  }
0x98: {  	s18 =	sld [smem:$0x3FDB];
	_ =	sdelay $0x1  }
0x99: {  	s19 =	simm.s32 $_scs_section_size  }
0x9a: {  	s4 =	simm.s32 $_size__tile_overlayer_lowered;
	s5 =	simm.s32 $_tile_overlayer_lowered  }
0x9b: {  	s22 =	simm.s32 $0x1BFF;
	s21 =	sshll.u32 s5, $0x1;
	s2 =	sadd.s32 s19, s18  }
0x9c: {  	s6 =	simm.s32 $0x0;
	s20 =	sshll.u32 s4, $0x1;
	s4 =	sadd.s32 s21, s2  }
0x9d: {  	[timem:s6], [sflag:s22] =	dma.local [hbm:s4], s20  }
0x9e: {  	_ =	swait.ge [sflag:s22], s20  }
0x9f: {  	s3 =	ssub.s32 $0x0, s20;
	[sflag:s22] =	ssyncset.done $0x0  }
0xa0: {  	[sflag:s22] =	ssyncadd.s32 s3;
	_ =	sdelay $0x1  }
0xa1: {  	s23 =	simm.s32 $0x1B8B  }
0xa2: {  	_ =	swait.ge [sflag:s23], $0x1  }
0xa3: {  	[sflag:s23] =	ssyncset.done $0x0  }
0xa4: {  	s25 =	simm.s32 $0x1B8E;
	s24 =	sld [smem:$0x3FFE];
	[sflag:s23] =	ssyncadd.s32 $0xFFFFFFFF  }
0xa5: {  	s26 =	simm.s32 $execute0_lowered;
	[smem:$0x3FD2] =	sst s25  }
0xa6: {  	s4 =	sshll.u32 s26, $0x1;
	_ =	strace $0x80000046;
	[dreg:$0x1] =	wrdreg $0xFFFFFFFF  }
0xa7: {  	s28 =	simm.s32 $_size_execute0_lowered;
	s2 =	sadd.s32 s2, s4;
	[dreg:$0x0] =	wrdreg $0x0  }
0xa8: {  	s4 =	sshll.u32 s28, $0x1;
	[dreg:$0x2] =	wrdreg s2  }
0xa9: {  	[dreg:$0x3] =	wrdreg s4  }
0xaa: {  	[dreg:$0x4] =	wrdreg $0xC0  }
0xab: {  	_ =	task [dreg:s6], $0x5FFFF  }
0xac: {  	[dreg:$0x1] =	wrdreg $0xFFFFFFFF  }
0xad: {  	[dreg:$0x0] =	wrdreg $0x60  }
0xae: {  	[dreg:$0x2] =	wrdreg s24  }
0xaf: {  	[dreg:$0x3] =	wrdreg $0xA4000  }
0xb0: {  	[dreg:$0x4] =	wrdreg $0xCB800  }
0xb1: {  	[dreg:$0x5] =	wrdreg $0x9  }
0xb2: {  	_ =	task.clear_ibuf [dreg:s6], $0x6FFFF;
	_ =	strace $0x90000046  }
0xb3: {  	s29 =	simm.s32 $0x9;
	_ =	strace $0x80000048  }
0xb4: {  	_ =	swait.ge [sflag:s29], $0x1  }
0xb5: {  	[sflag:s29] =	ssyncadd.s32 $0xFFFFFFFF  }
0xb6: {  	_ =	strace $0x90000048  }
0xb7: {  	_ =	sfence  }
0xb8: {  	s30 =	sld [smem:$0x0];
	_ =	sdelay $0x2  }
0xb9: {  	s31 =	sshll.u32 s1, $0xD;
	s1 =	sshrl.u32 s1, $0x2  }
0xba: {  	s3 =	sand.u32 $0x4000, s31;
	s1 =	sadd.s32 s1, s30  }
0xbb: {  	s0 =	sor.u32 s3, s0;
	s1 =	sshll.u32 s1, $0x11  }
0xbc: {  	s0 =	sor.u32 s1, s0  }
0xbd: {  	s0 =	sadd.s32 $0x8F2B, s0  }
0xbe: {  	[sflag:s0] =	ssyncadd.remote.s32 $0x1  }
0xbf: {  	_ =	sfence.sel $0xFFFF  }
0xc0: {  	[dreg:$0x0] =	wrdreg $0xFFFFFFFF;
	(pc) =	sbr.abs _section_cstart, $3  }
0xc1: {  	[dreg:$0x1] =	wrdreg $0xFFFFFFFF  }
0xc2: {  	_ =	task.clear_ibuf [dreg:s6], $0x2FFFF;
	_ =	strace $0x9FFFFFFF  }
0xc3: {  	(tm) =	ssettm $0x7FFFFFFF  }
tec
execute0_lowered:
.L_overlay_start_1:
0x0: {  	(tag) =	ssettag $0x1  }
0x1: {  	s6 =	rddreg [dreg:$0x0]  }
0x2: {  	s0 =	srdreg.scid;
	s2 =	rddreg [dreg:$0x1]  }
0x3: {  	s3 =	rddreg [dreg:$0x2];
	s4 =	simm.s32 $0x0;
	s18 =	simm.s32 $0x5000  }
0x4: {  	s19 =	simm.s32 $0x80;
	s20 =	simm.s32 $0x1;
	s7 =	sand.u32 $0x1, s0  }
0x5: {  	s21 =	simm.s32 $0x2;
	s0 =	stileid.u32;
	s8 =	smul.u32 $0x2710, s7  }
0x6: {  	s24 =	simm.s32 $0x0;
	[smem:$0x7FF] =	sst s4;
	s9 =	smul.u32 $0x270, s0  }
0x7: {  	s11 =	sadd.s32 $0x30000, s6;
	s1 =	sshll.u32 s7, $0x4;
	s28 =	smul.u32 $0x2780, s0  }
0x8: {  	s7 =	ssub.s32 $0x2, s7;
	s30 =	sshll.u32 s0, $0x6;
	s31 =	smul.u32 $0x13C0, s0  }
0x9: {  	s17 =	smul.u32 $0x4E00, s0;
	s5 =	sor.u32 s0, s1;
	s1 =	rddreg [dreg:$0x3]  }
0xa: {  	_ =	strace $0x80000047;
	s26 =	sshrl.u32 s7, $0x1;
	s5 =	smul.u32 $0xA00, s5  }
0xb: {  	s12 =	sadd.s32 s9, s8;
	s14 =	ssub.s32 s7, s26;
	s29 =	sshrl.u32 s28, $0x3  }
0xc: {  	s15 =	sadd.s32 s28, s2;
	s7 =	sor.u32 $0x1C03, s30;
	s16 =	sadd.s32 s31, s3  }
0xd: {  	s8 =	sshrl.u32 s31, $0x3;
	s17 =	sshrl.u32 s17, $0x2;
	s13 =	sadd.s32 s12, s6  }
0xe: {  	s8 =	sadd.s32 s11, s8;
	s12 =	sshll.u32 s12, $0x3;
	s23 =	sadd.s32 s17, s3  }
0xf: {  	s16 =	sshrl.u32 s16, $0x3;
	s17 =	simm.s32 $0xA000;
	s10 =	sadd.s32 s5, s6  }
0x10: {  	s5 =	sadd.s32 $0x35000, s6;
	s6 =	sadd.s32 s11, s29;
	s11 =	sadd.s32 $0x35200, s13  }
0x11: {  	s22 =	sadd.s32 s12, s2;
	s12 =	sadd.s32 $0x3A200, s13;
	s13 =	smax.u32 s14, $0x1  }
0x12: {  	s14 =	sshrl.u32 s15, $0x3;
	s15 =	simm.s32 $0x3;
	s23 =	sshrl.u32 s23, $0x3  }
0x13: {  	s9 =	sadd.s32 $0x1C000, s10;
	s10 =	sadd.s32 $0x8000, s10;
	s22 =	sshrl.u32 s22, $0x3  }
.LBB2_1:
0x14: {  	[spmem:s14], [sflag:s7] =	dma.local [hbm:s6], $0x4F0  }
0x15: {  	_ =	swait.ge [sflag:s15], $0x4F0  }
0x16: {  	[sflag:s15] =	ssyncset.done $0x0  }
0x17: {  	[sflag:s15] =	ssyncadd.s32 $0xFFFFFB10  }
0x18: {  	[spmem:s16], [sflag:s7] =	dma.local [hbm:s8], $0x278  }
0x19: {  	_ =	swait.ge [sflag:s15], $0x278  }
0x1a: {  	[sflag:s15] =	ssyncset.done $0x0  }
0x1b: {  	[sflag:s15] =	ssyncadd.s32 $0xFFFFFD88  }
0x1c: {  	[tilespmem:s17], [sflag:$0x3] =	stream.linear.gather [hbm4b:s5+s4], $0x400, $0x38;
	[tilespmem:$0xDF40] =	vst v63  }
0x1d: {  	_ =	swait.ge [sflag:s15], $0x400  }
0x1e: {  	[sflag:s15] =	ssyncset.done $0x0  }
0x1f: {  	[sflag:s15] =	ssyncadd.s32 $0xFFFFFC00  }
0x20: {  	[tilespmem:s4], [sflag:$0x3] =	stream.linear.gather [hbm4b:s9+s4], $0x5000, $0x38;
	[tilespmem:$0xDF40] =	vst v63  }
0x21: {  	_ =	swait.ge [sflag:s15], $0x5000  }
0x22: {  	[sflag:s15] =	ssyncset.done $0x0  }
0x23: {  	[sflag:s15] =	ssyncadd.s32 $0xFFFFB000  }
0x24: {  	[tilespmem:s18], [sflag:$0x3] =	stream.linear.gather [hbm4b:s10+s4], $0x5000, $0x38;
	[tilespmem:$0xDF40] =	vst v63  }
0x25: {  	_ =	swait.ge [sflag:s15], $0x5000  }
0x26: {  	[sflag:s15] =	ssyncset.done $0x0  }
0x27: {  	[sflag:s15] =	ssyncadd.s32 $0xFFFFB000  }
0x28: {  	s25 =	simm.s32 $0x0;
	[bflag:$0x0] =	sbarrier.arrive $0xFFFF  }
0x29: {  	[spmem:s2] =	stream.indirect.scatter.add.f32 [tilespmem:s17], [sflag:$0x1], $0x8, s25, s19, $0xb8;
	[tilespmem:$0xDF40] =	vst v63  }
0x2a: {  	s31 =	simm.s32 $0x5000  }
0x2b: {  	[spmem:s3] =	stream.indirect.scatter.add.f32 [tilespmem:s17], [sflag:$0x2], $0x8, s31, s19, $0xb8;
	[tilespmem:$0xDF40] =	vst v63  }
0x2c: {  	_ =	swait.ge [sflag:s20], $0x400  }
0x2d: {  	[sflag:s20] =	ssyncset.done $0x0  }
0x2e: {  	[sflag:s20] =	ssyncadd.s32 $0xFFFFFC00  }
0x2f: {  	_ =	swait.ge [sflag:s21], $0x400  }
0x30: {  	s26 =	simm.s32 $0x400;
	s25 =	simm.s32 $0x200;
	[sflag:s21] =	ssyncset.done $0x0  }
.LBB2_2:
0x31: {  	s28 =	sshra.s32 s25, $0x2  }
0x32: {  	[sflag:s21] =	ssyncadd.s32 $0xFFFFFC00;
	s25 =	smov.u32 s26;
	s29 =	sadd.s32 $0x200, s26  }
0x33: {  	[spmem:s2] =	stream.indirect.scatter.add.f32 [tilespmem:s17], [sflag:$0x1], $0x8, s28, s19, $0xb8;
	[tilespmem:$0xDF40] =	vst v63  }
0x34: {  	p0 =	sne.s32 s26, $0x13E00;
	s26 =	sadd.s32 $0x5000, s28  }
0x35: {  	[spmem:s3] =	stream.indirect.scatter.add.f32 [tilespmem:s17], [sflag:$0x2], $0x8, s26, s19, $0xb8;
	[tilespmem:$0xDF40] =	vst v63  }
.Ltmp0:
0x36: {  	_ =	swait.ge [sflag:s20], $0x400;
	(pc) =	sbr.rel @p0 .LBB2_2-.Ltmp0, $4  }
0x37: {  	[sflag:s20] =	ssyncset.done $0x0  }
0x38: {  	[sflag:s20] =	ssyncadd.s32 $0xFFFFFC00  }
0x39: {  	_ =	swait.ge [sflag:s21], $0x400  }
0x3a: {  	s26 =	smov.u32 s29;
	[sflag:s21] =	ssyncset.done $0x0  }
0x3b: {  	s25 =	sshra.s32 s25, $0x2;
	[sflag:s21] =	ssyncadd.s32 $0xFFFFFC00  }
0x3c: {  	[spmem:s2] =	stream.indirect.scatter.add.f32 [tilespmem:s17], [sflag:$0x1], $0x8, s25, s19, $0xb8;
	[tilespmem:$0xDF40] =	vst v63  }
0x3d: {  	s25 =	sadd.s32 $0x5000, s25  }
0x3e: {  	[spmem:s3] =	stream.indirect.scatter.add.f32 [tilespmem:s17], [sflag:$0x2], $0x8, s25, s19, $0xb8;
	[tilespmem:$0xDF40] =	vst v63  }
0x3f: {  	_ =	swait.ge [sflag:s20], $0x400  }
0x40: {  	[sflag:s20] =	ssyncset.done $0x0  }
0x41: {  	[sflag:s20] =	ssyncadd.s32 $0xFFFFFC00  }
0x42: {  	_ =	swait.ge [sflag:s21], $0x400  }
0x43: {  	[sflag:s21] =	ssyncset.done $0x0  }
0x44: {  	[sflag:s21] =	ssyncadd.s32 $0xFFFFFC00  }
0x45: {  	[bflag:$0x0] =	sbarrier.arrive $0xFFFF  }
0x46: {  	[hbm:s11], [sflag:s7] =	dma.local [spmem:s22], $0x280  }
0x47: {  	s24 =	sadd.s32 $0x1, s24;
	_ =	swait.ge [sflag:s15], $0x280  }
0x48: {  	p0 =	sne.s32 s24, s13;
	[sflag:s15] =	ssyncset.done $0x0  }
.Ltmp1:
0x49: {  	[sflag:s15] =	ssyncadd.s32 $0xFFFFFD80;
	(pc) =	sbr.rel @p0 .LBB2_1-.Ltmp1, $4  }
0x4a: {  	[hbm:s12], [sflag:s7] =	dma.local [spmem:s23], $0x280  }
0x4b: {  	_ =	swait.ge [sflag:s15], $0x280  }
0x4c: {  	[sflag:s15] =	ssyncset.done $0x0  }
0x4d: {  	[sflag:s15] =	ssyncadd.s32 $0xFFFFFD80  }
0x4e: {  	_ =	sfence.sel $0x180000  }
0x4f: {  	[bflag:$0x0] =	sbarrier.arrive $0xFFFF  }
0x50: {  	p0 =	sne.s32 s0, $0x0;
	_ =	strace $0x90000047  }
0x51: {  	s0 =	sadd.s32 @!p0 $0x100000, s1;
	[bflag:$0x2] =	sbarrier.arrive $0xFFFF  }
0x52: {  	[sflag:s0] =	ssyncadd.tile.s32 @!p0 $0x1;
	_ =	shalt  }
.Lfunc_end2:
_tile_overlayer_lowered:
.L_overlay_start_2:
0x53: {  	(tag) =	ssettag $0x2  }
0x54: {  	s0 =	rddreg [dreg:$0x0];
	s2 =	stileid.u32  }
0x55: {  	s1 =	rddreg [dreg:$0x1];
	p0 =	sne.s32 s2, $0x0  }
0x56: {  	s3 =	rddreg [dreg:$0x2];
	[bflag:$0x3] =	sbarrier.arrive $0xFFFF;
	s2 =	simm.s32 @!p0 $0x1C03  }
0x57: {  	[timem:s3], [sflag:s2] =	dma.local @!p0 [hbm:s0], s1  }
0x58: {  	s0 =	simm.s32 @!p0 $0x3  }
0x59: {  	_ =	swait.ge @!p0 [sflag:s0], s1  }
0x5a: {  	s1 =	ssub.s32 @!p0 $0x0, s1;
	[sflag:s0] =	ssyncset.done @!p0 $0x0  }
0x5b: {  	[sflag:s0] =	ssyncadd.s32 @!p0 s1  }
0x5c: {  	[bflag:$0x3] =	sbarrier.arrive $0xFFFF  }
0x5d: {  	_ =	shalt  }

// kernel: kernel.13.cloned.1.call-start
scs
__scs_entry_jumppad:
0x0: {  	(pc) =	sbr.rel $0x88, $3  }
0x1: {  	(tag) =	ssettag $0x0;
	lr =	simm.s32 $0x1  }
0x2: {  	[smem:$0x3F73] =	sst lr;
	_ =	strace $0xD0000000  }
0x3: {  	_ = 	snop  }
0x4: {  	_ = 	snop  }
0x5: {  	_ = 	snop  }
0x6: {  	_ = 	snop  }
0x7: {  	_ = 	snop  }
__scs_overlays_trampoline_lowered:
0x8: {  	[smem:$0x3F82] =	sst s0  }
0x9: {  	[smem:$0x3F83] =	sst s1  }
0xa: {  	[smem:$0x3F84] =	sst s2  }
0xb: {  	[smem:$0x3F85] =	sst s3  }
0xc: {  	[smem:$0x3F86] =	sst s4  }
0xd: {  	[smem:$0x3F87] =	sst s5  }
0xe: {  	[smem:$0x3F88] =	sst s6  }
0xf: {  	[smem:$0x3F89] =	sst s7  }
0x10: {  	[smem:$0x3F8A] =	sst s8  }
0x11: {  	[smem:$0x3F8B] =	sst s9;
	s0 =	simm.s32 @!p0 $0x0  }
0x12: {  	s1 =	sld [smem:$0x3F71];
	s0 =	simm.s32 @p0 $0x1  }
0x13: {  	[smem:$0x3F8C] =	sst s0;
	s0 =	simm.s32 @!p1 $0x0  }
0x14: {  	s2 =	sld [smem:$0x3F70];
	s0 =	simm.s32 @p1 $0x1  }
0x15: {  	[smem:$0x3F8D] =	sst s0;
	s0 =	simm.s32 @!p2 $0x0  }
0x16: {  	s3 =	sld [smem:$0x3FDB];
	s0 =	simm.s32 @p2 $0x1  }
0x17: {  	s4 =	simm.s32 $0x1BF5;
	[smem:$0x3F8F] =	sst s0  }
0x18: {  	s0 =	sld [smem:$0x3F72];
	_ =	swait.ge [sflag:s4], $0x0  }
0x19: {  	s7 =	sld [smem:$0x3F73]  }
0x1a: {  	s8 =	sadd.s32 $0xFFFFE003, lr  }
0x1b: {  	s9 =	sadd.s32 $0xFFFFFEF7, lr;
	s5 =	simm.s32 $0xFFFFFFFF;
	p2 =	slt.u32 s8, $0xFFFFF086  }
0x1c: {  	p1 =	slt.u32 s9, $0xF7A;
	s5 =	simm.s32 @!p2 $0x0  }
0x1d: {  	s5 =	simm.s32 @p1 $0x1;
	p0 =	seq.s32 s7, s2  }
0x1e: {  	s7 =	smul.u32 @!p0 $0xF7A, s2;
	p2 =	seq.s32 @!p0 s5, $0x0  }
0x1f: {  	s9 =	smul.u32 $0xF7A, s1;
	s8 =	simm.s32 @!p0 $0x1BF5;
	p2 =	por !p2, p0  }
0x20: {  	[sflag:s8] =	ssyncset.s32 @!p0 $0xFFFFF086;
	s6 =	sadd.s32 @!p0 s3, s7;
	s7 =	simm.s32 @!p0 $0x108  }
0x21: {  	s3 =	sadd.s32 s3, s9;
	s6 =	sadd.s32 @!p0 $0x88, s6;
	s7 =	simm.s32 @p2 $0x1082  }
0x22: {  	[simem:s7], [sflag:s8] =	dma.local @!p0 [hbm:s6], $0xF7A  }
0x23: {  	s9 =	sor.u32 $0xD0000000, s2;
	s6 =	simm.s32 $0x108;
	_ =	swait.ge @!p0 [sflag:s8], $0x0  }
0x24: {  	s3 =	sadd.s32 $0x88, s3;
	s6 =	simm.s32 @!p1 $0x1082;
	[sflag:s4] =	ssyncset.s32 $0xFFFFF086  }
0x25: {  	[simem:s6], [sflag:s4] =	dma.local [hbm:s3], $0xF7A  }
0x26: {  	[smem:$0x3F73] =	sst s1;
	(tag) =	ssettag s2;
	_ =	strace s9  }
0x27: {  	s1 =	sld [smem:$0x3F83]  }
0x28: {  	s2 =	sld [smem:$0x3F84]  }
0x29: {  	s4 =	sld [smem:$0x3F86]  }
0x2a: {  	p0 =	seq.s32 s5, $0x0;
	s5 =	sld [smem:$0x3F87]  }
0x2b: {  	s6 =	sld [smem:$0x3F88]  }
0x2c: {  	s7 =	sld [smem:$0x3F89]  }
0x2d: {  	s3 =	simm.s32 $0x108;
	s8 =	sld [smem:$0x3F8A]  }
0x2e: {  	s3 =	simm.s32 @!p0 $0x1082;
	s9 =	sld [smem:$0x3F8B]  }
0x2f: {  	lr =	sadd.s32 s0, s3;
	s0 =	sld [smem:$0x3F82]  }
0x30: {  	s3 =	sld [smem:$0x3F85]  }
0x31: {  	[smem:$0x3F8E] =	sst s10  }
0x32: {  	s10 =	sld [smem:$0x3F8C];
	_ =	sdelay $0x3  }
0x33: {  	p0 =	seq.s32 s10, $0x1;
	s10 =	sld [smem:$0x3F8E];
	_ =	sdelay $0x3  }
0x34: {  	[smem:$0x3F8E] =	sst s10  }
0x35: {  	s10 =	sld [smem:$0x3F8D];
	_ =	sdelay $0x3  }
0x36: {  	p1 =	seq.s32 s10, $0x1;
	s10 =	sld [smem:$0x3F8E];
	_ =	sdelay $0x3  }
0x37: {  	[smem:$0x3F8E] =	sst s10  }
0x38: {  	s10 =	sld [smem:$0x3F8F]  }
0x39: {  	_ = 	snop;
	(pc) =	sbr.ind lr, $3  }
0x3a: {  	_ = 	snop  }
0x3b: {  	_ = 	snop  }
0x3c: {  	p2 =	seq.s32 s10, $0x1;
	s10 =	sld [smem:$0x3F8E]  }
0x3d: {  	_ =	shalt  }
0x3e: {  	_ =	shalt  }
0x3f: {  	_ =	shalt  }
0x40: {  	_ =	shalt  }
0x41: {  	_ =	shalt  }
0x42: {  	_ =	shalt  }
0x43: {  	_ =	shalt  }
0x44: {  	_ =	shalt  }
0x45: {  	_ =	shalt  }
0x46: {  	_ =	shalt  }
0x47: {  	_ =	shalt  }
0x48: {  	_ =	shalt  }
0x49: {  	_ =	shalt  }
0x4a: {  	_ =	shalt  }
0x4b: {  	_ =	shalt  }
0x4c: {  	_ =	shalt  }
0x4d: {  	_ =	shalt  }
0x4e: {  	_ =	shalt  }
0x4f: {  	_ =	shalt  }
0x50: {  	_ =	shalt  }
0x51: {  	_ =	shalt  }
0x52: {  	_ =	shalt  }
0x53: {  	_ =	shalt  }
0x54: {  	_ =	shalt  }
0x55: {  	_ =	shalt  }
0x56: {  	_ =	shalt  }
0x57: {  	_ =	shalt  }
0x58: {  	_ =	shalt  }
0x59: {  	_ =	shalt  }
0x5a: {  	_ =	shalt  }
0x5b: {  	_ =	shalt  }
0x5c: {  	_ =	shalt  }
0x5d: {  	_ =	shalt  }
0x5e: {  	_ =	shalt  }
0x5f: {  	_ =	shalt  }
0x60: {  	_ =	shalt  }
0x61: {  	_ =	shalt  }
0x62: {  	_ =	shalt  }
0x63: {  	_ =	shalt  }
0x64: {  	_ =	shalt  }
0x65: {  	_ =	shalt  }
0x66: {  	_ =	shalt  }
0x67: {  	_ =	shalt  }
0x68: {  	_ =	shalt  }
0x69: {  	_ =	shalt  }
0x6a: {  	_ =	shalt  }
0x6b: {  	_ =	shalt  }
0x6c: {  	_ =	shalt  }
0x6d: {  	_ =	shalt  }
0x6e: {  	_ =	shalt  }
0x6f: {  	_ =	shalt  }
0x70: {  	_ =	shalt  }
0x71: {  	_ =	shalt  }
0x72: {  	_ =	shalt  }
0x73: {  	_ =	shalt  }
0x74: {  	_ =	shalt  }
0x75: {  	_ =	shalt  }
0x76: {  	_ =	shalt  }
0x77: {  	_ =	shalt  }
0x78: {  	_ =	shalt  }
0x79: {  	_ =	shalt  }
0x7a: {  	_ =	shalt  }
0x7b: {  	_ =	shalt  }
0x7c: {  	_ =	shalt  }
0x7d: {  	_ =	shalt  }
0x7e: {  	_ =	shalt  }
0x7f: {  	_ =	shalt  }
0x80: {  	_ =	shalt  }
0x81: {  	_ =	shalt  }
0x82: {  	_ =	shalt  }
0x83: {  	_ =	shalt  }
0x84: {  	_ =	shalt  }
0x85: {  	_ =	shalt  }
0x86: {  	_ =	shalt  }
0x87: {  	_ =	shalt  }
.Lfunc_end0:
.L_simem_size_0:
called_computation.1_lowered:
.L_overlay_start_0:
0x88: {  	s2 =	sld [smem:$0x3FD9]  }
0x89: {  	s3 =	sld [smem:$0x3FFE];
	_ =	sdelay $0x1  }
0x8a: {  	s1 =	srdreg.scid  }
0x8b: {  	s0 =	sand.u32 $0x1, s1  }
0x8c: {  	s16 =	sshll.u32 s0, $0xA;
	s2 =	sadd.s32 s3, s2  }
0x8d: {  	s2 =	sadd.s32 s2, s16  }
0x8e: {  	[smem:$0x3F9A] =	sst s2  }
0x8f: {  	_ = 	snop  }
0x90: {  	(tm) =	ssettm $0x1  }
0x91: {  	s17 =	sld [smem:$0x3FFB];
	_ =	sdelay $0x3  }
0x92: {  	_ =	strace s17  }
0x93: {  	s2 =	sld [smem:$0x3FFC];
	_ =	sdelay $0x3  }
0x94: {  	_ =	strace s2  }
0x95: {  	s2 =	sld [smem:$0x3FFD];
	_ =	sdelay $0x3  }
0x96: {  	_ =	strace s2  }
0x97: {  	_ =	strace $0x8FFFFFFF  }
0x98: {  	s18 =	sld [smem:$0x3FDB];
	_ =	sdelay $0x1  }
0x99: {  	s19 =	simm.s32 $_scs_section_size  }
0x9a: {  	s4 =	simm.s32 $_size__tile_overlayer_lowered;
	s5 =	simm.s32 $_tile_overlayer_lowered  }
0x9b: {  	s22 =	simm.s32 $0x1BFF;
	s21 =	sshll.u32 s5, $0x1;
	s2 =	sadd.s32 s19, s18  }
0x9c: {  	s6 =	simm.s32 $0x0;
	s20 =	sshll.u32 s4, $0x1;
	s4 =	sadd.s32 s21, s2  }
0x9d: {  	[timem:s6], [sflag:s22] =	dma.local [hbm:s4], s20  }
0x9e: {  	_ =	swait.ge [sflag:s22], s20  }
0x9f: {  	s3 =	ssub.s32 $0x0, s20;
	[sflag:s22] =	ssyncset.done $0x0  }
0xa0: {  	[sflag:s22] =	ssyncadd.s32 s3;
	_ =	sdelay $0x1  }
0xa1: {  	s23 =	simm.s32 $0x1B8B  }
0xa2: {  	_ =	swait.ge [sflag:s23], $0x1  }
0xa3: {  	[sflag:s23] =	ssyncset.done $0x0  }
0xa4: {  	s25 =	simm.s32 $0x1B8E;
	s24 =	sld [smem:$0x3FFE];
	[sflag:s23] =	ssyncadd.s32 $0xFFFFFFFF  }
0xa5: {  	s26 =	simm.s32 $execute0_lowered;
	[smem:$0x3FD2] =	sst s25  }
0xa6: {  	s4 =	sshll.u32 s26, $0x1;
	_ =	strace $0x80000049;
	[dreg:$0x1] =	wrdreg $0xFFFFFFFF  }
0xa7: {  	s28 =	simm.s32 $_size_execute0_lowered;
	s2 =	sadd.s32 s2, s4;
	[dreg:$0x0] =	wrdreg $0x0  }
0xa8: {  	s4 =	sshll.u32 s28, $0x1;
	[dreg:$0x2] =	wrdreg s2  }
0xa9: {  	[dreg:$0x3] =	wrdreg s4  }
0xaa: {  	[dreg:$0x4] =	wrdreg $0xC0  }
0xab: {  	_ =	task [dreg:s6], $0x5FFFF  }
0xac: {  	[dreg:$0x1] =	wrdreg $0xFFFFFFFF  }
0xad: {  	[dreg:$0x0] =	wrdreg $0x60  }
0xae: {  	[dreg:$0x2] =	wrdreg s24  }
0xaf: {  	[dreg:$0x3] =	wrdreg $0xE0000  }
0xb0: {  	[dreg:$0x4] =	wrdreg $0x9  }
0xb1: {  	_ =	task.clear_ibuf [dreg:s6], $0x5FFFF;
	_ =	strace $0x90000049  }
0xb2: {  	s29 =	simm.s32 $0x9;
	_ =	strace $0x8000004B  }
0xb3: {  	_ =	swait.ge [sflag:s29], $0x1  }
0xb4: {  	[sflag:s29] =	ssyncadd.s32 $0xFFFFFFFF  }
0xb5: {  	_ =	strace $0x9000004B  }
0xb6: {  	_ =	sfence  }
0xb7: {  	s30 =	sld [smem:$0x0];
	_ =	sdelay $0x2  }
0xb8: {  	s31 =	sshll.u32 s1, $0xD;
	s1 =	sshrl.u32 s1, $0x2  }
0xb9: {  	s3 =	sand.u32 $0x4000, s31;
	s1 =	sadd.s32 s1, s30  }
0xba: {  	s0 =	sor.u32 s3, s0;
	s1 =	sshll.u32 s1, $0x11  }
0xbb: {  	s0 =	sor.u32 s1, s0  }
0xbc: {  	s0 =	sadd.s32 $0x8F2B, s0  }
0xbd: {  	[sflag:s0] =	ssyncadd.remote.s32 $0x1  }
0xbe: {  	_ =	sfence.sel $0xFFFF  }
0xbf: {  	[dreg:$0x0] =	wrdreg $0xFFFFFFFF;
	(pc) =	sbr.abs _section_cstart, $3  }
0xc0: {  	[dreg:$0x1] =	wrdreg $0xFFFFFFFF  }
0xc1: {  	_ =	task.clear_ibuf [dreg:s6], $0x2FFFF;
	_ =	strace $0x9FFFFFFF  }
0xc2: {  	(tm) =	ssettm $0x7FFFFFFF  }
0xc3: {  	_ =	shalt  }
tec
execute0_lowered:
.L_overlay_start_1:
0x0: {  	(tag) =	ssettag $0x1  }
0x1: {  	s0 =	srdreg.scid  }
0x2: {  	s12 =	stileid.u32;
	s5 =	rddreg [dreg:$0x0]  }
0x3: {  	s2 =	rddreg [dreg:$0x1];
	s3 =	simm.s32 $0x0;
	s14 =	simm.s32 $0x80  }
0x4: {  	s15 =	simm.s32 $0xA000;
	s16 =	simm.s32 $0xB000;
	s17 =	simm.s32 $0xC000  }
0x5: {  	s18 =	simm.s32 $0x1;
	s19 =	simm.s32 $0xD000;
	s20 =	simm.s32 $0x2  }
0x6: {  	s21 =	simm.s32 $0x3;
	s22 =	simm.s32 $0x4;
	s28 =	simm.s32 $0x9E80  }
0x7: {  	s29 =	simm.s32 $0x9F00;
	s30 =	simm.s32 $0x9F80;
	s7 =	smul.u32 $0x4F00, s12  }
0x8: {  	s31 =	simm.s32 $0x0;
	s0 =	sand.u32 $0x1, s0;
	s8 =	smul.u32 $0x9C0, s12  }
0x9: {  	[smem:$0x7FF] =	sst s3;
	s4 =	sadd.s32 $0x129A00, s5;
	s11 =	smul.u32 $0x13800, s12  }
0xa: {  	s26 =	sshll.u32 s12, $0x6;
	s1 =	sshll.u32 s0, $0x4;
	s6 =	smul.u32 $0x9C40, s0  }
0xb: {  	_ =	strace $0x8000004A;
	s0 =	ssub.s32 $0x2, s0;
	s1 =	sor.u32 s12, s1  }
0xc: {  	s9 =	sshrl.u32 s7, $0x3;
	s23 =	sshrl.u32 s0, $0x1;
	s24 =	sadd.s32 s7, s2  }
0xd: {  	s25 =	sshrl.u32 s11, $0x2;
	s12 =	sor.u32 $0x1C05, s26;
	s26 =	simm.s32 $0x4F80  }
0xe: {  	s1 =	smul.u32 $0xA00, s1;
	s9 =	sadd.s32 s9, s5;
	s6 =	sadd.s32 s8, s6  }
0xf: {  	s0 =	ssub.s32 s0, s23;
	s11 =	sadd.s32 s25, s2;
	s13 =	sshrl.u32 s24, $0x3  }
0x10: {  	s10 =	sadd.s32 s6, s5;
	s7 =	sadd.s32 $0x30000, s9;
	s9 =	smax.u32 s0, $0x1  }
0x11: {  	s25 =	sshrl.u32 s11, $0x3;
	s1 =	sadd.s32 s1, s5;
	s8 =	sadd.s32 $0xDB600, s10  }
0x12: {  	s10 =	simm.s32 $0x5;
	s5 =	sadd.s32 $0x1C000, s1;
	s6 =	sadd.s32 $0x8000, s1  }
.LBB2_1:
0x13: {  	[tilespmem:s3], [sflag:$0x5] =	stream.linear.gather [hbm4b:s5+s3], $0x5000, $0x38;
	[tilespmem:$0x12F00] =	vst v63  }
0x14: {  	_ =	swait.ge [sflag:s10], $0x5000  }
0x15: {  	[sflag:s10] =	ssyncset.done $0x0  }
0x16: {  	s0 =	simm.s32 $0x5000;
	[sflag:s10] =	ssyncadd.s32 $0xFFFFB000  }
0x17: {  	[tilespmem:s0], [sflag:$0x5] =	stream.linear.gather [hbm4b:s6+s3], $0x5000, $0x38;
	[tilespmem:$0x12F00] =	vst v63  }
0x18: {  	_ =	swait.ge [sflag:s10], $0x5000  }
0x19: {  	[sflag:s10] =	ssyncset.done $0x0  }
0x1a: {  	[sflag:s10] =	ssyncadd.s32 $0xFFFFB000  }
0x1b: {  	[spmem:s13], [sflag:s12] =	dma.local [hbm:s7], $0x9E0  }
0x1c: {  	_ =	swait.ge [sflag:s10], $0x9E0  }
0x1d: {  	[sflag:s10] =	ssyncset.done $0x0  }
0x1e: {  	[sflag:s10] =	ssyncadd.s32 $0xFFFFF620  }
0x1f: {  	[bflag:$0x0] =	sbarrier.arrive $0xFFFF  }
0x20: {  	[tilespmem:s15], [sflag:$0x1] =	stream.indirect.gather [hbm4b:s4+s14], $0x20, s3, s14, $0xb8;
	[tilespmem:$0x12F00] =	vst v63  }
0x21: {  	_ = 	snop  }
0x22: {  	[tilespmem:s16], [sflag:$0x2] =	stream.indirect.gather [hbm4b:s4+s14], $0x20, s14, s14, $0xb8;
	[tilespmem:$0x12F00] =	vst v63  }
0x23: {  	s1 =	simm.s32 $0x100  }
0x24: {  	[tilespmem:s17], [sflag:$0x3] =	stream.indirect.gather [hbm4b:s4+s14], $0x20, s1, s14, $0xb8;
	[tilespmem:$0x12F00] =	vst v63  }
0x25: {  	_ =	swait.ge [sflag:s18], $0x1000  }
0x26: {  	[sflag:s18] =	ssyncset.done $0x0  }
0x27: {  	s11 =	simm.s32 $0x5000;
	[sflag:s18] =	ssyncadd.s32 $0xFFFFF000  }
0x28: {  	[spmem:s2] =	stream.indirect.scatter.add.f32 [tilespmem:s15], [sflag:$0x5], $0x20, s11, s14, $0xb8;
	[tilespmem:$0x12F00] =	vst v63  }
0x29: {  	_ =	swait.ge [sflag:s10], $0x1000  }
0x2a: {  	[sflag:s10] =	ssyncset.done $0x0  }
0x2b: {  	s23 =	simm.s32 $0x180;
	[sflag:s10] =	ssyncadd.s32 $0xFFFFF000  }
0x2c: {  	[tilespmem:s19], [sflag:$0x4] =	stream.indirect.gather [hbm4b:s4+s14], $0x20, s23, s14, $0xb8;
	[tilespmem:$0x12F00] =	vst v63  }
0x2d: {  	_ =	swait.ge [sflag:s20], $0x1000  }
0x2e: {  	[sflag:s20] =	ssyncset.done $0x0  }
0x2f: {  	s24 =	simm.s32 $0x5080;
	[sflag:s20] =	ssyncadd.s32 $0xFFFFF000  }
0x30: {  	[spmem:s2] =	stream.indirect.scatter.add.f32 [tilespmem:s16], [sflag:$0x5], $0x20, s24, s14, $0xb8;
	[tilespmem:$0x12F00] =	vst v63  }
0x31: {  	_ =	swait.ge [sflag:s10], $0x1000  }
0x32: {  	[sflag:s10] =	ssyncset.done $0x0  }
0x33: {  	s1 =	simm.s32 $0x200;
	[sflag:s10] =	ssyncadd.s32 $0xFFFFF000  }
0x34: {  	[tilespmem:s15], [sflag:$0x1] =	stream.indirect.gather [hbm4b:s4+s14], $0x20, s1, s14, $0xb8;
	[tilespmem:$0x12F00] =	vst v63  }
0x35: {  	_ =	swait.ge [sflag:s21], $0x1000  }
0x36: {  	[sflag:s21] =	ssyncset.done $0x0  }
0x37: {  	s11 =	simm.s32 $0x5100;
	[sflag:s21] =	ssyncadd.s32 $0xFFFFF000  }
0x38: {  	[spmem:s2] =	stream.indirect.scatter.add.f32 [tilespmem:s17], [sflag:$0x5], $0x20, s11, s14, $0xb8;
	[tilespmem:$0x12F00] =	vst v63  }
0x39: {  	_ =	swait.ge [sflag:s10], $0x1000  }
0x3a: {  	[sflag:s10] =	ssyncset.done $0x0  }
0x3b: {  	s23 =	simm.s32 $0x280;
	[sflag:s10] =	ssyncadd.s32 $0xFFFFF000  }
0x3c: {  	[tilespmem:s16], [sflag:$0x2] =	stream.indirect.gather [hbm4b:s4+s14], $0x20, s23, s14, $0xb8;
	[tilespmem:$0x12F00] =	vst v63  }
0x3d: {  	_ =	swait.ge [sflag:s22], $0x1000  }
0x3e: {  	[sflag:s22] =	ssyncset.done $0x0  }
0x3f: {  	s24 =	simm.s32 $0x5180;
	[sflag:s22] =	ssyncadd.s32 $0xFFFFF000  }
0x40: {  	[spmem:s2] =	stream.indirect.scatter.add.f32 [tilespmem:s19], [sflag:$0x5], $0x20, s24, s14, $0xb8;
	[tilespmem:$0x12F00] =	vst v63  }
0x41: {  	_ =	swait.ge [sflag:s10], $0x1000  }
0x42: {  	s0 =	simm.s32 $0x1000;
	s1 =	simm.s32 $0x200;
	[sflag:s10] =	ssyncset.done $0x0  }
.LBB2_2:
0x43: {  	s24 =	sadd.s32 $0x100, s1  }
0x44: {  	[sflag:s10] =	ssyncadd.s32 $0xFFFFF000;
	s11 =	smov.u32 s0;
	s23 =	sadd.s32 $0x800, s0  }
0x45: {  	[tilespmem:s17], [sflag:$0x3] =	stream.indirect.gather [hbm4b:s4+s14], $0x20, s24, s14, $0xb8;
	[tilespmem:$0x12F00] =	vst v63  }
0x46: {  	p0 =	sne.s32 s0, $0x13000;
	_ =	swait.ge [sflag:s18], $0x1000  }
0x47: {  	[sflag:s18] =	ssyncset.done $0x0  }
0x48: {  	s0 =	sadd.s32 $0x5000, s1;
	[sflag:s18] =	ssyncadd.s32 $0xFFFFF000  }
0x49: {  	[spmem:s2] =	stream.indirect.scatter.add.f32 [tilespmem:s15], [sflag:$0x5], $0x20, s0, s14, $0xb8;
	[tilespmem:$0x12F00] =	vst v63  }
0x4a: {  	_ =	swait.ge [sflag:s10], $0x1000  }
0x4b: {  	[sflag:s10] =	ssyncset.done $0x0  }
0x4c: {  	s0 =	sadd.s32 $0x180, s1;
	[sflag:s10] =	ssyncadd.s32 $0xFFFFF000  }
0x4d: {  	[tilespmem:s19], [sflag:$0x4] =	stream.indirect.gather [hbm4b:s4+s14], $0x20, s0, s14, $0xb8;
	[tilespmem:$0x12F00] =	vst v63  }
0x4e: {  	_ =	swait.ge [sflag:s20], $0x1000  }
0x4f: {  	[sflag:s20] =	ssyncset.done $0x0  }
0x50: {  	s0 =	sadd.s32 $0x5080, s1;
	[sflag:s20] =	ssyncadd.s32 $0xFFFFF000  }
0x51: {  	[spmem:s2] =	stream.indirect.scatter.add.f32 [tilespmem:s16], [sflag:$0x5], $0x20, s0, s14, $0xb8;
	[tilespmem:$0x12F00] =	vst v63  }
0x52: {  	_ =	swait.ge [sflag:s10], $0x1000  }
0x53: {  	[sflag:s10] =	ssyncset.done $0x0  }
0x54: {  	s0 =	sadd.s32 $0x200, s1;
	[sflag:s10] =	ssyncadd.s32 $0xFFFFF000  }
0x55: {  	[tilespmem:s15], [sflag:$0x1] =	stream.indirect.gather [hbm4b:s4+s14], $0x20, s0, s14, $0xb8;
	[tilespmem:$0x12F00] =	vst v63  }
0x56: {  	_ =	swait.ge [sflag:s21], $0x1000  }
0x57: {  	[sflag:s21] =	ssyncset.done $0x0  }
0x58: {  	s0 =	sadd.s32 $0x5100, s1;
	[sflag:s21] =	ssyncadd.s32 $0xFFFFF000  }
0x59: {  	[spmem:s2] =	stream.indirect.scatter.add.f32 [tilespmem:s17], [sflag:$0x5], $0x20, s0, s14, $0xb8;
	[tilespmem:$0x12F00] =	vst v63  }
0x5a: {  	_ =	swait.ge [sflag:s10], $0x1000  }
0x5b: {  	[sflag:s10] =	ssyncset.done $0x0  }
0x5c: {  	s0 =	sadd.s32 $0x280, s1;
	[sflag:s10] =	ssyncadd.s32 $0xFFFFF000  }
0x5d: {  	[tilespmem:s16], [sflag:$0x2] =	stream.indirect.gather [hbm4b:s4+s14], $0x20, s0, s14, $0xb8;
	[tilespmem:$0x12F00] =	vst v63  }
0x5e: {  	_ =	swait.ge [sflag:s22], $0x1000  }
.Ltmp0:
0x5f: {  	[sflag:s22] =	ssyncset.done $0x0;
	(pc) =	sbr.rel @p0 .LBB2_2-.Ltmp0, $4  }
0x60: {  	s0 =	sadd.s32 $0x5180, s1;
	[sflag:s22] =	ssyncadd.s32 $0xFFFFF000  }
0x61: {  	[spmem:s2] =	stream.indirect.scatter.add.f32 [tilespmem:s19], [sflag:$0x5], $0x20, s0, s14, $0xb8;
	[tilespmem:$0x12F00] =	vst v63  }
0x62: {  	_ =	swait.ge [sflag:s10], $0x1000  }
0x63: {  	s1 =	sshra.s32 s11, $0x2;
	s0 =	smov.u32 s23;
	[sflag:s10] =	ssyncset.done $0x0  }
0x64: {  	s0 =	sadd.s32 $0x100, s1;
	[sflag:s10] =	ssyncadd.s32 $0xFFFFF000  }
0x65: {  	[tilespmem:s17], [sflag:$0x3] =	stream.indirect.gather [hbm4b:s4+s14], $0x20, s0, s14, $0xb8;
	[tilespmem:$0x12F00] =	vst v63  }
0x66: {  	_ =	swait.ge [sflag:s18], $0x1000  }
0x67: {  	[sflag:s18] =	ssyncset.done $0x0  }
0x68: {  	s11 =	sadd.s32 $0x5000, s1;
	[sflag:s18] =	ssyncadd.s32 $0xFFFFF000  }
0x69: {  	[spmem:s2] =	stream.indirect.scatter.add.f32 [tilespmem:s15], [sflag:$0x5], $0x20, s11, s14, $0xb8;
	[tilespmem:$0x12F00] =	vst v63  }
0x6a: {  	_ =	swait.ge [sflag:s10], $0x1000  }
0x6b: {  	[sflag:s10] =	ssyncset.done $0x0  }
0x6c: {  	s23 =	sadd.s32 $0x180, s1;
	[sflag:s10] =	ssyncadd.s32 $0xFFFFF000  }
0x6d: {  	[tilespmem:s19], [sflag:$0x4] =	stream.indirect.gather [hbm4b:s4+s14], $0x20, s23, s14, $0xb8;
	[tilespmem:$0x12F00] =	vst v63  }
0x6e: {  	_ =	swait.ge [sflag:s20], $0x1000  }
0x6f: {  	[sflag:s20] =	ssyncset.done $0x0  }
0x70: {  	s24 =	sadd.s32 $0x5080, s1;
	[sflag:s20] =	ssyncadd.s32 $0xFFFFF000  }
0x71: {  	[spmem:s2] =	stream.indirect.scatter.add.f32 [tilespmem:s16], [sflag:$0x5], $0x20, s24, s14, $0xb8;
	[tilespmem:$0x12F00] =	vst v63  }
0x72: {  	_ =	swait.ge [sflag:s10], $0x1000  }
0x73: {  	[sflag:s10] =	ssyncset.done $0x0  }
0x74: {  	s11 =	sadd.s32 $0x200, s1;
	[sflag:s10] =	ssyncadd.s32 $0xFFFFF000  }
0x75: {  	[tilespmem:s15], [sflag:$0x1] =	stream.indirect.gather [hbm4b:s4+s14], $0x20, s11, s14, $0xb8;
	[tilespmem:$0x12F00] =	vst v63  }
0x76: {  	_ =	swait.ge [sflag:s21], $0x1000  }
0x77: {  	[sflag:s21] =	ssyncset.done $0x0  }
0x78: {  	s23 =	sadd.s32 $0x5100, s1;
	[sflag:s21] =	ssyncadd.s32 $0xFFFFF000  }
0x79: {  	[spmem:s2] =	stream.indirect.scatter.add.f32 [tilespmem:s17], [sflag:$0x5], $0x20, s23, s14, $0xb8;
	[tilespmem:$0x12F00] =	vst v63  }
0x7a: {  	_ =	swait.ge [sflag:s10], $0x1000  }
0x7b: {  	[sflag:s10] =	ssyncset.done $0x0  }
0x7c: {  	s24 =	sadd.s32 $0x280, s1;
	[sflag:s10] =	ssyncadd.s32 $0xFFFFF000  }
0x7d: {  	[tilespmem:s16], [sflag:$0x2] =	stream.indirect.gather [hbm4b:s4+s14], $0x20, s24, s14, $0xb8;
	[tilespmem:$0x12F00] =	vst v63  }
0x7e: {  	_ =	swait.ge [sflag:s22], $0x1000  }
0x7f: {  	[sflag:s22] =	ssyncset.done $0x0  }
0x80: {  	s11 =	sadd.s32 $0x5180, s1;
	[sflag:s22] =	ssyncadd.s32 $0xFFFFF000  }
0x81: {  	[spmem:s2] =	stream.indirect.scatter.add.f32 [tilespmem:s19], [sflag:$0x5], $0x20, s11, s14, $0xb8;
	[tilespmem:$0x12F00] =	vst v63  }
0x82: {  	_ =	swait.ge [sflag:s10], $0x1000  }
0x83: {  	[sflag:s10] =	ssyncset.done $0x0  }
0x84: {  	s23 =	simm.s32 $0x4F00;
	[sflag:s10] =	ssyncadd.s32 $0xFFFFF000  }
0x85: {  	[tilespmem:s17], [sflag:$0x3] =	stream.indirect.gather [hbm4b:s4+s14], $0x20, s23, s14, $0xb8;
	[tilespmem:$0x12F00] =	vst v63  }
0x86: {  	_ =	swait.ge [sflag:s18], $0x1000  }
0x87: {  	[sflag:s18] =	ssyncset.done $0x0  }
0x88: {  	s24 =	simm.s32 $0x9E00;
	[sflag:s18] =	ssyncadd.s32 $0xFFFFF000  }
0x89: {  	[spmem:s2] =	stream.indirect.scatter.add.f32 [tilespmem:s15], [sflag:$0x5], $0x20, s24, s14, $0xb8;
	[tilespmem:$0x12F00] =	vst v63  }
0x8a: {  	_ =	swait.ge [sflag:s10], $0x1000  }
0x8b: {  	[sflag:s10] =	ssyncset.done $0x0  }
0x8c: {  	[sflag:s10] =	ssyncadd.s32 $0xFFFFF000  }
0x8d: {  	[tilespmem:s19], [sflag:$0x4] =	stream.indirect.gather [hbm4b:s4+s14], $0x20, s26, s14, $0xb8;
	[tilespmem:$0x12F00] =	vst v63  }
0x8e: {  	_ =	swait.ge [sflag:s20], $0x1000  }
0x8f: {  	[sflag:s20] =	ssyncset.done $0x0  }
0x90: {  	[sflag:s20] =	ssyncadd.s32 $0xFFFFF000  }
0x91: {  	[spmem:s2] =	stream.indirect.scatter.add.f32 [tilespmem:s16], [sflag:$0x5], $0x20, s28, s14, $0xb8;
	[tilespmem:$0x12F00] =	vst v63  }
0x92: {  	_ =	swait.ge [sflag:s10], $0x1000  }
0x93: {  	[sflag:s10] =	ssyncset.done $0x0  }
0x94: {  	[sflag:s10] =	ssyncadd.s32 $0xFFFFF000  }
0x95: {  	_ =	swait.ge [sflag:s21], $0x1000  }
0x96: {  	[sflag:s21] =	ssyncset.done $0x0  }
0x97: {  	[sflag:s21] =	ssyncadd.s32 $0xFFFFF000  }
0x98: {  	[spmem:s2] =	stream.indirect.scatter.add.f32 [tilespmem:s17], [sflag:$0x5], $0x20, s29, s14, $0xb8;
	[tilespmem:$0x12F00] =	vst v63  }
0x99: {  	_ =	swait.ge [sflag:s10], $0x1000  }
0x9a: {  	[sflag:s10] =	ssyncset.done $0x0  }
0x9b: {  	[sflag:s10] =	ssyncadd.s32 $0xFFFFF000  }
0x9c: {  	_ =	swait.ge [sflag:s22], $0x1000  }
0x9d: {  	[sflag:s22] =	ssyncset.done $0x0  }
0x9e: {  	[sflag:s22] =	ssyncadd.s32 $0xFFFFF000  }
0x9f: {  	[spmem:s2] =	stream.indirect.scatter.add.f32 [tilespmem:s19], [sflag:$0x5], $0x20, s30, s14, $0xb8;
	[tilespmem:$0x12F00] =	vst v63  }
0xa0: {  	_ =	swait.ge [sflag:s10], $0x1000  }
0xa1: {  	s31 =	sadd.s32 $0x1, s31;
	[sflag:s10] =	ssyncset.done $0x0  }
0xa2: {  	p0 =	sne.s32 s31, s9;
	[sflag:s10] =	ssyncadd.s32 $0xFFFFF000  }
.Ltmp1:
0xa3: {  	[bflag:$0x0] =	sbarrier.arrive $0xFFFF;
	(pc) =	sbr.rel @p0 .LBB2_1-.Ltmp1, $4  }
0xa4: {  	[hbm:s8], [sflag:s12] =	dma.local [spmem:s25], $0xA00  }
0xa5: {  	_ =	swait.ge [sflag:s10], $0xA00  }
0xa6: {  	[sflag:s10] =	ssyncset.done $0x0  }
0xa7: {  	[sflag:s10] =	ssyncadd.s32 $0xFFFFF600  }
0xa8: {  	_ =	sfence.sel $0x180000  }
0xa9: {  	[bflag:$0x0] =	sbarrier.arrive $0xFFFF  }
0xaa: {  	_ =	strace $0x9000004A  }
0xab: {  	s0 =	stileid.u32;
	[bflag:$0x2] =	sbarrier.arrive $0xFFFF  }
0xac: {  	p0 =	sne.s32 s0, $0x0;
	s0 =	rddreg [dreg:$0x2]  }
0xad: {  	s0 =	sadd.s32 @!p0 $0x100000, s0  }
0xae: {  	[sflag:s0] =	ssyncadd.tile.s32 @!p0 $0x1;
	_ =	shalt  }
.Lfunc_end2:
_tile_overlayer_lowered:
.L_overlay_start_2:
0xaf: {  	(tag) =	ssettag $0x2  }
0xb0: {  	s0 =	rddreg [dreg:$0x0];
	s2 =	stileid.u32  }
0xb1: {  	s1 =	rddreg [dreg:$0x1];
	p0 =	sne.s32 s2, $0x0  }
0xb2: {  	s3 =	rddreg [dreg:$0x2];
	[bflag:$0x3] =	sbarrier.arrive $0xFFFF;
	s2 =	simm.s32 @!p0 $0x1C05  }
0xb3: {  	[timem:s3], [sflag:s2] =	dma.local @!p0 [hbm:s0], s1  }
0xb4: {  	s0 =	simm.s32 @!p0 $0x5  }
0xb5: {  	_ =	swait.ge @!p0 [sflag:s0], s1  }
0xb6: {  	s1 =	ssub.s32 @!p0 $0x0, s1;
	[sflag:s0] =	ssyncset.done @!p0 $0x0  }
0xb7: {  	[sflag:s0] =	ssyncadd.s32 @!p0 s1  }
0xb8: {  	[bflag:$0x3] =	sbarrier.arrive $0xFFFF  }
0xb9: {  	_ =	shalt  }

// kernel: kernel.16.cloned.1.call-start
scs
__scs_entry_jumppad:
0x0: {  	(pc) =	sbr.rel $0x88, $3  }
0x1: {  	(tag) =	ssettag $0x0;
	lr =	simm.s32 $0x1  }
0x2: {  	[smem:$0x3F73] =	sst lr;
	_ =	strace $0xD0000000  }
0x3: {  	_ = 	snop  }
0x4: {  	_ = 	snop  }
0x5: {  	_ = 	snop  }
0x6: {  	_ = 	snop  }
0x7: {  	_ = 	snop  }
__scs_overlays_trampoline_lowered:
0x8: {  	[smem:$0x3F82] =	sst s0  }
0x9: {  	[smem:$0x3F83] =	sst s1  }
0xa: {  	[smem:$0x3F84] =	sst s2  }
0xb: {  	[smem:$0x3F85] =	sst s3  }
0xc: {  	[smem:$0x3F86] =	sst s4  }
0xd: {  	[smem:$0x3F87] =	sst s5  }
0xe: {  	[smem:$0x3F88] =	sst s6  }
0xf: {  	[smem:$0x3F89] =	sst s7  }
0x10: {  	[smem:$0x3F8A] =	sst s8  }
0x11: {  	[smem:$0x3F8B] =	sst s9;
	s0 =	simm.s32 @!p0 $0x0  }
0x12: {  	s1 =	sld [smem:$0x3F71];
	s0 =	simm.s32 @p0 $0x1  }
0x13: {  	[smem:$0x3F8C] =	sst s0;
	s0 =	simm.s32 @!p1 $0x0  }
0x14: {  	s2 =	sld [smem:$0x3F70];
	s0 =	simm.s32 @p1 $0x1  }
0x15: {  	[smem:$0x3F8D] =	sst s0;
	s0 =	simm.s32 @!p2 $0x0  }
0x16: {  	s3 =	sld [smem:$0x3FDB];
	s0 =	simm.s32 @p2 $0x1  }
0x17: {  	s4 =	simm.s32 $0x1BF5;
	[smem:$0x3F8F] =	sst s0  }
0x18: {  	s0 =	sld [smem:$0x3F72];
	_ =	swait.ge [sflag:s4], $0x0  }
0x19: {  	s7 =	sld [smem:$0x3F73]  }
0x1a: {  	s8 =	sadd.s32 $0xFFFFE003, lr  }
0x1b: {  	s9 =	sadd.s32 $0xFFFFFEF7, lr;
	s5 =	simm.s32 $0xFFFFFFFF;
	p2 =	slt.u32 s8, $0xFFFFF086  }
0x1c: {  	p1 =	slt.u32 s9, $0xF7A;
	s5 =	simm.s32 @!p2 $0x0  }
0x1d: {  	s5 =	simm.s32 @p1 $0x1;
	p0 =	seq.s32 s7, s2  }
0x1e: {  	s7 =	smul.u32 @!p0 $0xF7A, s2;
	p2 =	seq.s32 @!p0 s5, $0x0  }
0x1f: {  	s9 =	smul.u32 $0xF7A, s1;
	s8 =	simm.s32 @!p0 $0x1BF5;
	p2 =	por !p2, p0  }
0x20: {  	[sflag:s8] =	ssyncset.s32 @!p0 $0xFFFFF086;
	s6 =	sadd.s32 @!p0 s3, s7;
	s7 =	simm.s32 @!p0 $0x108  }
0x21: {  	s3 =	sadd.s32 s3, s9;
	s6 =	sadd.s32 @!p0 $0x88, s6;
	s7 =	simm.s32 @p2 $0x1082  }
0x22: {  	[simem:s7], [sflag:s8] =	dma.local @!p0 [hbm:s6], $0xF7A  }
0x23: {  	s9 =	sor.u32 $0xD0000000, s2;
	s6 =	simm.s32 $0x108;
	_ =	swait.ge @!p0 [sflag:s8], $0x0  }
0x24: {  	s3 =	sadd.s32 $0x88, s3;
	s6 =	simm.s32 @!p1 $0x1082;
	[sflag:s4] =	ssyncset.s32 $0xFFFFF086  }
0x25: {  	[simem:s6], [sflag:s4] =	dma.local [hbm:s3], $0xF7A  }
0x26: {  	[smem:$0x3F73] =	sst s1;
	(tag) =	ssettag s2;
	_ =	strace s9  }
0x27: {  	s1 =	sld [smem:$0x3F83]  }
0x28: {  	s2 =	sld [smem:$0x3F84]  }
0x29: {  	s4 =	sld [smem:$0x3F86]  }
0x2a: {  	p0 =	seq.s32 s5, $0x0;
	s5 =	sld [smem:$0x3F87]  }
0x2b: {  	s6 =	sld [smem:$0x3F88]  }
0x2c: {  	s7 =	sld [smem:$0x3F89]  }
0x2d: {  	s3 =	simm.s32 $0x108;
	s8 =	sld [smem:$0x3F8A]  }
0x2e: {  	s3 =	simm.s32 @!p0 $0x1082;
	s9 =	sld [smem:$0x3F8B]  }
0x2f: {  	lr =	sadd.s32 s0, s3;
	s0 =	sld [smem:$0x3F82]  }
0x30: {  	s3 =	sld [smem:$0x3F85]  }
0x31: {  	[smem:$0x3F8E] =	sst s10  }
0x32: {  	s10 =	sld [smem:$0x3F8C];
	_ =	sdelay $0x3  }
0x33: {  	p0 =	seq.s32 s10, $0x1;
	s10 =	sld [smem:$0x3F8E];
	_ =	sdelay $0x3  }
0x34: {  	[smem:$0x3F8E] =	sst s10  }
0x35: {  	s10 =	sld [smem:$0x3F8D];
	_ =	sdelay $0x3  }
0x36: {  	p1 =	seq.s32 s10, $0x1;
	s10 =	sld [smem:$0x3F8E];
	_ =	sdelay $0x3  }
0x37: {  	[smem:$0x3F8E] =	sst s10  }
0x38: {  	s10 =	sld [smem:$0x3F8F]  }
0x39: {  	_ = 	snop;
	(pc) =	sbr.ind lr, $3  }
0x3a: {  	_ = 	snop  }
0x3b: {  	_ = 	snop  }
0x3c: {  	p2 =	seq.s32 s10, $0x1;
	s10 =	sld [smem:$0x3F8E]  }
0x3d: {  	_ =	shalt  }
0x3e: {  	_ =	shalt  }
0x3f: {  	_ =	shalt  }
0x40: {  	_ =	shalt  }
0x41: {  	_ =	shalt  }
0x42: {  	_ =	shalt  }
0x43: {  	_ =	shalt  }
0x44: {  	_ =	shalt  }
0x45: {  	_ =	shalt  }
0x46: {  	_ =	shalt  }
0x47: {  	_ =	shalt  }
0x48: {  	_ =	shalt  }
0x49: {  	_ =	shalt  }
0x4a: {  	_ =	shalt  }
0x4b: {  	_ =	shalt  }
0x4c: {  	_ =	shalt  }
0x4d: {  	_ =	shalt  }
0x4e: {  	_ =	shalt  }
0x4f: {  	_ =	shalt  }
0x50: {  	_ =	shalt  }
0x51: {  	_ =	shalt  }
0x52: {  	_ =	shalt  }
0x53: {  	_ =	shalt  }
0x54: {  	_ =	shalt  }
0x55: {  	_ =	shalt  }
0x56: {  	_ =	shalt  }
0x57: {  	_ =	shalt  }
0x58: {  	_ =	shalt  }
0x59: {  	_ =	shalt  }
0x5a: {  	_ =	shalt  }
0x5b: {  	_ =	shalt  }
0x5c: {  	_ =	shalt  }
0x5d: {  	_ =	shalt  }
0x5e: {  	_ =	shalt  }
0x5f: {  	_ =	shalt  }
0x60: {  	_ =	shalt  }
0x61: {  	_ =	shalt  }
0x62: {  	_ =	shalt  }
0x63: {  	_ =	shalt  }
0x64: {  	_ =	shalt  }
0x65: {  	_ =	shalt  }
0x66: {  	_ =	shalt  }
0x67: {  	_ =	shalt  }
0x68: {  	_ =	shalt  }
0x69: {  	_ =	shalt  }
0x6a: {  	_ =	shalt  }
0x6b: {  	_ =	shalt  }
0x6c: {  	_ =	shalt  }
0x6d: {  	_ =	shalt  }
0x6e: {  	_ =	shalt  }
0x6f: {  	_ =	shalt  }
0x70: {  	_ =	shalt  }
0x71: {  	_ =	shalt  }
0x72: {  	_ =	shalt  }
0x73: {  	_ =	shalt  }
0x74: {  	_ =	shalt  }
0x75: {  	_ =	shalt  }
0x76: {  	_ =	shalt  }
0x77: {  	_ =	shalt  }
0x78: {  	_ =	shalt  }
0x79: {  	_ =	shalt  }
0x7a: {  	_ =	shalt  }
0x7b: {  	_ =	shalt  }
0x7c: {  	_ =	shalt  }
0x7d: {  	_ =	shalt  }
0x7e: {  	_ =	shalt  }
0x7f: {  	_ =	shalt  }
0x80: {  	_ =	shalt  }
0x81: {  	_ =	shalt  }
0x82: {  	_ =	shalt  }
0x83: {  	_ =	shalt  }
0x84: {  	_ =	shalt  }
0x85: {  	_ =	shalt  }
0x86: {  	_ =	shalt  }
0x87: {  	_ =	shalt  }
.Lfunc_end0:
.L_simem_size_0:
called_computation.2_lowered:
.L_overlay_start_0:
0x88: {  	s2 =	sld [smem:$0x3FD9]  }
0x89: {  	s3 =	sld [smem:$0x3FFE];
	_ =	sdelay $0x1  }
0x8a: {  	s1 =	srdreg.scid  }
0x8b: {  	s0 =	sand.u32 $0x1, s1  }
0x8c: {  	s16 =	sshll.u32 s0, $0xA;
	s2 =	sadd.s32 s3, s2  }
0x8d: {  	s2 =	sadd.s32 s2, s16  }
0x8e: {  	[smem:$0x3F9A] =	sst s2  }
0x8f: {  	_ = 	snop  }
0x90: {  	(tm) =	ssettm $0x1  }
0x91: {  	s17 =	sld [smem:$0x3FFB];
	_ =	sdelay $0x3  }
0x92: {  	_ =	strace s17  }
0x93: {  	s2 =	sld [smem:$0x3FFC];
	_ =	sdelay $0x3  }
0x94: {  	_ =	strace s2  }
0x95: {  	s2 =	sld [smem:$0x3FFD];
	_ =	sdelay $0x3  }
0x96: {  	_ =	strace s2  }
0x97: {  	_ =	strace $0x8FFFFFFF  }
0x98: {  	s18 =	sld [smem:$0x3FDB];
	_ =	sdelay $0x1  }
0x99: {  	s19 =	simm.s32 $_scs_section_size  }
0x9a: {  	s4 =	simm.s32 $_size__tile_overlayer_lowered;
	s5 =	simm.s32 $_tile_overlayer_lowered  }
0x9b: {  	s22 =	simm.s32 $0x1BFF;
	s21 =	sshll.u32 s5, $0x1;
	s2 =	sadd.s32 s19, s18  }
0x9c: {  	s6 =	simm.s32 $0x0;
	s20 =	sshll.u32 s4, $0x1;
	s4 =	sadd.s32 s21, s2  }
0x9d: {  	[timem:s6], [sflag:s22] =	dma.local [hbm:s4], s20  }
0x9e: {  	_ =	swait.ge [sflag:s22], s20  }
0x9f: {  	s3 =	ssub.s32 $0x0, s20;
	[sflag:s22] =	ssyncset.done $0x0  }
0xa0: {  	[sflag:s22] =	ssyncadd.s32 s3;
	_ =	sdelay $0x1  }
0xa1: {  	s23 =	simm.s32 $0x1B8B  }
0xa2: {  	_ =	swait.ge [sflag:s23], $0x1  }
0xa3: {  	[sflag:s23] =	ssyncset.done $0x0  }
0xa4: {  	s25 =	simm.s32 $0x1B8E;
	s24 =	sld [smem:$0x3FFE];
	[sflag:s23] =	ssyncadd.s32 $0xFFFFFFFF  }
0xa5: {  	s26 =	simm.s32 $execute0_lowered;
	[smem:$0x3FD2] =	sst s25  }
0xa6: {  	s4 =	sshll.u32 s26, $0x1;
	_ =	strace $0x8000004C;
	[dreg:$0x1] =	wrdreg $0xFFFFFFFF  }
0xa7: {  	s28 =	simm.s32 $_size_execute0_lowered;
	s2 =	sadd.s32 s2, s4;
	[dreg:$0x0] =	wrdreg $0x0  }
0xa8: {  	s4 =	sshll.u32 s28, $0x1;
	[dreg:$0x2] =	wrdreg s2  }
0xa9: {  	[dreg:$0x3] =	wrdreg s4  }
0xaa: {  	[dreg:$0x4] =	wrdreg $0xC0  }
0xab: {  	_ =	task [dreg:s6], $0x5FFFF  }
0xac: {  	[dreg:$0x1] =	wrdreg $0xFFFFFFFF  }
0xad: {  	[dreg:$0x0] =	wrdreg $0x60  }
0xae: {  	[dreg:$0x2] =	wrdreg s24  }
0xaf: {  	[dreg:$0x3] =	wrdreg $0xE0000  }
0xb0: {  	[dreg:$0x4] =	wrdreg $0x9  }
0xb1: {  	_ =	task.clear_ibuf [dreg:s6], $0x5FFFF;
	_ =	strace $0x9000004C  }
0xb2: {  	s29 =	simm.s32 $0x9;
	_ =	strace $0x8000004E  }
0xb3: {  	_ =	swait.ge [sflag:s29], $0x1  }
0xb4: {  	[sflag:s29] =	ssyncadd.s32 $0xFFFFFFFF  }
0xb5: {  	_ =	strace $0x9000004E  }
0xb6: {  	_ =	sfence  }
0xb7: {  	s30 =	sld [smem:$0x0];
	_ =	sdelay $0x2  }
0xb8: {  	s31 =	sshll.u32 s1, $0xD;
	s1 =	sshrl.u32 s1, $0x2  }
0xb9: {  	s3 =	sand.u32 $0x4000, s31;
	s1 =	sadd.s32 s1, s30  }
0xba: {  	s0 =	sor.u32 s3, s0;
	s1 =	sshll.u32 s1, $0x11  }
0xbb: {  	s0 =	sor.u32 s1, s0  }
0xbc: {  	s0 =	sadd.s32 $0x8F2B, s0  }
0xbd: {  	[sflag:s0] =	ssyncadd.remote.s32 $0x1  }
0xbe: {  	_ =	sfence.sel $0xFFFF  }
0xbf: {  	[dreg:$0x0] =	wrdreg $0xFFFFFFFF;
	(pc) =	sbr.abs _section_cstart, $3  }
0xc0: {  	[dreg:$0x1] =	wrdreg $0xFFFFFFFF  }
0xc1: {  	_ =	task.clear_ibuf [dreg:s6], $0x2FFFF;
	_ =	strace $0x9FFFFFFF  }
0xc2: {  	(tm) =	ssettm $0x7FFFFFFF  }
0xc3: {  	_ =	shalt  }
tec
execute0_lowered:
.L_overlay_start_1:
0x0: {  	(tag) =	ssettag $0x1  }
0x1: {  	s0 =	srdreg.scid  }
0x2: {  	s12 =	stileid.u32;
	s5 =	rddreg [dreg:$0x0]  }
0x3: {  	s2 =	rddreg [dreg:$0x1];
	s3 =	simm.s32 $0x0;
	s14 =	simm.s32 $0x80  }
0x4: {  	s15 =	simm.s32 $0xA000;
	s16 =	simm.s32 $0xB000;
	s17 =	simm.s32 $0xC000  }
0x5: {  	s18 =	simm.s32 $0x1;
	s19 =	simm.s32 $0xD000;
	s20 =	simm.s32 $0x2  }
0x6: {  	s21 =	simm.s32 $0x3;
	s22 =	simm.s32 $0x4;
	s28 =	simm.s32 $0x9E80  }
0x7: {  	s29 =	simm.s32 $0x9F00;
	s30 =	simm.s32 $0x9F80;
	s7 =	smul.u32 $0x4F00, s12  }
0x8: {  	s31 =	simm.s32 $0x0;
	s0 =	sand.u32 $0x1, s0;
	s8 =	smul.u32 $0x9C0, s12  }
0x9: {  	[smem:$0x7FF] =	sst s3;
	s4 =	sadd.s32 $0x129A00, s5;
	s11 =	smul.u32 $0x13800, s12  }
0xa: {  	s26 =	sshll.u32 s12, $0x6;
	s1 =	sshll.u32 s0, $0x4;
	s6 =	smul.u32 $0x9C40, s0  }
0xb: {  	_ =	strace $0x8000004D;
	s0 =	ssub.s32 $0x2, s0;
	s1 =	sor.u32 s12, s1  }
0xc: {  	s9 =	sshrl.u32 s7, $0x3;
	s23 =	sshrl.u32 s0, $0x1;
	s24 =	sadd.s32 s7, s2  }
0xd: {  	s25 =	sshrl.u32 s11, $0x2;
	s12 =	sor.u32 $0x1C05, s26;
	s26 =	simm.s32 $0x4F80  }
0xe: {  	s1 =	smul.u32 $0xA00, s1;
	s9 =	sadd.s32 s9, s5;
	s6 =	sadd.s32 s8, s6  }
0xf: {  	s0 =	ssub.s32 s0, s23;
	s11 =	sadd.s32 s25, s2;
	s13 =	sshrl.u32 s24, $0x3  }
0x10: {  	s10 =	sadd.s32 s6, s5;
	s7 =	sadd.s32 $0x30000, s9;
	s9 =	smax.u32 s0, $0x1  }
0x11: {  	s25 =	sshrl.u32 s11, $0x3;
	s1 =	sadd.s32 s1, s5;
	s8 =	sadd.s32 $0x88000, s10  }
0x12: {  	s10 =	simm.s32 $0x5;
	s5 =	sadd.s32 $0x1C000, s1;
	s6 =	sadd.s32 $0x8000, s1  }
.LBB2_1:
0x13: {  	[tilespmem:s3], [sflag:$0x5] =	stream.linear.gather [hbm4b:s5+s3], $0x5000, $0x38;
	[tilespmem:$0x12F00] =	vst v63  }
0x14: {  	_ =	swait.ge [sflag:s10], $0x5000  }
0x15: {  	[sflag:s10] =	ssyncset.done $0x0  }
0x16: {  	s0 =	simm.s32 $0x5000;
	[sflag:s10] =	ssyncadd.s32 $0xFFFFB000  }
0x17: {  	[tilespmem:s0], [sflag:$0x5] =	stream.linear.gather [hbm4b:s6+s3], $0x5000, $0x38;
	[tilespmem:$0x12F00] =	vst v63  }
0x18: {  	_ =	swait.ge [sflag:s10], $0x5000  }
0x19: {  	[sflag:s10] =	ssyncset.done $0x0  }
0x1a: {  	[sflag:s10] =	ssyncadd.s32 $0xFFFFB000  }
0x1b: {  	[spmem:s13], [sflag:s12] =	dma.local [hbm:s7], $0x9E0  }
0x1c: {  	_ =	swait.ge [sflag:s10], $0x9E0  }
0x1d: {  	[sflag:s10] =	ssyncset.done $0x0  }
0x1e: {  	[sflag:s10] =	ssyncadd.s32 $0xFFFFF620  }
0x1f: {  	[bflag:$0x0] =	sbarrier.arrive $0xFFFF  }
0x20: {  	[tilespmem:s15], [sflag:$0x1] =	stream.indirect.gather [hbm4b:s4+s14], $0x20, s3, s14, $0xb8;
	[tilespmem:$0x12F00] =	vst v63  }
0x21: {  	_ = 	snop  }
0x22: {  	[tilespmem:s16], [sflag:$0x2] =	stream.indirect.gather [hbm4b:s4+s14], $0x20, s14, s14, $0xb8;
	[tilespmem:$0x12F00] =	vst v63  }
0x23: {  	s1 =	simm.s32 $0x100  }
0x24: {  	[tilespmem:s17], [sflag:$0x3] =	stream.indirect.gather [hbm4b:s4+s14], $0x20, s1, s14, $0xb8;
	[tilespmem:$0x12F00] =	vst v63  }
0x25: {  	_ =	swait.ge [sflag:s18], $0x1000  }
0x26: {  	[sflag:s18] =	ssyncset.done $0x0  }
0x27: {  	s11 =	simm.s32 $0x5000;
	[sflag:s18] =	ssyncadd.s32 $0xFFFFF000  }
0x28: {  	[spmem:s2] =	stream.indirect.scatter.add.f32 [tilespmem:s15], [sflag:$0x5], $0x20, s11, s14, $0xb8;
	[tilespmem:$0x12F00] =	vst v63  }
0x29: {  	_ =	swait.ge [sflag:s10], $0x1000  }
0x2a: {  	[sflag:s10] =	ssyncset.done $0x0  }
0x2b: {  	s23 =	simm.s32 $0x180;
	[sflag:s10] =	ssyncadd.s32 $0xFFFFF000  }
0x2c: {  	[tilespmem:s19], [sflag:$0x4] =	stream.indirect.gather [hbm4b:s4+s14], $0x20, s23, s14, $0xb8;
	[tilespmem:$0x12F00] =	vst v63  }
0x2d: {  	_ =	swait.ge [sflag:s20], $0x1000  }
0x2e: {  	[sflag:s20] =	ssyncset.done $0x0  }
0x2f: {  	s24 =	simm.s32 $0x5080;
	[sflag:s20] =	ssyncadd.s32 $0xFFFFF000  }
0x30: {  	[spmem:s2] =	stream.indirect.scatter.add.f32 [tilespmem:s16], [sflag:$0x5], $0x20, s24, s14, $0xb8;
	[tilespmem:$0x12F00] =	vst v63  }
0x31: {  	_ =	swait.ge [sflag:s10], $0x1000  }
0x32: {  	[sflag:s10] =	ssyncset.done $0x0  }
0x33: {  	s1 =	simm.s32 $0x200;
	[sflag:s10] =	ssyncadd.s32 $0xFFFFF000  }
0x34: {  	[tilespmem:s15], [sflag:$0x1] =	stream.indirect.gather [hbm4b:s4+s14], $0x20, s1, s14, $0xb8;
	[tilespmem:$0x12F00] =	vst v63  }
0x35: {  	_ =	swait.ge [sflag:s21], $0x1000  }
0x36: {  	[sflag:s21] =	ssyncset.done $0x0  }
0x37: {  	s11 =	simm.s32 $0x5100;
	[sflag:s21] =	ssyncadd.s32 $0xFFFFF000  }
0x38: {  	[spmem:s2] =	stream.indirect.scatter.add.f32 [tilespmem:s17], [sflag:$0x5], $0x20, s11, s14, $0xb8;
	[tilespmem:$0x12F00] =	vst v63  }
0x39: {  	_ =	swait.ge [sflag:s10], $0x1000  }
0x3a: {  	[sflag:s10] =	ssyncset.done $0x0  }
0x3b: {  	s23 =	simm.s32 $0x280;
	[sflag:s10] =	ssyncadd.s32 $0xFFFFF000  }
0x3c: {  	[tilespmem:s16], [sflag:$0x2] =	stream.indirect.gather [hbm4b:s4+s14], $0x20, s23, s14, $0xb8;
	[tilespmem:$0x12F00] =	vst v63  }
0x3d: {  	_ =	swait.ge [sflag:s22], $0x1000  }
0x3e: {  	[sflag:s22] =	ssyncset.done $0x0  }
0x3f: {  	s24 =	simm.s32 $0x5180;
	[sflag:s22] =	ssyncadd.s32 $0xFFFFF000  }
0x40: {  	[spmem:s2] =	stream.indirect.scatter.add.f32 [tilespmem:s19], [sflag:$0x5], $0x20, s24, s14, $0xb8;
	[tilespmem:$0x12F00] =	vst v63  }
0x41: {  	_ =	swait.ge [sflag:s10], $0x1000  }
0x42: {  	s0 =	simm.s32 $0x1000;
	s1 =	simm.s32 $0x200;
	[sflag:s10] =	ssyncset.done $0x0  }
.LBB2_2:
0x43: {  	s24 =	sadd.s32 $0x100, s1  }
0x44: {  	[sflag:s10] =	ssyncadd.s32 $0xFFFFF000;
	s11 =	smov.u32 s0;
	s23 =	sadd.s32 $0x800, s0  }
0x45: {  	[tilespmem:s17], [sflag:$0x3] =	stream.indirect.gather [hbm4b:s4+s14], $0x20, s24, s14, $0xb8;
	[tilespmem:$0x12F00] =	vst v63  }
0x46: {  	p0 =	sne.s32 s0, $0x13000;
	_ =	swait.ge [sflag:s18], $0x1000  }
0x47: {  	[sflag:s18] =	ssyncset.done $0x0  }
0x48: {  	s0 =	sadd.s32 $0x5000, s1;
	[sflag:s18] =	ssyncadd.s32 $0xFFFFF000  }
0x49: {  	[spmem:s2] =	stream.indirect.scatter.add.f32 [tilespmem:s15], [sflag:$0x5], $0x20, s0, s14, $0xb8;
	[tilespmem:$0x12F00] =	vst v63  }
0x4a: {  	_ =	swait.ge [sflag:s10], $0x1000  }
0x4b: {  	[sflag:s10] =	ssyncset.done $0x0  }
0x4c: {  	s0 =	sadd.s32 $0x180, s1;
	[sflag:s10] =	ssyncadd.s32 $0xFFFFF000  }
0x4d: {  	[tilespmem:s19], [sflag:$0x4] =	stream.indirect.gather [hbm4b:s4+s14], $0x20, s0, s14, $0xb8;
	[tilespmem:$0x12F00] =	vst v63  }
0x4e: {  	_ =	swait.ge [sflag:s20], $0x1000  }
0x4f: {  	[sflag:s20] =	ssyncset.done $0x0  }
0x50: {  	s0 =	sadd.s32 $0x5080, s1;
	[sflag:s20] =	ssyncadd.s32 $0xFFFFF000  }
0x51: {  	[spmem:s2] =	stream.indirect.scatter.add.f32 [tilespmem:s16], [sflag:$0x5], $0x20, s0, s14, $0xb8;
	[tilespmem:$0x12F00] =	vst v63  }
0x52: {  	_ =	swait.ge [sflag:s10], $0x1000  }
0x53: {  	[sflag:s10] =	ssyncset.done $0x0  }
0x54: {  	s0 =	sadd.s32 $0x200, s1;
	[sflag:s10] =	ssyncadd.s32 $0xFFFFF000  }
0x55: {  	[tilespmem:s15], [sflag:$0x1] =	stream.indirect.gather [hbm4b:s4+s14], $0x20, s0, s14, $0xb8;
	[tilespmem:$0x12F00] =	vst v63  }
0x56: {  	_ =	swait.ge [sflag:s21], $0x1000  }
0x57: {  	[sflag:s21] =	ssyncset.done $0x0  }
0x58: {  	s0 =	sadd.s32 $0x5100, s1;
	[sflag:s21] =	ssyncadd.s32 $0xFFFFF000  }
0x59: {  	[spmem:s2] =	stream.indirect.scatter.add.f32 [tilespmem:s17], [sflag:$0x5], $0x20, s0, s14, $0xb8;
	[tilespmem:$0x12F00] =	vst v63  }
0x5a: {  	_ =	swait.ge [sflag:s10], $0x1000  }
0x5b: {  	[sflag:s10] =	ssyncset.done $0x0  }
0x5c: {  	s0 =	sadd.s32 $0x280, s1;
	[sflag:s10] =	ssyncadd.s32 $0xFFFFF000  }
0x5d: {  	[tilespmem:s16], [sflag:$0x2] =	stream.indirect.gather [hbm4b:s4+s14], $0x20, s0, s14, $0xb8;
	[tilespmem:$0x12F00] =	vst v63  }
0x5e: {  	_ =	swait.ge [sflag:s22], $0x1000  }
.Ltmp0:
0x5f: {  	[sflag:s22] =	ssyncset.done $0x0;
	(pc) =	sbr.rel @p0 .LBB2_2-.Ltmp0, $4  }
0x60: {  	s0 =	sadd.s32 $0x5180, s1;
	[sflag:s22] =	ssyncadd.s32 $0xFFFFF000  }
0x61: {  	[spmem:s2] =	stream.indirect.scatter.add.f32 [tilespmem:s19], [sflag:$0x5], $0x20, s0, s14, $0xb8;
	[tilespmem:$0x12F00] =	vst v63  }
0x62: {  	_ =	swait.ge [sflag:s10], $0x1000  }
0x63: {  	s1 =	sshra.s32 s11, $0x2;
	s0 =	smov.u32 s23;
	[sflag:s10] =	ssyncset.done $0x0  }
0x64: {  	s0 =	sadd.s32 $0x100, s1;
	[sflag:s10] =	ssyncadd.s32 $0xFFFFF000  }
0x65: {  	[tilespmem:s17], [sflag:$0x3] =	stream.indirect.gather [hbm4b:s4+s14], $0x20, s0, s14, $0xb8;
	[tilespmem:$0x12F00] =	vst v63  }
0x66: {  	_ =	swait.ge [sflag:s18], $0x1000  }
0x67: {  	[sflag:s18] =	ssyncset.done $0x0  }
0x68: {  	s11 =	sadd.s32 $0x5000, s1;
	[sflag:s18] =	ssyncadd.s32 $0xFFFFF000  }
0x69: {  	[spmem:s2] =	stream.indirect.scatter.add.f32 [tilespmem:s15], [sflag:$0x5], $0x20, s11, s14, $0xb8;
	[tilespmem:$0x12F00] =	vst v63  }
0x6a: {  	_ =	swait.ge [sflag:s10], $0x1000  }
0x6b: {  	[sflag:s10] =	ssyncset.done $0x0  }
0x6c: {  	s23 =	sadd.s32 $0x180, s1;
	[sflag:s10] =	ssyncadd.s32 $0xFFFFF000  }
0x6d: {  	[tilespmem:s19], [sflag:$0x4] =	stream.indirect.gather [hbm4b:s4+s14], $0x20, s23, s14, $0xb8;
	[tilespmem:$0x12F00] =	vst v63  }
0x6e: {  	_ =	swait.ge [sflag:s20], $0x1000  }
0x6f: {  	[sflag:s20] =	ssyncset.done $0x0  }
0x70: {  	s24 =	sadd.s32 $0x5080, s1;
	[sflag:s20] =	ssyncadd.s32 $0xFFFFF000  }
0x71: {  	[spmem:s2] =	stream.indirect.scatter.add.f32 [tilespmem:s16], [sflag:$0x5], $0x20, s24, s14, $0xb8;
	[tilespmem:$0x12F00] =	vst v63  }
0x72: {  	_ =	swait.ge [sflag:s10], $0x1000  }
0x73: {  	[sflag:s10] =	ssyncset.done $0x0  }
0x74: {  	s11 =	sadd.s32 $0x200, s1;
	[sflag:s10] =	ssyncadd.s32 $0xFFFFF000  }
0x75: {  	[tilespmem:s15], [sflag:$0x1] =	stream.indirect.gather [hbm4b:s4+s14], $0x20, s11, s14, $0xb8;
	[tilespmem:$0x12F00] =	vst v63  }
0x76: {  	_ =	swait.ge [sflag:s21], $0x1000  }
0x77: {  	[sflag:s21] =	ssyncset.done $0x0  }
0x78: {  	s23 =	sadd.s32 $0x5100, s1;
	[sflag:s21] =	ssyncadd.s32 $0xFFFFF000  }
0x79: {  	[spmem:s2] =	stream.indirect.scatter.add.f32 [tilespmem:s17], [sflag:$0x5], $0x20, s23, s14, $0xb8;
	[tilespmem:$0x12F00] =	vst v63  }
0x7a: {  	_ =	swait.ge [sflag:s10], $0x1000  }
0x7b: {  	[sflag:s10] =	ssyncset.done $0x0  }
0x7c: {  	s24 =	sadd.s32 $0x280, s1;
	[sflag:s10] =	ssyncadd.s32 $0xFFFFF000  }
0x7d: {  	[tilespmem:s16], [sflag:$0x2] =	stream.indirect.gather [hbm4b:s4+s14], $0x20, s24, s14, $0xb8;
	[tilespmem:$0x12F00] =	vst v63  }
0x7e: {  	_ =	swait.ge [sflag:s22], $0x1000  }
0x7f: {  	[sflag:s22] =	ssyncset.done $0x0  }
0x80: {  	s11 =	sadd.s32 $0x5180, s1;
	[sflag:s22] =	ssyncadd.s32 $0xFFFFF000  }
0x81: {  	[spmem:s2] =	stream.indirect.scatter.add.f32 [tilespmem:s19], [sflag:$0x5], $0x20, s11, s14, $0xb8;
	[tilespmem:$0x12F00] =	vst v63  }
0x82: {  	_ =	swait.ge [sflag:s10], $0x1000  }
0x83: {  	[sflag:s10] =	ssyncset.done $0x0  }
0x84: {  	s23 =	simm.s32 $0x4F00;
	[sflag:s10] =	ssyncadd.s32 $0xFFFFF000  }
0x85: {  	[tilespmem:s17], [sflag:$0x3] =	stream.indirect.gather [hbm4b:s4+s14], $0x20, s23, s14, $0xb8;
	[tilespmem:$0x12F00] =	vst v63  }
0x86: {  	_ =	swait.ge [sflag:s18], $0x1000  }
0x87: {  	[sflag:s18] =	ssyncset.done $0x0  }
0x88: {  	s24 =	simm.s32 $0x9E00;
	[sflag:s18] =	ssyncadd.s32 $0xFFFFF000  }
0x89: {  	[spmem:s2] =	stream.indirect.scatter.add.f32 [tilespmem:s15], [sflag:$0x5], $0x20, s24, s14, $0xb8;
	[tilespmem:$0x12F00] =	vst v63  }
0x8a: {  	_ =	swait.ge [sflag:s10], $0x1000  }
0x8b: {  	[sflag:s10] =	ssyncset.done $0x0  }
0x8c: {  	[sflag:s10] =	ssyncadd.s32 $0xFFFFF000  }
0x8d: {  	[tilespmem:s19], [sflag:$0x4] =	stream.indirect.gather [hbm4b:s4+s14], $0x20, s26, s14, $0xb8;
	[tilespmem:$0x12F00] =	vst v63  }
0x8e: {  	_ =	swait.ge [sflag:s20], $0x1000  }
0x8f: {  	[sflag:s20] =	ssyncset.done $0x0  }
0x90: {  	[sflag:s20] =	ssyncadd.s32 $0xFFFFF000  }
0x91: {  	[spmem:s2] =	stream.indirect.scatter.add.f32 [tilespmem:s16], [sflag:$0x5], $0x20, s28, s14, $0xb8;
	[tilespmem:$0x12F00] =	vst v63  }
0x92: {  	_ =	swait.ge [sflag:s10], $0x1000  }
0x93: {  	[sflag:s10] =	ssyncset.done $0x0  }
0x94: {  	[sflag:s10] =	ssyncadd.s32 $0xFFFFF000  }
0x95: {  	_ =	swait.ge [sflag:s21], $0x1000  }
0x96: {  	[sflag:s21] =	ssyncset.done $0x0  }
0x97: {  	[sflag:s21] =	ssyncadd.s32 $0xFFFFF000  }
0x98: {  	[spmem:s2] =	stream.indirect.scatter.add.f32 [tilespmem:s17], [sflag:$0x5], $0x20, s29, s14, $0xb8;
	[tilespmem:$0x12F00] =	vst v63  }
0x99: {  	_ =	swait.ge [sflag:s10], $0x1000  }
0x9a: {  	[sflag:s10] =	ssyncset.done $0x0  }
0x9b: {  	[sflag:s10] =	ssyncadd.s32 $0xFFFFF000  }
0x9c: {  	_ =	swait.ge [sflag:s22], $0x1000  }
0x9d: {  	[sflag:s22] =	ssyncset.done $0x0  }
0x9e: {  	[sflag:s22] =	ssyncadd.s32 $0xFFFFF000  }
0x9f: {  	[spmem:s2] =	stream.indirect.scatter.add.f32 [tilespmem:s19], [sflag:$0x5], $0x20, s30, s14, $0xb8;
	[tilespmem:$0x12F00] =	vst v63  }
0xa0: {  	_ =	swait.ge [sflag:s10], $0x1000  }
0xa1: {  	s31 =	sadd.s32 $0x1, s31;
	[sflag:s10] =	ssyncset.done $0x0  }
0xa2: {  	p0 =	sne.s32 s31, s9;
	[sflag:s10] =	ssyncadd.s32 $0xFFFFF000  }
.Ltmp1:
0xa3: {  	[bflag:$0x0] =	sbarrier.arrive $0xFFFF;
	(pc) =	sbr.rel @p0 .LBB2_1-.Ltmp1, $4  }
0xa4: {  	[hbm:s8], [sflag:s12] =	dma.local [spmem:s25], $0xA00  }
0xa5: {  	_ =	swait.ge [sflag:s10], $0xA00  }
0xa6: {  	[sflag:s10] =	ssyncset.done $0x0  }
0xa7: {  	[sflag:s10] =	ssyncadd.s32 $0xFFFFF600  }
0xa8: {  	_ =	sfence.sel $0x180000  }
0xa9: {  	[bflag:$0x0] =	sbarrier.arrive $0xFFFF  }
0xaa: {  	_ =	strace $0x9000004D  }
0xab: {  	s0 =	stileid.u32;
	[bflag:$0x2] =	sbarrier.arrive $0xFFFF  }
0xac: {  	p0 =	sne.s32 s0, $0x0;
	s0 =	rddreg [dreg:$0x2]  }
0xad: {  	s0 =	sadd.s32 @!p0 $0x100000, s0  }
0xae: {  	[sflag:s0] =	ssyncadd.tile.s32 @!p0 $0x1;
	_ =	shalt  }
.Lfunc_end2:
_tile_overlayer_lowered:
.L_overlay_start_2:
0xaf: {  	(tag) =	ssettag $0x2  }
0xb0: {  	s0 =	rddreg [dreg:$0x0];
	s2 =	stileid.u32  }
0xb1: {  	s1 =	rddreg [dreg:$0x1];
	p0 =	sne.s32 s2, $0x0  }
0xb2: {  	s3 =	rddreg [dreg:$0x2];
	[bflag:$0x3] =	sbarrier.arrive $0xFFFF;
	s2 =	simm.s32 @!p0 $0x1C05  }
0xb3: {  	[timem:s3], [sflag:s2] =	dma.local @!p0 [hbm:s0], s1  }
0xb4: {  	s0 =	simm.s32 @!p0 $0x5  }
0xb5: {  	_ =	swait.ge @!p0 [sflag:s0], s1  }
0xb6: {  	s1 =	ssub.s32 @!p0 $0x0, s1;
	[sflag:s0] =	ssyncset.done @!p0 $0x0  }
0xb7: {  	[sflag:s0] =	ssyncadd.s32 @!p0 s1  }
0xb8: {  	[bflag:$0x3] =	sbarrier.arrive $0xFFFF  }
0xb9: {  	_ =	shalt  }

</sc_bundles>
